<compile_context>
chip_gen: v7x
topology: tpu7x:2x2x1
jax: 0.10.2.dev20260603
libtpu: 0.0.44.dev20260713+nightly
codegen_flags: <defaults>
</compile_context>

<pallas_src>
import math

import jax
import jax.numpy as jnp
from jax import lax
from jax.experimental import pallas as pl
from jax.experimental.pallas import tpu as pltpu
from jax.experimental.pallas import tpu_sc as plsc

VOCAB = 1000000
EMB = 64
BATCH = 16384
NEG = 20
NJ = 1 + NEG
NR = 1 + NJ

W = 8192
H = W // 2
G = math.ceil(VOCAB / W)

NC = 2
NS = 16
NW = NC * NS
CB = 16
T_CHUNKS = BATCH // CB
CPW = T_CHUNKS // NW
IDX_STRIDE = 768
OUT_STRIDE = 512
NPD = NJ * CB
PW0 = NPD
NPK = NPD + CB
OFFD = NPK
OFFW = OFFD + NPD
NQ = EMB // 16


def _tc_idxprep_body(w_ref, dec_ref, o_ref):
    w = w_ref[...]
    dec = dec_ref[...]
    pdec = (dec >> 13) * H + (dec & (H - 1))
    pw = (w >> 13) * H + (w & (H - 1))
    odec = ((dec >> 12) & 1) << 6
    ow = ((w >> 12) & 1) << 6
    z = jnp.zeros((128, IDX_STRIDE - OFFW - CB), jnp.int32)
    o_ref[...] = jnp.concatenate([pdec, pw, odec, ow, z], axis=1)


def _tc_idxprep(word2d, dec2d):
    return pl.pallas_call(
        _tc_idxprep_body,
        grid=(8,),
        in_specs=[
            pl.BlockSpec((128, CB), lambda g: (g, 0)),
            pl.BlockSpec((128, NPD), lambda g: (g, 0)),
        ],
        out_specs=pl.BlockSpec((128, IDX_STRIDE), lambda g: (g, 0)),
        out_shape=jax.ShapeDtypeStruct((T_CHUNKS, IDX_STRIDE), jnp.int32),
    )(word2d, dec2d)


def _tc_pack_body(x_ref, o_ref):
    a = x_ref[:, :H].T
    b = x_ref[:, H:].T
    o_ref[...] = jnp.concatenate([a, b], axis=1)


def _tc_pack(xt):
    return pl.pallas_call(
        _tc_pack_body,
        grid=(G,),
        in_specs=[pl.BlockSpec((64, W), lambda g: (0, g))],
        out_specs=pl.BlockSpec((H, 128), lambda g: (g, 0)),
        out_shape=jax.ShapeDtypeStruct((G * H, 128), jnp.float32),
    )(xt)


def _sc_body(idx_hbm, enc_hbm, dec_hbm, out_hbm,
             idx_v0, idx_v1, rows_v0, rows_v1, out_v0, out_v1,
             gsem0, gsem1, osem0, osem1, isem0, isem1):
    wid = lax.axis_index("s") * NC + lax.axis_index("c")
    t0 = wid * CPW
    lane = lax.iota(jnp.int32, 16)

    idx_bufs = (idx_v0, idx_v1)
    rows_bufs = (rows_v0, rows_v1)
    out_bufs = (out_v0, out_v1)
    gsems = (gsem0, gsem1)
    osems = (osem0, osem1)
    isems = (isem0, isem1)

    def gather_copies(k):
        idx_v, rows_v, gsem = idx_bufs[k], rows_bufs[k], gsems[k]
        return [
            pltpu.make_async_copy(dec_hbm.at[idx_v.at[pl.ds(0, 128)]],
                                  rows_v.at[pl.ds(0, 128)], gsem),
            pltpu.make_async_copy(dec_hbm.at[idx_v.at[pl.ds(128, 128)]],
                                  rows_v.at[pl.ds(128, 128)], gsem),
            pltpu.make_async_copy(dec_hbm.at[idx_v.at[pl.ds(256, NPD - 256)]],
                                  rows_v.at[pl.ds(256, NPD - 256)], gsem),
            pltpu.make_async_copy(enc_hbm.at[idx_v.at[pl.ds(PW0, CB)]],
                                  rows_v.at[pl.ds(PW0, CB)], gsem),
        ]

    def idx_copy(t, k):
        return pltpu.make_async_copy(
            idx_hbm.at[pl.ds(t * IDX_STRIDE, IDX_STRIDE)], idx_bufs[k],
            isems[k])

    def compute(k):
        idx_v, rows_v, out_v = idx_bufs[k], rows_bufs[k], out_bufs[k]

        def elem_body(e, _):
            offs1 = idx_v[pl.ds(OFFD + e * NJ, 16)]
            offs2 = idx_v[pl.ds(OFFD + e * NJ + 16, 16)]
            woff = idx_v[pl.ds(OFFW + e, 16)][0] & 64
            wrow = PW0 + e
            w = [rows_v[wrow, pl.ds(woff + q * 16, 16)] for q in range(NQ)]
            acc_lo = jnp.zeros((16,), jnp.float32)
            acc_hi = jnp.zeros((16,), jnp.float32)
            for j in range(NJ):
                joff = (offs1[j] if j < 16 else offs2[j - 16]) & 64
                row = e * NJ + j
                r0 = rows_v[row, pl.ds(joff, 16)] * w[0]
                r1 = rows_v[row, pl.ds(joff + 16, 16)] * w[1]
                r2 = rows_v[row, pl.ds(joff + 32, 16)] * w[2]
                r3 = rows_v[row, pl.ds(joff + 48, 16)] * w[3]
                s = jnp.sum((r0 + r1) + (r2 + r3))
                if j < 16:
                    acc_lo = jnp.where(lane == j, s, acc_lo)
                else:
                    acc_hi = jnp.where(lane == j - 16, s, acc_hi)
            pos0 = e * 32
            plsc.store_scatter(out_v, [pos0 + lane], acc_lo)
            plsc.store_scatter(out_v, [pos0 + 16 + lane], acc_hi,
                               mask=lane < NJ - 16)
            return ()

        lax.fori_loop(0, CB, elem_body, (), unroll=False)

    def out_copy(t, k):
        return pltpu.make_async_copy(
            out_bufs[k], out_hbm.at[pl.ds(t * OUT_STRIDE, OUT_STRIDE)],
            osems[k])

    idx_copy(t0, 0).start()
    idx_copy(t0, 0).wait()
    for cp in gather_copies(0):
        cp.start()
    idx_copy(t0 + 1, 1).start()

    def outer(c2, _):
        for b in range(2):
            c = c2 * 2 + b
            t = t0 + c
            for cp in gather_copies(b):
                cp.wait()

            @pl.when(c + 1 < CPW)
            def _():
                idx_copy(t + 1, 1 - b).wait()
                for cp in gather_copies(1 - b):
                    cp.start()

            @pl.when(c >= 2)
            def _():
                out_copy(t - 2, b).wait()

            compute(b)
            out_copy(t, b).start()

            @pl.when(c + 2 < CPW)
            def _():
                idx_copy(t + 2, b).start()
        return ()

    lax.fori_loop(0, CPW // 2, outer, (), unroll=False)
    out_copy(t0 + CPW - 2, 0).wait()
    out_copy(t0 + CPW - 1, 1).wait()


@jax.jit
def _run(word2d, dec2d, enc_t, dec_t):
    idx_flat = _tc_idxprep(word2d, dec2d).reshape(-1)
    enc_p = _tc_pack(enc_t)
    dec_p = _tc_pack(dec_t)
    mesh = plsc.VectorSubcoreMesh(
        core_axis_name="c", subcore_axis_name="s",
        num_cores=NC, num_subcores=NS)
    f = pl.kernel(
        _sc_body,
        out_type=jax.ShapeDtypeStruct((T_CHUNKS * OUT_STRIDE,), jnp.float32),
        mesh=mesh,
        scratch_types=[
            pltpu.VMEM((IDX_STRIDE,), jnp.int32),
            pltpu.VMEM((IDX_STRIDE,), jnp.int32),
            pltpu.VMEM((NPK, 128), jnp.float32),
            pltpu.VMEM((NPK, 128), jnp.float32),
            pltpu.VMEM((OUT_STRIDE,), jnp.float32),
            pltpu.VMEM((OUT_STRIDE,), jnp.float32),
            pltpu.SemaphoreType.DMA,
            pltpu.SemaphoreType.DMA,
            pltpu.SemaphoreType.DMA,
            pltpu.SemaphoreType.DMA,
            pltpu.SemaphoreType.DMA,
            pltpu.SemaphoreType.DMA,
        ],
        compiler_params=pltpu.CompilerParams(needs_layout_passes=False),
    )
    return f(idx_flat, enc_p, dec_p)


def kernel(input_tokens, ctx_tokens, neg_tokens, encoder_weight, decoder_weight):
    word2d = input_tokens.astype(jnp.int32).reshape(T_CHUNKS, CB)
    dec2d = jnp.concatenate(
        [ctx_tokens.astype(jnp.int32), neg_tokens.astype(jnp.int32)],
        axis=1).reshape(T_CHUNKS, NPD)
    out = _run(word2d, dec2d, encoder_weight.T, decoder_weight.T)
    out = out.reshape(T_CHUNKS, CB, 32)[:, :, :NJ].reshape(BATCH, NJ)
    pos = out[:, 0].reshape(BATCH, 1, 1)
    neg = out[:, 1:].reshape(BATCH, 1, NEG)
    return (pos, neg)

# --- scband reference (transcript-rebuilt; emitter-appended) ---
"""Pipeline reference for scband-word2-vec-model-80195629351532 (READ-ONLY COPY).

The authoritative reference and input builder live on the scoring server;
editing this copy changes nothing except your own understanding.
"""

import jax, jax.numpy as jnp
import numpy as np

VOCAB = 1000000
EMB = 64
BATCH = 16384
NEG = 20

def setup_inputs(seed: int = 0) -> dict:
    key = jax.random.key(seed)
    k1, k2, k3, k4, k5 = jax.random.split(key, 5)
    input_tokens = jax.random.randint(k1, (BATCH, 1), 0, VOCAB, dtype=jnp.int64) if jax.config.jax_enable_x64 else jax.random.randint(k1, (BATCH, 1), 0, VOCAB).astype(jnp.int32)
    ctx_tokens = jax.random.randint(k2, (BATCH, 1), 0, VOCAB).astype(input_tokens.dtype)
    neg_tokens = jax.random.randint(k3, (BATCH, NEG), 0, VOCAB).astype(input_tokens.dtype)
    encoder_weight = jax.random.normal(k4, (VOCAB, EMB), dtype=jnp.float32)
    decoder_weight = jax.random.normal(k5, (VOCAB, EMB), dtype=jnp.float32)
    return {
        "input_tokens": input_tokens,
        "ctx_tokens": ctx_tokens,
        "neg_tokens": neg_tokens,
        "encoder_weight": encoder_weight,
        "decoder_weight": decoder_weight,
    }

def reference(input_tokens, ctx_tokens, neg_tokens, encoder_weight, decoder_weight):
    # Embedding lookups (nn.Embedding -> table[idx])
    word_embs = jnp.take(encoder_weight, input_tokens, axis=0)   # [B, 1, D]
    ctx_embs = jnp.take(decoder_weight, ctx_tokens, axis=0)      # [B, 1, D]
    neg_embs = jnp.take(decoder_weight, neg_tokens, axis=0)      # [B, NEG, D]
    # torch.bmm(word_embs, ctx_embs.transpose(1, 2)) -> [B, 1, 1]
    pos_out = jnp.einsum('bid,bjd->bij', word_embs, ctx_embs)
    # torch.bmm(word_embs, neg_embs.transpose(1, 2)) -> [B, 1, NEG]
    neg_out = jnp.einsum('bid,bjd->bij', word_embs, neg_embs)
    return (pos_out, neg_out)

if __name__ == "__main__":
    import jax
    _d = setup_inputs()
    print(jax.jit(kernel)(*tuple(_d.values())))

</pallas_src>

<mosaic_0001>
#map = affine_map<(d0, d1) -> (0)>
#map1 = affine_map<(d0, d1) -> (0, 0)>
module attributes {stable_mosaic.version = 14 : i64} {
  func.func @_sc_body(%arg0: i32, %arg1: i32, %arg2: memref<786432xi32, #tpu.memory_space<hbm>>, %arg3: memref<503808x128xf32, #tpu.memory_space<hbm>>, %arg4: memref<503808x128xf32, #tpu.memory_space<hbm>>, %arg5: memref<524288xf32, #tpu.memory_space<hbm>>, %arg6: memref<768xi32, #tpu.memory_space<vmem>>, %arg7: memref<768xi32, #tpu.memory_space<vmem>>, %arg8: memref<352x128xf32, #tpu.memory_space<vmem>>, %arg9: memref<352x128xf32, #tpu.memory_space<vmem>>, %arg10: memref<512xf32, #tpu.memory_space<vmem>>, %arg11: memref<512xf32, #tpu.memory_space<vmem>>, %arg12: memref<!tpu.dma_semaphore, #tpu.memory_space<semaphore_mem>>, %arg13: memref<!tpu.dma_semaphore, #tpu.memory_space<semaphore_mem>>, %arg14: memref<!tpu.dma_semaphore, #tpu.memory_space<semaphore_mem>>, %arg15: memref<!tpu.dma_semaphore, #tpu.memory_space<semaphore_mem>>, %arg16: memref<!tpu.dma_semaphore, #tpu.memory_space<semaphore_mem>>, %arg17: memref<!tpu.dma_semaphore, #tpu.memory_space<semaphore_mem>>) attributes {dimension_semantics = [#tpu.dimension_semantics<core_parallel>, #tpu.dimension_semantics<subcore_parallel>], iteration_bounds = array<i64: 2, 16>, scalar_prefetch = 0 : i64, scratch_operands = 12 : i64, tpu.core_type = #tpu.core_type<sc_vector_subcore>, window_params = [{transform_indices = #map}, {transform_indices = #map1}, {transform_indices = #map1}, {transform_indices = #map}]} {
    %mul3A = arith.constant 2 : i32
    %mul3A_0 = arith.muli %arg1, %mul3A : i32
    %add3A = arith.addi %mul3A_0, %arg0 : i32
    %mul3A_1 = arith.constant 32 : i32
    %mul3A_2 = arith.muli %add3A, %mul3A_1 : i32
    %iota3A = tpu.iota {dimensions = array<i32: 0>} : vector<16xi32>
    %mul3A_3 = arith.constant 768 : i32
    %mul3A_4 = arith.muli %mul3A_2, %mul3A_3 : i32
    %dma_start3A = tpu.memref_slice %arg2[%mul3A_4] : memref<786432xi32, #tpu.memory_space<hbm>> -> memref<768xi32, #tpu.memory_space<hbm>>
    %dma_start3A_5 = tpu.memref_slice %arg2[%mul3A_4] : memref<786432xi32, #tpu.memory_space<hbm>> -> memref<768xi32, #tpu.memory_space<hbm>>
    tpu.enqueue_dma source(%dma_start3A_5 : memref<768xi32, #tpu.memory_space<hbm>>) target(%arg6 : memref<768xi32, #tpu.memory_space<vmem>>) target_semaphore(%arg16 : memref<!tpu.dma_semaphore, #tpu.memory_space<semaphore_mem>>)
    %mul3A_6 = arith.constant 768 : i32
    %mul3A_7 = arith.muli %mul3A_2, %mul3A_6 : i32
    %dma_wait3A = tpu.memref_slice %arg2[%mul3A_7] : memref<786432xi32, #tpu.memory_space<hbm>> -> memref<768xi32, #tpu.memory_space<hbm>>
    %dma_wait3A_8 = tpu.memref_slice %arg2[%mul3A_7] : memref<786432xi32, #tpu.memory_space<hbm>> -> memref<768xi32, #tpu.memory_space<hbm>>
    tpu.wait_dma2 semaphore(%arg16 : memref<!tpu.dma_semaphore, #tpu.memory_space<semaphore_mem>>) src(%dma_wait3A_8 : memref<768xi32, #tpu.memory_space<hbm>>) dst(%arg6 : memref<768xi32, #tpu.memory_space<vmem>>)
    %dma_start3A_9 = arith.constant 0 : i32
    %dma_start3A_10 = arith.constant 0 : i32
    %dma_start3A_11 = tpu.memref_slice %arg8[%dma_start3A_9, %dma_start3A_10] : memref<352x128xf32, #tpu.memory_space<vmem>> -> memref<128x128xf32, #tpu.memory_space<vmem>>
    %dma_start3A_12 = arith.constant 0 : i32
    %dma_start3A_13 = tpu.memref_slice %arg6[%dma_start3A_12] : memref<768xi32, #tpu.memory_space<vmem>> -> memref<128xi32, #tpu.memory_space<vmem>>
    %dma_start3A_14 = arith.constant 0 : i32
    %dma_start3A_15 = arith.constant 0 : i32
    %dma_start3A_16 = tpu.memref_slice %arg4[%dma_start3A_14, %dma_start3A_15] : memref<503808x128xf32, #tpu.memory_space<hbm>> -> memref<503808x128xf32, #tpu.memory_space<hbm>>
    tpu.enqueue_indirect_dma source(%dma_start3A_16 : memref<503808x128xf32, #tpu.memory_space<hbm>>) target(%dma_start3A_11 : memref<128x128xf32, #tpu.memory_space<vmem>>) offsets(%dma_start3A_13 : memref<128xi32, #tpu.memory_space<vmem>>) semaphore(%arg12 : memref<!tpu.dma_semaphore, #tpu.memory_space<semaphore_mem>>)
    %dma_start3A_17 = arith.constant 128 : i32
    %dma_start3A_18 = arith.constant 0 : i32
    %dma_start3A_19 = tpu.memref_slice %arg8[%dma_start3A_17, %dma_start3A_18] : memref<352x128xf32, #tpu.memory_space<vmem>> -> memref<128x128xf32, #tpu.memory_space<vmem>>
    %dma_start3A_20 = arith.constant 128 : i32
    %dma_start3A_21 = tpu.memref_slice %arg6[%dma_start3A_20] : memref<768xi32, #tpu.memory_space<vmem>> -> memref<128xi32, #tpu.memory_space<vmem>>
    %dma_start3A_22 = arith.constant 0 : i32
    %dma_start3A_23 = arith.constant 0 : i32
    %dma_start3A_24 = tpu.memref_slice %arg4[%dma_start3A_22, %dma_start3A_23] : memref<503808x128xf32, #tpu.memory_space<hbm>> -> memref<503808x128xf32, #tpu.memory_space<hbm>>
    tpu.enqueue_indirect_dma source(%dma_start3A_24 : memref<503808x128xf32, #tpu.memory_space<hbm>>) target(%dma_start3A_19 : memref<128x128xf32, #tpu.memory_space<vmem>>) offsets(%dma_start3A_21 : memref<128xi32, #tpu.memory_space<vmem>>) semaphore(%arg12 : memref<!tpu.dma_semaphore, #tpu.memory_space<semaphore_mem>>)
    %dma_start3A_25 = arith.constant 256 : i32
    %dma_start3A_26 = arith.constant 0 : i32
    %dma_start3A_27 = tpu.memref_slice %arg8[%dma_start3A_25, %dma_start3A_26] : memref<352x128xf32, #tpu.memory_space<vmem>> -> memref<80x128xf32, #tpu.memory_space<vmem>>
    %dma_start3A_28 = arith.constant 256 : i32
    %dma_start3A_29 = tpu.memref_slice %arg6[%dma_start3A_28] : memref<768xi32, #tpu.memory_space<vmem>> -> memref<80xi32, #tpu.memory_space<vmem>>
    %dma_start3A_30 = arith.constant 0 : i32
    %dma_start3A_31 = arith.constant 0 : i32
    %dma_start3A_32 = tpu.memref_slice %arg4[%dma_start3A_30, %dma_start3A_31] : memref<503808x128xf32, #tpu.memory_space<hbm>> -> memref<503808x128xf32, #tpu.memory_space<hbm>>
    tpu.enqueue_indirect_dma source(%dma_start3A_32 : memref<503808x128xf32, #tpu.memory_space<hbm>>) target(%dma_start3A_27 : memref<80x128xf32, #tpu.memory_space<vmem>>) offsets(%dma_start3A_29 : memref<80xi32, #tpu.memory_space<vmem>>) semaphore(%arg12 : memref<!tpu.dma_semaphore, #tpu.memory_space<semaphore_mem>>)
    %dma_start3A_33 = arith.constant 336 : i32
    %dma_start3A_34 = arith.constant 0 : i32
    %dma_start3A_35 = tpu.memref_slice %arg8[%dma_start3A_33, %dma_start3A_34] : memref<352x128xf32, #tpu.memory_space<vmem>> -> memref<16x128xf32, #tpu.memory_space<vmem>>
    %dma_start3A_36 = arith.constant 336 : i32
    %dma_start3A_37 = tpu.memref_slice %arg6[%dma_start3A_36] : memref<768xi32, #tpu.memory_space<vmem>> -> memref<16xi32, #tpu.memory_space<vmem>>
    %dma_start3A_38 = arith.constant 0 : i32
    %dma_start3A_39 = arith.constant 0 : i32
    %dma_start3A_40 = tpu.memref_slice %arg3[%dma_start3A_38, %dma_start3A_39] : memref<503808x128xf32, #tpu.memory_space<hbm>> -> memref<503808x128xf32, #tpu.memory_space<hbm>>
    tpu.enqueue_indirect_dma source(%dma_start3A_40 : memref<503808x128xf32, #tpu.memory_space<hbm>>) target(%dma_start3A_35 : memref<16x128xf32, #tpu.memory_space<vmem>>) offsets(%dma_start3A_37 : memref<16xi32, #tpu.memory_space<vmem>>) semaphore(%arg12 : memref<!tpu.dma_semaphore, #tpu.memory_space<semaphore_mem>>)
    %add3A_41 = arith.constant 1 : i32
    %add3A_42 = arith.addi %mul3A_2, %add3A_41 : i32
    %mul3A_43 = arith.constant 768 : i32
    %mul3A_44 = arith.muli %add3A_42, %mul3A_43 : i32
    %dma_start3A_45 = tpu.memref_slice %arg2[%mul3A_44] : memref<786432xi32, #tpu.memory_space<hbm>> -> memref<768xi32, #tpu.memory_space<hbm>>
    %dma_start3A_46 = tpu.memref_slice %arg2[%mul3A_44] : memref<786432xi32, #tpu.memory_space<hbm>> -> memref<768xi32, #tpu.memory_space<hbm>>
    tpu.enqueue_dma source(%dma_start3A_46 : memref<768xi32, #tpu.memory_space<hbm>>) target(%arg7 : memref<768xi32, #tpu.memory_space<vmem>>) target_semaphore(%arg17 : memref<!tpu.dma_semaphore, #tpu.memory_space<semaphore_mem>>)
    %scan3A = arith.constant 0 : i32
    %scan3A_47 = arith.constant 16 : i32
    %scan3A_48 = arith.addi %scan3A, %scan3A_47 : i32
    %scan3A_49 = arith.constant 1 : i32
    scf.for %scan3A_66 = %scan3A to %scan3A_48 step %scan3A_49  : i32 {
      %mul3A_67 = arith.constant 2 : i32
      %mul3A_68 = arith.muli %scan3A_66, %mul3A_67 : i32
      %add3A_69 = arith.constant 0 : i32
      %add3A_70 = arith.addi %mul3A_68, %add3A_69 : i32
      %add3A_71 = arith.addi %mul3A_2, %add3A_70 : i32
      %dma_wait3A_72 = arith.constant 0 : i32
      %dma_wait3A_73 = arith.constant 0 : i32
      %dma_wait3A_74 = tpu.memref_slice %arg8[%dma_wait3A_72, %dma_wait3A_73] : memref<352x128xf32, #tpu.memory_space<vmem>> -> memref<128x128xf32, #tpu.memory_space<vmem>>
      %dma_wait3A_75 = arith.constant 0 : i32
      %dma_wait3A_76 = tpu.memref_slice %arg6[%dma_wait3A_75] : memref<768xi32, #tpu.memory_space<vmem>> -> memref<128xi32, #tpu.memory_space<vmem>>
      %dma_wait3A_77 = arith.constant 0 : i32
      %dma_wait3A_78 = arith.constant 0 : i32
      %dma_wait3A_79 = tpu.memref_slice %arg4[%dma_wait3A_77, %dma_wait3A_78] : memref<503808x128xf32, #tpu.memory_space<hbm>> -> memref<503808x128xf32, #tpu.memory_space<hbm>>
      tpu.wait_indirect_dma semaphore(%arg12 : memref<!tpu.dma_semaphore, #tpu.memory_space<semaphore_mem>>) src(%dma_wait3A_79 : memref<503808x128xf32, #tpu.memory_space<hbm>>) dst(%dma_wait3A_74 : memref<128x128xf32, #tpu.memory_space<vmem>>)
      %dma_wait3A_80 = arith.constant 128 : i32
      %dma_wait3A_81 = arith.constant 0 : i32
      %dma_wait3A_82 = tpu.memref_slice %arg8[%dma_wait3A_80, %dma_wait3A_81] : memref<352x128xf32, #tpu.memory_space<vmem>> -> memref<128x128xf32, #tpu.memory_space<vmem>>
      %dma_wait3A_83 = arith.constant 128 : i32
      %dma_wait3A_84 = tpu.memref_slice %arg6[%dma_wait3A_83] : memref<768xi32, #tpu.memory_space<vmem>> -> memref<128xi32, #tpu.memory_space<vmem>>
      %dma_wait3A_85 = arith.constant 0 : i32
      %dma_wait3A_86 = arith.constant 0 : i32
      %dma_wait3A_87 = tpu.memref_slice %arg4[%dma_wait3A_85, %dma_wait3A_86] : memref<503808x128xf32, #tpu.memory_space<hbm>> -> memref<503808x128xf32, #tpu.memory_space<hbm>>
      tpu.wait_indirect_dma semaphore(%arg12 : memref<!tpu.dma_semaphore, #tpu.memory_space<semaphore_mem>>) src(%dma_wait3A_87 : memref<503808x128xf32, #tpu.memory_space<hbm>>) dst(%dma_wait3A_82 : memref<128x128xf32, #tpu.memory_space<vmem>>)
      %dma_wait3A_88 = arith.constant 256 : i32
      %dma_wait3A_89 = arith.constant 0 : i32
      %dma_wait3A_90 = tpu.memref_slice %arg8[%dma_wait3A_88, %dma_wait3A_89] : memref<352x128xf32, #tpu.memory_space<vmem>> -> memref<80x128xf32, #tpu.memory_space<vmem>>
      %dma_wait3A_91 = arith.constant 256 : i32
      %dma_wait3A_92 = tpu.memref_slice %arg6[%dma_wait3A_91] : memref<768xi32, #tpu.memory_space<vmem>> -> memref<80xi32, #tpu.memory_space<vmem>>
      %dma_wait3A_93 = arith.constant 0 : i32
      %dma_wait3A_94 = arith.constant 0 : i32
      %dma_wait3A_95 = tpu.memref_slice %arg4[%dma_wait3A_93, %dma_wait3A_94] : memref<503808x128xf32, #tpu.memory_space<hbm>> -> memref<503808x128xf32, #tpu.memory_space<hbm>>
      tpu.wait_indirect_dma semaphore(%arg12 : memref<!tpu.dma_semaphore, #tpu.memory_space<semaphore_mem>>) src(%dma_wait3A_95 : memref<503808x128xf32, #tpu.memory_space<hbm>>) dst(%dma_wait3A_90 : memref<80x128xf32, #tpu.memory_space<vmem>>)
      %dma_wait3A_96 = arith.constant 336 : i32
      %dma_wait3A_97 = arith.constant 0 : i32
      %dma_wait3A_98 = tpu.memref_slice %arg8[%dma_wait3A_96, %dma_wait3A_97] : memref<352x128xf32, #tpu.memory_space<vmem>> -> memref<16x128xf32, #tpu.memory_space<vmem>>
      %dma_wait3A_99 = arith.constant 336 : i32
      %dma_wait3A_100 = tpu.memref_slice %arg6[%dma_wait3A_99] : memref<768xi32, #tpu.memory_space<vmem>> -> memref<16xi32, #tpu.memory_space<vmem>>
      %dma_wait3A_101 = arith.constant 0 : i32
      %dma_wait3A_102 = arith.constant 0 : i32
      %dma_wait3A_103 = tpu.memref_slice %arg3[%dma_wait3A_101, %dma_wait3A_102] : memref<503808x128xf32, #tpu.memory_space<hbm>> -> memref<503808x128xf32, #tpu.memory_space<hbm>>
      tpu.wait_indirect_dma semaphore(%arg12 : memref<!tpu.dma_semaphore, #tpu.memory_space<semaphore_mem>>) src(%dma_wait3A_103 : memref<503808x128xf32, #tpu.memory_space<hbm>>) dst(%dma_wait3A_98 : memref<16x128xf32, #tpu.memory_space<vmem>>)
      %add3A_104 = arith.constant 1 : i32
      %add3A_105 = arith.addi %add3A_70, %add3A_104 : i32
      %lt3A = arith.constant 32 : i32
      %lt3A_106 = arith.cmpi slt, %add3A_105, %lt3A : i32
      %convert_element_type3A = arith.extui %lt3A_106 : i1 to i32
      %cond3A = arith.constant 0 : i32
      %cond3A_107 = arith.cmpi ne, %convert_element_type3A, %cond3A : i32
      scf.if %cond3A_107 {
        %add3A_193 = arith.constant 1 : i32
        %add3A_194 = arith.addi %add3A_71, %add3A_193 : i32
        %mul3A_195 = arith.constant 768 : i32
        %mul3A_196 = arith.muli %add3A_194, %mul3A_195 : i32
        %dma_wait3A_197 = tpu.memref_slice %arg2[%mul3A_196] : memref<786432xi32, #tpu.memory_space<hbm>> -> memref<768xi32, #tpu.memory_space<hbm>>
        %dma_wait3A_198 = tpu.memref_slice %arg2[%mul3A_196] : memref<786432xi32, #tpu.memory_space<hbm>> -> memref<768xi32, #tpu.memory_space<hbm>>
        tpu.wait_dma2 semaphore(%arg17 : memref<!tpu.dma_semaphore, #tpu.memory_space<semaphore_mem>>) src(%dma_wait3A_198 : memref<768xi32, #tpu.memory_space<hbm>>) dst(%arg7 : memref<768xi32, #tpu.memory_space<vmem>>)
        %dma_start3A_199 = arith.constant 0 : i32
        %dma_start3A_200 = arith.constant 0 : i32
        %dma_start3A_201 = tpu.memref_slice %arg9[%dma_start3A_199, %dma_start3A_200] : memref<352x128xf32, #tpu.memory_space<vmem>> -> memref<128x128xf32, #tpu.memory_space<vmem>>
        %dma_start3A_202 = arith.constant 0 : i32
        %dma_start3A_203 = tpu.memref_slice %arg7[%dma_start3A_202] : memref<768xi32, #tpu.memory_space<vmem>> -> memref<128xi32, #tpu.memory_space<vmem>>
        %dma_start3A_204 = arith.constant 0 : i32
        %dma_start3A_205 = arith.constant 0 : i32
        %dma_start3A_206 = tpu.memref_slice %arg4[%dma_start3A_204, %dma_start3A_205] : memref<503808x128xf32, #tpu.memory_space<hbm>> -> memref<503808x128xf32, #tpu.memory_space<hbm>>
        tpu.enqueue_indirect_dma source(%dma_start3A_206 : memref<503808x128xf32, #tpu.memory_space<hbm>>) target(%dma_start3A_201 : memref<128x128xf32, #tpu.memory_space<vmem>>) offsets(%dma_start3A_203 : memref<128xi32, #tpu.memory_space<vmem>>) semaphore(%arg13 : memref<!tpu.dma_semaphore, #tpu.memory_space<semaphore_mem>>)
        %dma_start3A_207 = arith.constant 128 : i32
        %dma_start3A_208 = arith.constant 0 : i32
        %dma_start3A_209 = tpu.memref_slice %arg9[%dma_start3A_207, %dma_start3A_208] : memref<352x128xf32, #tpu.memory_space<vmem>> -> memref<128x128xf32, #tpu.memory_space<vmem>>
        %dma_start3A_210 = arith.constant 128 : i32
        %dma_start3A_211 = tpu.memref_slice %arg7[%dma_start3A_210] : memref<768xi32, #tpu.memory_space<vmem>> -> memref<128xi32, #tpu.memory_space<vmem>>
        %dma_start3A_212 = arith.constant 0 : i32
        %dma_start3A_213 = arith.constant 0 : i32
        %dma_start3A_214 = tpu.memref_slice %arg4[%dma_start3A_212, %dma_start3A_213] : memref<503808x128xf32, #tpu.memory_space<hbm>> -> memref<503808x128xf32, #tpu.memory_space<hbm>>
        tpu.enqueue_indirect_dma source(%dma_start3A_214 : memref<503808x128xf32, #tpu.memory_space<hbm>>) target(%dma_start3A_209 : memref<128x128xf32, #tpu.memory_space<vmem>>) offsets(%dma_start3A_211 : memref<128xi32, #tpu.memory_space<vmem>>) semaphore(%arg13 : memref<!tpu.dma_semaphore, #tpu.memory_space<semaphore_mem>>)
        %dma_start3A_215 = arith.constant 256 : i32
        %dma_start3A_216 = arith.constant 0 : i32
        %dma_start3A_217 = tpu.memref_slice %arg9[%dma_start3A_215, %dma_start3A_216] : memref<352x128xf32, #tpu.memory_space<vmem>> -> memref<80x128xf32, #tpu.memory_space<vmem>>
        %dma_start3A_218 = arith.constant 256 : i32
        %dma_start3A_219 = tpu.memref_slice %arg7[%dma_start3A_218] : memref<768xi32, #tpu.memory_space<vmem>> -> memref<80xi32, #tpu.memory_space<vmem>>
        %dma_start3A_220 = arith.constant 0 : i32
        %dma_start3A_221 = arith.constant 0 : i32
        %dma_start3A_222 = tpu.memref_slice %arg4[%dma_start3A_220, %dma_start3A_221] : memref<503808x128xf32, #tpu.memory_space<hbm>> -> memref<503808x128xf32, #tpu.memory_space<hbm>>
        tpu.enqueue_indirect_dma source(%dma_start3A_222 : memref<503808x128xf32, #tpu.memory_space<hbm>>) target(%dma_start3A_217 : memref<80x128xf32, #tpu.memory_space<vmem>>) offsets(%dma_start3A_219 : memref<80xi32, #tpu.memory_space<vmem>>) semaphore(%arg13 : memref<!tpu.dma_semaphore, #tpu.memory_space<semaphore_mem>>)
        %dma_start3A_223 = arith.constant 336 : i32
        %dma_start3A_224 = arith.constant 0 : i32
        %dma_start3A_225 = tpu.memref_slice %arg9[%dma_start3A_223, %dma_start3A_224] : memref<352x128xf32, #tpu.memory_space<vmem>> -> memref<16x128xf32, #tpu.memory_space<vmem>>
        %dma_start3A_226 = arith.constant 336 : i32
        %dma_start3A_227 = tpu.memref_slice %arg7[%dma_start3A_226] : memref<768xi32, #tpu.memory_space<vmem>> -> memref<16xi32, #tpu.memory_space<vmem>>
        %dma_start3A_228 = arith.constant 0 : i32
        %dma_start3A_229 = arith.constant 0 : i32
        %dma_start3A_230 = tpu.memref_slice %arg3[%dma_start3A_228, %dma_start3A_229] : memref<503808x128xf32, #tpu.memory_space<hbm>> -> memref<503808x128xf32, #tpu.memory_space<hbm>>
        tpu.enqueue_indirect_dma source(%dma_start3A_230 : memref<503808x128xf32, #tpu.memory_space<hbm>>) target(%dma_start3A_225 : memref<16x128xf32, #tpu.memory_space<vmem>>) offsets(%dma_start3A_227 : memref<16xi32, #tpu.memory_space<vmem>>) semaphore(%arg13 : memref<!tpu.dma_semaphore, #tpu.memory_space<semaphore_mem>>)
      } else {
      }
      %ge3A = arith.constant 2 : i32
      %ge3A_108 = arith.cmpi sge, %add3A_70, %ge3A : i32
      %convert_element_type3A_109 = arith.extui %ge3A_108 : i1 to i32
      %cond3A_110 = arith.constant 0 : i32
      %cond3A_111 = arith.cmpi ne, %convert_element_type3A_109, %cond3A_110 : i32
      scf.if %cond3A_111 {
        %sub3A_193 = arith.constant 2 : i32
        %sub3A_194 = arith.subi %add3A_71, %sub3A_193 : i32
        %mul3A_195 = arith.constant 512 : i32
        %mul3A_196 = arith.muli %sub3A_194, %mul3A_195 : i32
        %dma_wait3A_197 = tpu.memref_slice %arg5[%mul3A_196] : memref<524288xf32, #tpu.memory_space<hbm>> -> memref<512xf32, #tpu.memory_space<hbm>>
        %dma_wait3A_198 = tpu.memref_slice %arg5[%mul3A_196] : memref<524288xf32, #tpu.memory_space<hbm>> -> memref<512xf32, #tpu.memory_space<hbm>>
        tpu.wait_dma2 semaphore(%arg14 : memref<!tpu.dma_semaphore, #tpu.memory_space<semaphore_mem>>) src(%arg10 : memref<512xf32, #tpu.memory_space<vmem>>) dst(%dma_wait3A_198 : memref<512xf32, #tpu.memory_space<hbm>>)
      } else {
      }
      %scan3A_112 = arith.constant 0 : i32
      %scan3A_113 = arith.constant 16 : i32
      %scan3A_114 = arith.addi %scan3A_112, %scan3A_113 : i32
      %scan3A_115 = arith.constant 1 : i32
      scf.for %scan3A_193 = %scan3A_112 to %scan3A_114 step %scan3A_115  : i32 {
        %mul3A_194 = arith.constant 21 : i32
        %mul3A_195 = arith.muli %scan3A_193, %mul3A_194 : i32
        %add3A_196 = arith.constant 352 : i32
        %add3A_197 = arith.addi %add3A_196, %mul3A_195 : i32
        %get3A = arith.index_cast %add3A_197 : i32 to index
        %get3A_198 = tpu.vector_load %arg6[%get3A] {strides = array<i32>} : memref<768xi32, #tpu.memory_space<vmem>>, vector<16xi32>,
        %mul3A_199 = arith.constant 21 : i32
        %mul3A_200 = arith.muli %scan3A_193, %mul3A_199 : i32
        %add3A_201 = arith.constant 352 : i32
        %add3A_202 = arith.addi %add3A_201, %mul3A_200 : i32
        %add3A_203 = arith.constant 16 : i32
        %add3A_204 = arith.addi %add3A_202, %add3A_203 : i32
        %get3A_205 = arith.index_cast %add3A_204 : i32 to index
        %get3A_206 = tpu.vector_load %arg6[%get3A_205] {strides = array<i32>} : memref<768xi32, #tpu.memory_space<vmem>>, vector<16xi32>,
        %add3A_207 = arith.constant 688 : i32
        %add3A_208 = arith.addi %add3A_207, %scan3A_193 : i32
        %get3A_209 = arith.index_cast %add3A_208 : i32 to index
        %get3A_210 = tpu.vector_load %arg6[%get3A_209] {strides = array<i32>} : memref<768xi32, #tpu.memory_space<vmem>>, vector<16xi32>,
        %slice3A = vector.extract_strided_slice %get3A_210 {offsets = [0], sizes = [1], strides = [1]} : vector<16xi32> to vector<1xi32>
        %squeeze3A = vector.extract %slice3A[0] : i32 from vector<1xi32>
        %and3A = arith.constant 64 : i32
        %and3A_211 = arith.andi %squeeze3A, %and3A : i32
        %add3A_212 = arith.constant 336 : i32
        %add3A_213 = arith.addi %add3A_212, %scan3A_193 : i32
        %add3A_214 = arith.constant 0 : i32
        %add3A_215 = arith.addi %and3A_211, %add3A_214 : i32
        %get3A_216 = arith.index_cast %add3A_213 : i32 to index
        %get3A_217 = arith.index_cast %add3A_215 : i32 to index
        %get3A_218 = tpu.vector_load %arg8[%get3A_216, %get3A_217] {strides = array<i32>} : memref<352x128xf32, #tpu.memory_space<vmem>>, vector<16xf32>,
        %add3A_219 = arith.constant 16 : i32
        %add3A_220 = arith.addi %and3A_211, %add3A_219 : i32
        %get3A_221 = arith.index_cast %add3A_213 : i32 to index
        %get3A_222 = arith.index_cast %add3A_220 : i32 to index
        %get3A_223 = tpu.vector_load %arg8[%get3A_221, %get3A_222] {strides = array<i32>} : memref<352x128xf32, #tpu.memory_space<vmem>>, vector<16xf32>,
        %add3A_224 = arith.constant 32 : i32
        %add3A_225 = arith.addi %and3A_211, %add3A_224 : i32
        %get3A_226 = arith.index_cast %add3A_213 : i32 to index
        %get3A_227 = arith.index_cast %add3A_225 : i32 to index
        %get3A_228 = tpu.vector_load %arg8[%get3A_226, %get3A_227] {strides = array<i32>} : memref<352x128xf32, #tpu.memory_space<vmem>>, vector<16xf32>,
        %add3A_229 = arith.constant 48 : i32
        %add3A_230 = arith.addi %and3A_211, %add3A_229 : i32
        %get3A_231 = arith.index_cast %add3A_213 : i32 to index
        %get3A_232 = arith.index_cast %add3A_230 : i32 to index
        %get3A_233 = tpu.vector_load %arg8[%get3A_231, %get3A_232] {strides = array<i32>} : memref<352x128xf32, #tpu.memory_space<vmem>>, vector<16xf32>,
        %broadcast_in_dim3A = arith.constant 0.000000e+00 : f32
        %broadcast_in_dim3A_234 = vector.broadcast %broadcast_in_dim3A : f32 to vector<16xf32>
        %broadcast_in_dim3A_235 = arith.constant 0.000000e+00 : f32
        %broadcast_in_dim3A_236 = vector.broadcast %broadcast_in_dim3A_235 : f32 to vector<16xf32>
        %slice3A_237 = vector.extract_strided_slice %get3A_198 {offsets = [0], sizes = [1], strides = [1]} : vector<16xi32> to vector<1xi32>
        %squeeze3A_238 = vector.extract %slice3A_237[0] : i32 from vector<1xi32>
        %and3A_239 = arith.constant 64 : i32
        %and3A_240 = arith.andi %squeeze3A_238, %and3A_239 : i32
        %mul3A_241 = arith.constant 21 : i32
        %mul3A_242 = arith.muli %scan3A_193, %mul3A_241 : i32
        %add3A_243 = arith.constant 0 : i32
        %add3A_244 = arith.addi %mul3A_242, %add3A_243 : i32
        %get3A_245 = arith.index_cast %add3A_244 : i32 to index
        %get3A_246 = arith.index_cast %and3A_240 : i32 to index
        %get3A_247 = tpu.vector_load %arg8[%get3A_245, %get3A_246] {strides = array<i32>} : memref<352x128xf32, #tpu.memory_space<vmem>>, vector<16xf32>,
        %mul3A_248 = arith.mulf %get3A_247, %get3A_218 : vector<16xf32>
        %add3A_249 = arith.constant 16 : i32
        %add3A_250 = arith.addi %and3A_240, %add3A_249 : i32
        %get3A_251 = arith.index_cast %add3A_244 : i32 to index
        %get3A_252 = arith.index_cast %add3A_250 : i32 to index
        %get3A_253 = tpu.vector_load %arg8[%get3A_251, %get3A_252] {strides = array<i32>} : memref<352x128xf32, #tpu.memory_space<vmem>>, vector<16xf32>,
        %mul3A_254 = arith.mulf %get3A_253, %get3A_223 : vector<16xf32>
        %add3A_255 = arith.constant 32 : i32
        %add3A_256 = arith.addi %and3A_240, %add3A_255 : i32
        %get3A_257 = arith.index_cast %add3A_244 : i32 to index
        %get3A_258 = arith.index_cast %add3A_256 : i32 to index
        %get3A_259 = tpu.vector_load %arg8[%get3A_257, %get3A_258] {strides = array<i32>} : memref<352x128xf32, #tpu.memory_space<vmem>>, vector<16xf32>,
        %mul3A_260 = arith.mulf %get3A_259, %get3A_228 : vector<16xf32>
        %add3A_261 = arith.constant 48 : i32
        %add3A_262 = arith.addi %and3A_240, %add3A_261 : i32
        %get3A_263 = arith.index_cast %add3A_244 : i32 to index
        %get3A_264 = arith.index_cast %add3A_262 : i32 to index
        %get3A_265 = tpu.vector_load %arg8[%get3A_263, %get3A_264] {strides = array<i32>} : memref<352x128xf32, #tpu.memory_space<vmem>>, vector<16xf32>,
        %mul3A_266 = arith.mulf %get3A_265, %get3A_233 : vector<16xf32>
        %add3A_267 = arith.addf %mul3A_248, %mul3A_254 : vector<16xf32>
        %add3A_268 = arith.addf %mul3A_260, %mul3A_266 : vector<16xf32>
        %add3A_269 = arith.addf %add3A_267, %add3A_268 : vector<16xf32>
        %reduce_sum3A = arith.constant true
        %reduce_sum3A_270 = vector.broadcast %reduce_sum3A : i1 to vector<16xi1>
        %reduce_sum3A_271 = tpu.scan <sum>, %add3A_269 masked %reduce_sum3A_270 : vector<16xf32>, vector<16xi1> -> vector<16xf32>
        %reduce_sum3A_272 = vector.extract %reduce_sum3A_271[15] : f32 from vector<16xf32>
        %eq3A = arith.constant 0 : i32
        %eq3A_273 = vector.broadcast %eq3A : i32 to vector<16xi32>
        %eq3A_274 = arith.cmpi eq, %iota3A, %eq3A_273 : vector<16xi32>
        %broadcast_in_dim3A_275 = vector.broadcast %reduce_sum3A_272 : f32 to vector<16xf32>
        %select_n3A = arith.select %eq3A_274, %broadcast_in_dim3A_275, %broadcast_in_dim3A_234 : vector<16xi1>, vector<16xf32>
        %slice3A_276 = vector.extract_strided_slice %get3A_198 {offsets = [1], sizes = [1], strides = [1]} : vector<16xi32> to vector<1xi32>
        %squeeze3A_277 = vector.extract %slice3A_276[0] : i32 from vector<1xi32>
        %and3A_278 = arith.constant 64 : i32
        %and3A_279 = arith.andi %squeeze3A_277, %and3A_278 : i32
        %mul3A_280 = arith.constant 21 : i32
        %mul3A_281 = arith.muli %scan3A_193, %mul3A_280 : i32
        %add3A_282 = arith.constant 1 : i32
        %add3A_283 = arith.addi %mul3A_281, %add3A_282 : i32
        %get3A_284 = arith.index_cast %add3A_283 : i32 to index
        %get3A_285 = arith.index_cast %and3A_279 : i32 to index
        %get3A_286 = tpu.vector_load %arg8[%get3A_284, %get3A_285] {strides = array<i32>} : memref<352x128xf32, #tpu.memory_space<vmem>>, vector<16xf32>,
        %mul3A_287 = arith.mulf %get3A_286, %get3A_218 : vector<16xf32>
        %add3A_288 = arith.constant 16 : i32
        %add3A_289 = arith.addi %and3A_279, %add3A_288 : i32
        %get3A_290 = arith.index_cast %add3A_283 : i32 to index
        %get3A_291 = arith.index_cast %add3A_289 : i32 to index
        %get3A_292 = tpu.vector_load %arg8[%get3A_290, %get3A_291] {strides = array<i32>} : memref<352x128xf32, #tpu.memory_space<vmem>>, vector<16xf32>,
        %mul3A_293 = arith.mulf %get3A_292, %get3A_223 : vector<16xf32>
        %add3A_294 = arith.constant 32 : i32
        %add3A_295 = arith.addi %and3A_279, %add3A_294 : i32
        %get3A_296 = arith.index_cast %add3A_283 : i32 to index
        %get3A_297 = arith.index_cast %add3A_295 : i32 to index
        %get3A_298 = tpu.vector_load %arg8[%get3A_296, %get3A_297] {strides = array<i32>} : memref<352x128xf32, #tpu.memory_space<vmem>>, vector<16xf32>,
        %mul3A_299 = arith.mulf %get3A_298, %get3A_228 : vector<16xf32>
        %add3A_300 = arith.constant 48 : i32
        %add3A_301 = arith.addi %and3A_279, %add3A_300 : i32
        %get3A_302 = arith.index_cast %add3A_283 : i32 to index
        %get3A_303 = arith.index_cast %add3A_301 : i32 to index
        %get3A_304 = tpu.vector_load %arg8[%get3A_302, %get3A_303] {strides = array<i32>} : memref<352x128xf32, #tpu.memory_space<vmem>>, vector<16xf32>,
        %mul3A_305 = arith.mulf %get3A_304, %get3A_233 : vector<16xf32>
        %add3A_306 = arith.addf %mul3A_287, %mul3A_293 : vector<16xf32>
        %add3A_307 = arith.addf %mul3A_299, %mul3A_305 : vector<16xf32>
        %add3A_308 = arith.addf %add3A_306, %add3A_307 : vector<16xf32>
        %reduce_sum3A_309 = arith.constant true
        %reduce_sum3A_310 = vector.broadcast %reduce_sum3A_309 : i1 to vector<16xi1>
        %reduce_sum3A_311 = tpu.scan <sum>, %add3A_308 masked %reduce_sum3A_310 : vector<16xf32>, vector<16xi1> -> vector<16xf32>
        %reduce_sum3A_312 = vector.extract %reduce_sum3A_311[15] : f32 from vector<16xf32>
        %eq3A_313 = arith.constant 1 : i32
        %eq3A_314 = vector.broadcast %eq3A_313 : i32 to vector<16xi32>
        %eq3A_315 = arith.cmpi eq, %iota3A, %eq3A_314 : vector<16xi32>
        %broadcast_in_dim3A_316 = vector.broadcast %reduce_sum3A_312 : f32 to vector<16xf32>
        %select_n3A_317 = arith.select %eq3A_315, %broadcast_in_dim3A_316, %select_n3A : vector<16xi1>, vector<16xf32>
        %slice3A_318 = vector.extract_strided_slice %get3A_198 {offsets = [2], sizes = [1], strides = [1]} : vector<16xi32> to vector<1xi32>
        %squeeze3A_319 = vector.extract %slice3A_318[0] : i32 from vector<1xi32>
        %and3A_320 = arith.constant 64 : i32
        %and3A_321 = arith.andi %squeeze3A_319, %and3A_320 : i32
        %mul3A_322 = arith.constant 21 : i32
        %mul3A_323 = arith.muli %scan3A_193, %mul3A_322 : i32
        %add3A_324 = arith.constant 2 : i32
        %add3A_325 = arith.addi %mul3A_323, %add3A_324 : i32
        %get3A_326 = arith.index_cast %add3A_325 : i32 to index
        %get3A_327 = arith.index_cast %and3A_321 : i32 to index
        %get3A_328 = tpu.vector_load %arg8[%get3A_326, %get3A_327] {strides = array<i32>} : memref<352x128xf32, #tpu.memory_space<vmem>>, vector<16xf32>,
        %mul3A_329 = arith.mulf %get3A_328, %get3A_218 : vector<16xf32>
        %add3A_330 = arith.constant 16 : i32
        %add3A_331 = arith.addi %and3A_321, %add3A_330 : i32
        %get3A_332 = arith.index_cast %add3A_325 : i32 to index
        %get3A_333 = arith.index_cast %add3A_331 : i32 to index
        %get3A_334 = tpu.vector_load %arg8[%get3A_332, %get3A_333] {strides = array<i32>} : memref<352x128xf32, #tpu.memory_space<vmem>>, vector<16xf32>,
        %mul3A_335 = arith.mulf %get3A_334, %get3A_223 : vector<16xf32>
        %add3A_336 = arith.constant 32 : i32
        %add3A_337 = arith.addi %and3A_321, %add3A_336 : i32
        %get3A_338 = arith.index_cast %add3A_325 : i32 to index
        %get3A_339 = arith.index_cast %add3A_337 : i32 to index
        %get3A_340 = tpu.vector_load %arg8[%get3A_338, %get3A_339] {strides = array<i32>} : memref<352x128xf32, #tpu.memory_space<vmem>>, vector<16xf32>,
        %mul3A_341 = arith.mulf %get3A_340, %get3A_228 : vector<16xf32>
        %add3A_342 = arith.constant 48 : i32
        %add3A_343 = arith.addi %and3A_321, %add3A_342 : i32
        %get3A_344 = arith.index_cast %add3A_325 : i32 to index
        %get3A_345 = arith.index_cast %add3A_343 : i32 to index
        %get3A_346 = tpu.vector_load %arg8[%get3A_344, %get3A_345] {strides = array<i32>} : memref<352x128xf32, #tpu.memory_space<vmem>>, vector<16xf32>,
        %mul3A_347 = arith.mulf %get3A_346, %get3A_233 : vector<16xf32>
        %add3A_348 = arith.addf %mul3A_329, %mul3A_335 : vector<16xf32>
        %add3A_349 = arith.addf %mul3A_341, %mul3A_347 : vector<16xf32>
        %add3A_350 = arith.addf %add3A_348, %add3A_349 : vector<16xf32>
        %reduce_sum3A_351 = arith.constant true
        %reduce_sum3A_352 = vector.broadcast %reduce_sum3A_351 : i1 to vector<16xi1>
        %reduce_sum3A_353 = tpu.scan <sum>, %add3A_350 masked %reduce_sum3A_352 : vector<16xf32>, vector<16xi1> -> vector<16xf32>
        %reduce_sum3A_354 = vector.extract %reduce_sum3A_353[15] : f32 from vector<16xf32>
        %eq3A_355 = arith.constant 2 : i32
        %eq3A_356 = vector.broadcast %eq3A_355 : i32 to vector<16xi32>
        %eq3A_357 = arith.cmpi eq, %iota3A, %eq3A_356 : vector<16xi32>
        %broadcast_in_dim3A_358 = vector.broadcast %reduce_sum3A_354 : f32 to vector<16xf32>
        %select_n3A_359 = arith.select %eq3A_357, %broadcast_in_dim3A_358, %select_n3A_317 : vector<16xi1>, vector<16xf32>
        %slice3A_360 = vector.extract_strided_slice %get3A_198 {offsets = [3], sizes = [1], strides = [1]} : vector<16xi32> to vector<1xi32>
        %squeeze3A_361 = vector.extract %slice3A_360[0] : i32 from vector<1xi32>
        %and3A_362 = arith.constant 64 : i32
        %and3A_363 = arith.andi %squeeze3A_361, %and3A_362 : i32
        %mul3A_364 = arith.constant 21 : i32
        %mul3A_365 = arith.muli %scan3A_193, %mul3A_364 : i32
        %add3A_366 = arith.constant 3 : i32
        %add3A_367 = arith.addi %mul3A_365, %add3A_366 : i32
        %get3A_368 = arith.index_cast %add3A_367 : i32 to index
        %get3A_369 = arith.index_cast %and3A_363 : i32 to index
        %get3A_370 = tpu.vector_load %arg8[%get3A_368, %get3A_369] {strides = array<i32>} : memref<352x128xf32, #tpu.memory_space<vmem>>, vector<16xf32>,
        %mul3A_371 = arith.mulf %get3A_370, %get3A_218 : vector<16xf32>
        %add3A_372 = arith.constant 16 : i32
        %add3A_373 = arith.addi %and3A_363, %add3A_372 : i32
        %get3A_374 = arith.index_cast %add3A_367 : i32 to index
        %get3A_375 = arith.index_cast %add3A_373 : i32 to index
        %get3A_376 = tpu.vector_load %arg8[%get3A_374, %get3A_375] {strides = array<i32>} : memref<352x128xf32, #tpu.memory_space<vmem>>, vector<16xf32>,
        %mul3A_377 = arith.mulf %get3A_376, %get3A_223 : vector<16xf32>
        %add3A_378 = arith.constant 32 : i32
        %add3A_379 = arith.addi %and3A_363, %add3A_378 : i32
        %get3A_380 = arith.index_cast %add3A_367 : i32 to index
        %get3A_381 = arith.index_cast %add3A_379 : i32 to index
        %get3A_382 = tpu.vector_load %arg8[%get3A_380, %get3A_381] {strides = array<i32>} : memref<352x128xf32, #tpu.memory_space<vmem>>, vector<16xf32>,
        %mul3A_383 = arith.mulf %get3A_382, %get3A_228 : vector<16xf32>
        %add3A_384 = arith.constant 48 : i32
        %add3A_385 = arith.addi %and3A_363, %add3A_384 : i32
        %get3A_386 = arith.index_cast %add3A_367 : i32 to index
        %get3A_387 = arith.index_cast %add3A_385 : i32 to index
        %get3A_388 = tpu.vector_load %arg8[%get3A_386, %get3A_387] {strides = array<i32>} : memref<352x128xf32, #tpu.memory_space<vmem>>, vector<16xf32>,
        %mul3A_389 = arith.mulf %get3A_388, %get3A_233 : vector<16xf32>
        %add3A_390 = arith.addf %mul3A_371, %mul3A_377 : vector<16xf32>
        %add3A_391 = arith.addf %mul3A_383, %mul3A_389 : vector<16xf32>
        %add3A_392 = arith.addf %add3A_390, %add3A_391 : vector<16xf32>
        %reduce_sum3A_393 = arith.constant true
        %reduce_sum3A_394 = vector.broadcast %reduce_sum3A_393 : i1 to vector<16xi1>
        %reduce_sum3A_395 = tpu.scan <sum>, %add3A_392 masked %reduce_sum3A_394 : vector<16xf32>, vector<16xi1> -> vector<16xf32>
        %reduce_sum3A_396 = vector.extract %reduce_sum3A_395[15] : f32 from vector<16xf32>
        %eq3A_397 = arith.constant 3 : i32
        %eq3A_398 = vector.broadcast %eq3A_397 : i32 to vector<16xi32>
        %eq3A_399 = arith.cmpi eq, %iota3A, %eq3A_398 : vector<16xi32>
        %broadcast_in_dim3A_400 = vector.broadcast %reduce_sum3A_396 : f32 to vector<16xf32>
        %select_n3A_401 = arith.select %eq3A_399, %broadcast_in_dim3A_400, %select_n3A_359 : vector<16xi1>, vector<16xf32>
        %slice3A_402 = vector.extract_strided_slice %get3A_198 {offsets = [4], sizes = [1], strides = [1]} : vector<16xi32> to vector<1xi32>
        %squeeze3A_403 = vector.extract %slice3A_402[0] : i32 from vector<1xi32>
        %and3A_404 = arith.constant 64 : i32
        %and3A_405 = arith.andi %squeeze3A_403, %and3A_404 : i32
        %mul3A_406 = arith.constant 21 : i32
        %mul3A_407 = arith.muli %scan3A_193, %mul3A_406 : i32
        %add3A_408 = arith.constant 4 : i32
        %add3A_409 = arith.addi %mul3A_407, %add3A_408 : i32
        %get3A_410 = arith.index_cast %add3A_409 : i32 to index
        %get3A_411 = arith.index_cast %and3A_405 : i32 to index
        %get3A_412 = tpu.vector_load %arg8[%get3A_410, %get3A_411] {strides = array<i32>} : memref<352x128xf32, #tpu.memory_space<vmem>>, vector<16xf32>,
        %mul3A_413 = arith.mulf %get3A_412, %get3A_218 : vector<16xf32>
        %add3A_414 = arith.constant 16 : i32
        %add3A_415 = arith.addi %and3A_405, %add3A_414 : i32
        %get3A_416 = arith.index_cast %add3A_409 : i32 to index
        %get3A_417 = arith.index_cast %add3A_415 : i32 to index
        %get3A_418 = tpu.vector_load %arg8[%get3A_416, %get3A_417] {strides = array<i32>} : memref<352x128xf32, #tpu.memory_space<vmem>>, vector<16xf32>,
        %mul3A_419 = arith.mulf %get3A_418, %get3A_223 : vector<16xf32>
        %add3A_420 = arith.constant 32 : i32
        %add3A_421 = arith.addi %and3A_405, %add3A_420 : i32
        %get3A_422 = arith.index_cast %add3A_409 : i32 to index
        %get3A_423 = arith.index_cast %add3A_421 : i32 to index
        %get3A_424 = tpu.vector_load %arg8[%get3A_422, %get3A_423] {strides = array<i32>} : memref<352x128xf32, #tpu.memory_space<vmem>>, vector<16xf32>,
        %mul3A_425 = arith.mulf %get3A_424, %get3A_228 : vector<16xf32>
        %add3A_426 = arith.constant 48 : i32
        %add3A_427 = arith.addi %and3A_405, %add3A_426 : i32
        %get3A_428 = arith.index_cast %add3A_409 : i32 to index
        %get3A_429 = arith.index_cast %add3A_427 : i32 to index
        %get3A_430 = tpu.vector_load %arg8[%get3A_428, %get3A_429] {strides = array<i32>} : memref<352x128xf32, #tpu.memory_space<vmem>>, vector<16xf32>,
        %mul3A_431 = arith.mulf %get3A_430, %get3A_233 : vector<16xf32>
        %add3A_432 = arith.addf %mul3A_413, %mul3A_419 : vector<16xf32>
        %add3A_433 = arith.addf %mul3A_425, %mul3A_431 : vector<16xf32>
        %add3A_434 = arith.addf %add3A_432, %add3A_433 : vector<16xf32>
        %reduce_sum3A_435 = arith.constant true
        %reduce_sum3A_436 = vector.broadcast %reduce_sum3A_435 : i1 to vector<16xi1>
        %reduce_sum3A_437 = tpu.scan <sum>, %add3A_434 masked %reduce_sum3A_436 : vector<16xf32>, vector<16xi1> -> vector<16xf32>
        %reduce_sum3A_438 = vector.extract %reduce_sum3A_437[15] : f32 from vector<16xf32>
        %eq3A_439 = arith.constant 4 : i32
        %eq3A_440 = vector.broadcast %eq3A_439 : i32 to vector<16xi32>
        %eq3A_441 = arith.cmpi eq, %iota3A, %eq3A_440 : vector<16xi32>
        %broadcast_in_dim3A_442 = vector.broadcast %reduce_sum3A_438 : f32 to vector<16xf32>
        %select_n3A_443 = arith.select %eq3A_441, %broadcast_in_dim3A_442, %select_n3A_401 : vector<16xi1>, vector<16xf32>
        %slice3A_444 = vector.extract_strided_slice %get3A_198 {offsets = [5], sizes = [1], strides = [1]} : vector<16xi32> to vector<1xi32>
        %squeeze3A_445 = vector.extract %slice3A_444[0] : i32 from vector<1xi32>
        %and3A_446 = arith.constant 64 : i32
        %and3A_447 = arith.andi %squeeze3A_445, %and3A_446 : i32
        %mul3A_448 = arith.constant 21 : i32
        %mul3A_449 = arith.muli %scan3A_193, %mul3A_448 : i32
        %add3A_450 = arith.constant 5 : i32
        %add3A_451 = arith.addi %mul3A_449, %add3A_450 : i32
        %get3A_452 = arith.index_cast %add3A_451 : i32 to index
        %get3A_453 = arith.index_cast %and3A_447 : i32 to index
        %get3A_454 = tpu.vector_load %arg8[%get3A_452, %get3A_453] {strides = array<i32>} : memref<352x128xf32, #tpu.memory_space<vmem>>, vector<16xf32>,
        %mul3A_455 = arith.mulf %get3A_454, %get3A_218 : vector<16xf32>
        %add3A_456 = arith.constant 16 : i32
        %add3A_457 = arith.addi %and3A_447, %add3A_456 : i32
        %get3A_458 = arith.index_cast %add3A_451 : i32 to index
        %get3A_459 = arith.index_cast %add3A_457 : i32 to index
        %get3A_460 = tpu.vector_load %arg8[%get3A_458, %get3A_459] {strides = array<i32>} : memref<352x128xf32, #tpu.memory_space<vmem>>, vector<16xf32>,
        %mul3A_461 = arith.mulf %get3A_460, %get3A_223 : vector<16xf32>
        %add3A_462 = arith.constant 32 : i32
        %add3A_463 = arith.addi %and3A_447, %add3A_462 : i32
        %get3A_464 = arith.index_cast %add3A_451 : i32 to index
        %get3A_465 = arith.index_cast %add3A_463 : i32 to index
        %get3A_466 = tpu.vector_load %arg8[%get3A_464, %get3A_465] {strides = array<i32>} : memref<352x128xf32, #tpu.memory_space<vmem>>, vector<16xf32>,
        %mul3A_467 = arith.mulf %get3A_466, %get3A_228 : vector<16xf32>
        %add3A_468 = arith.constant 48 : i32
        %add3A_469 = arith.addi %and3A_447, %add3A_468 : i32
        %get3A_470 = arith.index_cast %add3A_451 : i32 to index
        %get3A_471 = arith.index_cast %add3A_469 : i32 to index
        %get3A_472 = tpu.vector_load %arg8[%get3A_470, %get3A_471] {strides = array<i32>} : memref<352x128xf32, #tpu.memory_space<vmem>>, vector<16xf32>,
        %mul3A_473 = arith.mulf %get3A_472, %get3A_233 : vector<16xf32>
        %add3A_474 = arith.addf %mul3A_455, %mul3A_461 : vector<16xf32>
        %add3A_475 = arith.addf %mul3A_467, %mul3A_473 : vector<16xf32>
        %add3A_476 = arith.addf %add3A_474, %add3A_475 : vector<16xf32>
        %reduce_sum3A_477 = arith.constant true
        %reduce_sum3A_478 = vector.broadcast %reduce_sum3A_477 : i1 to vector<16xi1>
        %reduce_sum3A_479 = tpu.scan <sum>, %add3A_476 masked %reduce_sum3A_478 : vector<16xf32>, vector<16xi1> -> vector<16xf32>
        %reduce_sum3A_480 = vector.extract %reduce_sum3A_479[15] : f32 from vector<16xf32>
        %eq3A_481 = arith.constant 5 : i32
        %eq3A_482 = vector.broadcast %eq3A_481 : i32 to vector<16xi32>
        %eq3A_483 = arith.cmpi eq, %iota3A, %eq3A_482 : vector<16xi32>
        %broadcast_in_dim3A_484 = vector.broadcast %reduce_sum3A_480 : f32 to vector<16xf32>
        %select_n3A_485 = arith.select %eq3A_483, %broadcast_in_dim3A_484, %select_n3A_443 : vector<16xi1>, vector<16xf32>
        %slice3A_486 = vector.extract_strided_slice %get3A_198 {offsets = [6], sizes = [1], strides = [1]} : vector<16xi32> to vector<1xi32>
        %squeeze3A_487 = vector.extract %slice3A_486[0] : i32 from vector<1xi32>
        %and3A_488 = arith.constant 64 : i32
        %and3A_489 = arith.andi %squeeze3A_487, %and3A_488 : i32
        %mul3A_490 = arith.constant 21 : i32
        %mul3A_491 = arith.muli %scan3A_193, %mul3A_490 : i32
        %add3A_492 = arith.constant 6 : i32
        %add3A_493 = arith.addi %mul3A_491, %add3A_492 : i32
        %get3A_494 = arith.index_cast %add3A_493 : i32 to index
        %get3A_495 = arith.index_cast %and3A_489 : i32 to index
        %get3A_496 = tpu.vector_load %arg8[%get3A_494, %get3A_495] {strides = array<i32>} : memref<352x128xf32, #tpu.memory_space<vmem>>, vector<16xf32>,
        %mul3A_497 = arith.mulf %get3A_496, %get3A_218 : vector<16xf32>
        %add3A_498 = arith.constant 16 : i32
        %add3A_499 = arith.addi %and3A_489, %add3A_498 : i32
        %get3A_500 = arith.index_cast %add3A_493 : i32 to index
        %get3A_501 = arith.index_cast %add3A_499 : i32 to index
        %get3A_502 = tpu.vector_load %arg8[%get3A_500, %get3A_501] {strides = array<i32>} : memref<352x128xf32, #tpu.memory_space<vmem>>, vector<16xf32>,
        %mul3A_503 = arith.mulf %get3A_502, %get3A_223 : vector<16xf32>
        %add3A_504 = arith.constant 32 : i32
        %add3A_505 = arith.addi %and3A_489, %add3A_504 : i32
        %get3A_506 = arith.index_cast %add3A_493 : i32 to index
        %get3A_507 = arith.index_cast %add3A_505 : i32 to index
        %get3A_508 = tpu.vector_load %arg8[%get3A_506, %get3A_507] {strides = array<i32>} : memref<352x128xf32, #tpu.memory_space<vmem>>, vector<16xf32>,
        %mul3A_509 = arith.mulf %get3A_508, %get3A_228 : vector<16xf32>
        %add3A_510 = arith.constant 48 : i32
        %add3A_511 = arith.addi %and3A_489, %add3A_510 : i32
        %get3A_512 = arith.index_cast %add3A_493 : i32 to index
        %get3A_513 = arith.index_cast %add3A_511 : i32 to index
        %get3A_514 = tpu.vector_load %arg8[%get3A_512, %get3A_513] {strides = array<i32>} : memref<352x128xf32, #tpu.memory_space<vmem>>, vector<16xf32>,
        %mul3A_515 = arith.mulf %get3A_514, %get3A_233 : vector<16xf32>
        %add3A_516 = arith.addf %mul3A_497, %mul3A_503 : vector<16xf32>
        %add3A_517 = arith.addf %mul3A_509, %mul3A_515 : vector<16xf32>
        %add3A_518 = arith.addf %add3A_516, %add3A_517 : vector<16xf32>
        %reduce_sum3A_519 = arith.constant true
        %reduce_sum3A_520 = vector.broadcast %reduce_sum3A_519 : i1 to vector<16xi1>
        %reduce_sum3A_521 = tpu.scan <sum>, %add3A_518 masked %reduce_sum3A_520 : vector<16xf32>, vector<16xi1> -> vector<16xf32>
        %reduce_sum3A_522 = vector.extract %reduce_sum3A_521[15] : f32 from vector<16xf32>
        %eq3A_523 = arith.constant 6 : i32
        %eq3A_524 = vector.broadcast %eq3A_523 : i32 to vector<16xi32>
        %eq3A_525 = arith.cmpi eq, %iota3A, %eq3A_524 : vector<16xi32>
        %broadcast_in_dim3A_526 = vector.broadcast %reduce_sum3A_522 : f32 to vector<16xf32>
        %select_n3A_527 = arith.select %eq3A_525, %broadcast_in_dim3A_526, %select_n3A_485 : vector<16xi1>, vector<16xf32>
        %slice3A_528 = vector.extract_strided_slice %get3A_198 {offsets = [7], sizes = [1], strides = [1]} : vector<16xi32> to vector<1xi32>
        %squeeze3A_529 = vector.extract %slice3A_528[0] : i32 from vector<1xi32>
        %and3A_530 = arith.constant 64 : i32
        %and3A_531 = arith.andi %squeeze3A_529, %and3A_530 : i32
        %mul3A_532 = arith.constant 21 : i32
        %mul3A_533 = arith.muli %scan3A_193, %mul3A_532 : i32
        %add3A_534 = arith.constant 7 : i32
        %add3A_535 = arith.addi %mul3A_533, %add3A_534 : i32
        %get3A_536 = arith.index_cast %add3A_535 : i32 to index
        %get3A_537 = arith.index_cast %and3A_531 : i32 to index
        %get3A_538 = tpu.vector_load %arg8[%get3A_536, %get3A_537] {strides = array<i32>} : memref<352x128xf32, #tpu.memory_space<vmem>>, vector<16xf32>,
        %mul3A_539 = arith.mulf %get3A_538, %get3A_218 : vector<16xf32>
        %add3A_540 = arith.constant 16 : i32
        %add3A_541 = arith.addi %and3A_531, %add3A_540 : i32
        %get3A_542 = arith.index_cast %add3A_535 : i32 to index
        %get3A_543 = arith.index_cast %add3A_541 : i32 to index
        %get3A_544 = tpu.vector_load %arg8[%get3A_542, %get3A_543] {strides = array<i32>} : memref<352x128xf32, #tpu.memory_space<vmem>>, vector<16xf32>,
        %mul3A_545 = arith.mulf %get3A_544, %get3A_223 : vector<16xf32>
        %add3A_546 = arith.constant 32 : i32
        %add3A_547 = arith.addi %and3A_531, %add3A_546 : i32
        %get3A_548 = arith.index_cast %add3A_535 : i32 to index
        %get3A_549 = arith.index_cast %add3A_547 : i32 to index
        %get3A_550 = tpu.vector_load %arg8[%get3A_548, %get3A_549] {strides = array<i32>} : memref<352x128xf32, #tpu.memory_space<vmem>>, vector<16xf32>,
        %mul3A_551 = arith.mulf %get3A_550, %get3A_228 : vector<16xf32>
        %add3A_552 = arith.constant 48 : i32
        %add3A_553 = arith.addi %and3A_531, %add3A_552 : i32
        %get3A_554 = arith.index_cast %add3A_535 : i32 to index
        %get3A_555 = arith.index_cast %add3A_553 : i32 to index
        %get3A_556 = tpu.vector_load %arg8[%get3A_554, %get3A_555] {strides = array<i32>} : memref<352x128xf32, #tpu.memory_space<vmem>>, vector<16xf32>,
        %mul3A_557 = arith.mulf %get3A_556, %get3A_233 : vector<16xf32>
        %add3A_558 = arith.addf %mul3A_539, %mul3A_545 : vector<16xf32>
        %add3A_559 = arith.addf %mul3A_551, %mul3A_557 : vector<16xf32>
        %add3A_560 = arith.addf %add3A_558, %add3A_559 : vector<16xf32>
        %reduce_sum3A_561 = arith.constant true
        %reduce_sum3A_562 = vector.broadcast %reduce_sum3A_561 : i1 to vector<16xi1>
        %reduce_sum3A_563 = tpu.scan <sum>, %add3A_560 masked %reduce_sum3A_562 : vector<16xf32>, vector<16xi1> -> vector<16xf32>
        %reduce_sum3A_564 = vector.extract %reduce_sum3A_563[15] : f32 from vector<16xf32>
        %eq3A_565 = arith.constant 7 : i32
        %eq3A_566 = vector.broadcast %eq3A_565 : i32 to vector<16xi32>
        %eq3A_567 = arith.cmpi eq, %iota3A, %eq3A_566 : vector<16xi32>
        %broadcast_in_dim3A_568 = vector.broadcast %reduce_sum3A_564 : f32 to vector<16xf32>
        %select_n3A_569 = arith.select %eq3A_567, %broadcast_in_dim3A_568, %select_n3A_527 : vector<16xi1>, vector<16xf32>
        %slice3A_570 = vector.extract_strided_slice %get3A_198 {offsets = [8], sizes = [1], strides = [1]} : vector<16xi32> to vector<1xi32>
        %squeeze3A_571 = vector.extract %slice3A_570[0] : i32 from vector<1xi32>
        %and3A_572 = arith.constant 64 : i32
        %and3A_573 = arith.andi %squeeze3A_571, %and3A_572 : i32
        %mul3A_574 = arith.constant 21 : i32
        %mul3A_575 = arith.muli %scan3A_193, %mul3A_574 : i32
        %add3A_576 = arith.constant 8 : i32
        %add3A_577 = arith.addi %mul3A_575, %add3A_576 : i32
        %get3A_578 = arith.index_cast %add3A_577 : i32 to index
        %get3A_579 = arith.index_cast %and3A_573 : i32 to index
        %get3A_580 = tpu.vector_load %arg8[%get3A_578, %get3A_579] {strides = array<i32>} : memref<352x128xf32, #tpu.memory_space<vmem>>, vector<16xf32>,
        %mul3A_581 = arith.mulf %get3A_580, %get3A_218 : vector<16xf32>
        %add3A_582 = arith.constant 16 : i32
        %add3A_583 = arith.addi %and3A_573, %add3A_582 : i32
        %get3A_584 = arith.index_cast %add3A_577 : i32 to index
        %get3A_585 = arith.index_cast %add3A_583 : i32 to index
        %get3A_586 = tpu.vector_load %arg8[%get3A_584, %get3A_585] {strides = array<i32>} : memref<352x128xf32, #tpu.memory_space<vmem>>, vector<16xf32>,
        %mul3A_587 = arith.mulf %get3A_586, %get3A_223 : vector<16xf32>
        %add3A_588 = arith.constant 32 : i32
        %add3A_589 = arith.addi %and3A_573, %add3A_588 : i32
        %get3A_590 = arith.index_cast %add3A_577 : i32 to index
        %get3A_591 = arith.index_cast %add3A_589 : i32 to index
        %get3A_592 = tpu.vector_load %arg8[%get3A_590, %get3A_591] {strides = array<i32>} : memref<352x128xf32, #tpu.memory_space<vmem>>, vector<16xf32>,
        %mul3A_593 = arith.mulf %get3A_592, %get3A_228 : vector<16xf32>
        %add3A_594 = arith.constant 48 : i32
        %add3A_595 = arith.addi %and3A_573, %add3A_594 : i32
        %get3A_596 = arith.index_cast %add3A_577 : i32 to index
        %get3A_597 = arith.index_cast %add3A_595 : i32 to index
        %get3A_598 = tpu.vector_load %arg8[%get3A_596, %get3A_597] {strides = array<i32>} : memref<352x128xf32, #tpu.memory_space<vmem>>, vector<16xf32>,
        %mul3A_599 = arith.mulf %get3A_598, %get3A_233 : vector<16xf32>
        %add3A_600 = arith.addf %mul3A_581, %mul3A_587 : vector<16xf32>
        %add3A_601 = arith.addf %mul3A_593, %mul3A_599 : vector<16xf32>
        %add3A_602 = arith.addf %add3A_600, %add3A_601 : vector<16xf32>
        %reduce_sum3A_603 = arith.constant true
        %reduce_sum3A_604 = vector.broadcast %reduce_sum3A_603 : i1 to vector<16xi1>
        %reduce_sum3A_605 = tpu.scan <sum>, %add3A_602 masked %reduce_sum3A_604 : vector<16xf32>, vector<16xi1> -> vector<16xf32>
        %reduce_sum3A_606 = vector.extract %reduce_sum3A_605[15] : f32 from vector<16xf32>
        %eq3A_607 = arith.constant 8 : i32
        %eq3A_608 = vector.broadcast %eq3A_607 : i32 to vector<16xi32>
        %eq3A_609 = arith.cmpi eq, %iota3A, %eq3A_608 : vector<16xi32>
        %broadcast_in_dim3A_610 = vector.broadcast %reduce_sum3A_606 : f32 to vector<16xf32>
        %select_n3A_611 = arith.select %eq3A_609, %broadcast_in_dim3A_610, %select_n3A_569 : vector<16xi1>, vector<16xf32>
        %slice3A_612 = vector.extract_strided_slice %get3A_198 {offsets = [9], sizes = [1], strides = [1]} : vector<16xi32> to vector<1xi32>
        %squeeze3A_613 = vector.extract %slice3A_612[0] : i32 from vector<1xi32>
        %and3A_614 = arith.constant 64 : i32
        %and3A_615 = arith.andi %squeeze3A_613, %and3A_614 : i32
        %mul3A_616 = arith.constant 21 : i32
        %mul3A_617 = arith.muli %scan3A_193, %mul3A_616 : i32
        %add3A_618 = arith.constant 9 : i32
        %add3A_619 = arith.addi %mul3A_617, %add3A_618 : i32
        %get3A_620 = arith.index_cast %add3A_619 : i32 to index
        %get3A_621 = arith.index_cast %and3A_615 : i32 to index
        %get3A_622 = tpu.vector_load %arg8[%get3A_620, %get3A_621] {strides = array<i32>} : memref<352x128xf32, #tpu.memory_space<vmem>>, vector<16xf32>,
        %mul3A_623 = arith.mulf %get3A_622, %get3A_218 : vector<16xf32>
        %add3A_624 = arith.constant 16 : i32
        %add3A_625 = arith.addi %and3A_615, %add3A_624 : i32
        %get3A_626 = arith.index_cast %add3A_619 : i32 to index
        %get3A_627 = arith.index_cast %add3A_625 : i32 to index
        %get3A_628 = tpu.vector_load %arg8[%get3A_626, %get3A_627] {strides = array<i32>} : memref<352x128xf32, #tpu.memory_space<vmem>>, vector<16xf32>,
        %mul3A_629 = arith.mulf %get3A_628, %get3A_223 : vector<16xf32>
        %add3A_630 = arith.constant 32 : i32
        %add3A_631 = arith.addi %and3A_615, %add3A_630 : i32
        %get3A_632 = arith.index_cast %add3A_619 : i32 to index
        %get3A_633 = arith.index_cast %add3A_631 : i32 to index
        %get3A_634 = tpu.vector_load %arg8[%get3A_632, %get3A_633] {strides = array<i32>} : memref<352x128xf32, #tpu.memory_space<vmem>>, vector<16xf32>,
        %mul3A_635 = arith.mulf %get3A_634, %get3A_228 : vector<16xf32>
        %add3A_636 = arith.constant 48 : i32
        %add3A_637 = arith.addi %and3A_615, %add3A_636 : i32
        %get3A_638 = arith.index_cast %add3A_619 : i32 to index
        %get3A_639 = arith.index_cast %add3A_637 : i32 to index
        %get3A_640 = tpu.vector_load %arg8[%get3A_638, %get3A_639] {strides = array<i32>} : memref<352x128xf32, #tpu.memory_space<vmem>>, vector<16xf32>,
        %mul3A_641 = arith.mulf %get3A_640, %get3A_233 : vector<16xf32>
        %add3A_642 = arith.addf %mul3A_623, %mul3A_629 : vector<16xf32>
        %add3A_643 = arith.addf %mul3A_635, %mul3A_641 : vector<16xf32>
        %add3A_644 = arith.addf %add3A_642, %add3A_643 : vector<16xf32>
        %reduce_sum3A_645 = arith.constant true
        %reduce_sum3A_646 = vector.broadcast %reduce_sum3A_645 : i1 to vector<16xi1>
        %reduce_sum3A_647 = tpu.scan <sum>, %add3A_644 masked %reduce_sum3A_646 : vector<16xf32>, vector<16xi1> -> vector<16xf32>
        %reduce_sum3A_648 = vector.extract %reduce_sum3A_647[15] : f32 from vector<16xf32>
        %eq3A_649 = arith.constant 9 : i32
        %eq3A_650 = vector.broadcast %eq3A_649 : i32 to vector<16xi32>
        %eq3A_651 = arith.cmpi eq, %iota3A, %eq3A_650 : vector<16xi32>
        %broadcast_in_dim3A_652 = vector.broadcast %reduce_sum3A_648 : f32 to vector<16xf32>
        %select_n3A_653 = arith.select %eq3A_651, %broadcast_in_dim3A_652, %select_n3A_611 : vector<16xi1>, vector<16xf32>
        %slice3A_654 = vector.extract_strided_slice %get3A_198 {offsets = [10], sizes = [1], strides = [1]} : vector<16xi32> to vector<1xi32>
        %squeeze3A_655 = vector.extract %slice3A_654[0] : i32 from vector<1xi32>
        %and3A_656 = arith.constant 64 : i32
        %and3A_657 = arith.andi %squeeze3A_655, %and3A_656 : i32
        %mul3A_658 = arith.constant 21 : i32
        %mul3A_659 = arith.muli %scan3A_193, %mul3A_658 : i32
        %add3A_660 = arith.constant 10 : i32
        %add3A_661 = arith.addi %mul3A_659, %add3A_660 : i32
        %get3A_662 = arith.index_cast %add3A_661 : i32 to index
        %get3A_663 = arith.index_cast %and3A_657 : i32 to index
        %get3A_664 = tpu.vector_load %arg8[%get3A_662, %get3A_663] {strides = array<i32>} : memref<352x128xf32, #tpu.memory_space<vmem>>, vector<16xf32>,
        %mul3A_665 = arith.mulf %get3A_664, %get3A_218 : vector<16xf32>
        %add3A_666 = arith.constant 16 : i32
        %add3A_667 = arith.addi %and3A_657, %add3A_666 : i32
        %get3A_668 = arith.index_cast %add3A_661 : i32 to index
        %get3A_669 = arith.index_cast %add3A_667 : i32 to index
        %get3A_670 = tpu.vector_load %arg8[%get3A_668, %get3A_669] {strides = array<i32>} : memref<352x128xf32, #tpu.memory_space<vmem>>, vector<16xf32>,
        %mul3A_671 = arith.mulf %get3A_670, %get3A_223 : vector<16xf32>
        %add3A_672 = arith.constant 32 : i32
        %add3A_673 = arith.addi %and3A_657, %add3A_672 : i32
        %get3A_674 = arith.index_cast %add3A_661 : i32 to index
        %get3A_675 = arith.index_cast %add3A_673 : i32 to index
        %get3A_676 = tpu.vector_load %arg8[%get3A_674, %get3A_675] {strides = array<i32>} : memref<352x128xf32, #tpu.memory_space<vmem>>, vector<16xf32>,
        %mul3A_677 = arith.mulf %get3A_676, %get3A_228 : vector<16xf32>
        %add3A_678 = arith.constant 48 : i32
        %add3A_679 = arith.addi %and3A_657, %add3A_678 : i32
        %get3A_680 = arith.index_cast %add3A_661 : i32 to index
        %get3A_681 = arith.index_cast %add3A_679 : i32 to index
        %get3A_682 = tpu.vector_load %arg8[%get3A_680, %get3A_681] {strides = array<i32>} : memref<352x128xf32, #tpu.memory_space<vmem>>, vector<16xf32>,
        %mul3A_683 = arith.mulf %get3A_682, %get3A_233 : vector<16xf32>
        %add3A_684 = arith.addf %mul3A_665, %mul3A_671 : vector<16xf32>
        %add3A_685 = arith.addf %mul3A_677, %mul3A_683 : vector<16xf32>
        %add3A_686 = arith.addf %add3A_684, %add3A_685 : vector<16xf32>
        %reduce_sum3A_687 = arith.constant true
        %reduce_sum3A_688 = vector.broadcast %reduce_sum3A_687 : i1 to vector<16xi1>
        %reduce_sum3A_689 = tpu.scan <sum>, %add3A_686 masked %reduce_sum3A_688 : vector<16xf32>, vector<16xi1> -> vector<16xf32>
        %reduce_sum3A_690 = vector.extract %reduce_sum3A_689[15] : f32 from vector<16xf32>
        %eq3A_691 = arith.constant 10 : i32
        %eq3A_692 = vector.broadcast %eq3A_691 : i32 to vector<16xi32>
        %eq3A_693 = arith.cmpi eq, %iota3A, %eq3A_692 : vector<16xi32>
        %broadcast_in_dim3A_694 = vector.broadcast %reduce_sum3A_690 : f32 to vector<16xf32>
        %select_n3A_695 = arith.select %eq3A_693, %broadcast_in_dim3A_694, %select_n3A_653 : vector<16xi1>, vector<16xf32>
        %slice3A_696 = vector.extract_strided_slice %get3A_198 {offsets = [11], sizes = [1], strides = [1]} : vector<16xi32> to vector<1xi32>
        %squeeze3A_697 = vector.extract %slice3A_696[0] : i32 from vector<1xi32>
        %and3A_698 = arith.constant 64 : i32
        %and3A_699 = arith.andi %squeeze3A_697, %and3A_698 : i32
        %mul3A_700 = arith.constant 21 : i32
        %mul3A_701 = arith.muli %scan3A_193, %mul3A_700 : i32
        %add3A_702 = arith.constant 11 : i32
        %add3A_703 = arith.addi %mul3A_701, %add3A_702 : i32
        %get3A_704 = arith.index_cast %add3A_703 : i32 to index
        %get3A_705 = arith.index_cast %and3A_699 : i32 to index
        %get3A_706 = tpu.vector_load %arg8[%get3A_704, %get3A_705] {strides = array<i32>} : memref<352x128xf32, #tpu.memory_space<vmem>>, vector<16xf32>,
        %mul3A_707 = arith.mulf %get3A_706, %get3A_218 : vector<16xf32>
        %add3A_708 = arith.constant 16 : i32
        %add3A_709 = arith.addi %and3A_699, %add3A_708 : i32
        %get3A_710 = arith.index_cast %add3A_703 : i32 to index
        %get3A_711 = arith.index_cast %add3A_709 : i32 to index
        %get3A_712 = tpu.vector_load %arg8[%get3A_710, %get3A_711] {strides = array<i32>} : memref<352x128xf32, #tpu.memory_space<vmem>>, vector<16xf32>,
        %mul3A_713 = arith.mulf %get3A_712, %get3A_223 : vector<16xf32>
        %add3A_714 = arith.constant 32 : i32
        %add3A_715 = arith.addi %and3A_699, %add3A_714 : i32
        %get3A_716 = arith.index_cast %add3A_703 : i32 to index
        %get3A_717 = arith.index_cast %add3A_715 : i32 to index
        %get3A_718 = tpu.vector_load %arg8[%get3A_716, %get3A_717] {strides = array<i32>} : memref<352x128xf32, #tpu.memory_space<vmem>>, vector<16xf32>,
        %mul3A_719 = arith.mulf %get3A_718, %get3A_228 : vector<16xf32>
        %add3A_720 = arith.constant 48 : i32
        %add3A_721 = arith.addi %and3A_699, %add3A_720 : i32
        %get3A_722 = arith.index_cast %add3A_703 : i32 to index
        %get3A_723 = arith.index_cast %add3A_721 : i32 to index
        %get3A_724 = tpu.vector_load %arg8[%get3A_722, %get3A_723] {strides = array<i32>} : memref<352x128xf32, #tpu.memory_space<vmem>>, vector<16xf32>,
        %mul3A_725 = arith.mulf %get3A_724, %get3A_233 : vector<16xf32>
        %add3A_726 = arith.addf %mul3A_707, %mul3A_713 : vector<16xf32>
        %add3A_727 = arith.addf %mul3A_719, %mul3A_725 : vector<16xf32>
        %add3A_728 = arith.addf %add3A_726, %add3A_727 : vector<16xf32>
        %reduce_sum3A_729 = arith.constant true
        %reduce_sum3A_730 = vector.broadcast %reduce_sum3A_729 : i1 to vector<16xi1>
        %reduce_sum3A_731 = tpu.scan <sum>, %add3A_728 masked %reduce_sum3A_730 : vector<16xf32>, vector<16xi1> -> vector<16xf32>
        %reduce_sum3A_732 = vector.extract %reduce_sum3A_731[15] : f32 from vector<16xf32>
        %eq3A_733 = arith.constant 11 : i32
        %eq3A_734 = vector.broadcast %eq3A_733 : i32 to vector<16xi32>
        %eq3A_735 = arith.cmpi eq, %iota3A, %eq3A_734 : vector<16xi32>
        %broadcast_in_dim3A_736 = vector.broadcast %reduce_sum3A_732 : f32 to vector<16xf32>
        %select_n3A_737 = arith.select %eq3A_735, %broadcast_in_dim3A_736, %select_n3A_695 : vector<16xi1>, vector<16xf32>
        %slice3A_738 = vector.extract_strided_slice %get3A_198 {offsets = [12], sizes = [1], strides = [1]} : vector<16xi32> to vector<1xi32>
        %squeeze3A_739 = vector.extract %slice3A_738[0] : i32 from vector<1xi32>
        %and3A_740 = arith.constant 64 : i32
        %and3A_741 = arith.andi %squeeze3A_739, %and3A_740 : i32
        %mul3A_742 = arith.constant 21 : i32
        %mul3A_743 = arith.muli %scan3A_193, %mul3A_742 : i32
        %add3A_744 = arith.constant 12 : i32
        %add3A_745 = arith.addi %mul3A_743, %add3A_744 : i32
        %get3A_746 = arith.index_cast %add3A_745 : i32 to index
        %get3A_747 = arith.index_cast %and3A_741 : i32 to index
        %get3A_748 = tpu.vector_load %arg8[%get3A_746, %get3A_747] {strides = array<i32>} : memref<352x128xf32, #tpu.memory_space<vmem>>, vector<16xf32>,
        %mul3A_749 = arith.mulf %get3A_748, %get3A_218 : vector<16xf32>
        %add3A_750 = arith.constant 16 : i32
        %add3A_751 = arith.addi %and3A_741, %add3A_750 : i32
        %get3A_752 = arith.index_cast %add3A_745 : i32 to index
        %get3A_753 = arith.index_cast %add3A_751 : i32 to index
        %get3A_754 = tpu.vector_load %arg8[%get3A_752, %get3A_753] {strides = array<i32>} : memref<352x128xf32, #tpu.memory_space<vmem>>, vector<16xf32>,
        %mul3A_755 = arith.mulf %get3A_754, %get3A_223 : vector<16xf32>
        %add3A_756 = arith.constant 32 : i32
        %add3A_757 = arith.addi %and3A_741, %add3A_756 : i32
        %get3A_758 = arith.index_cast %add3A_745 : i32 to index
        %get3A_759 = arith.index_cast %add3A_757 : i32 to index
        %get3A_760 = tpu.vector_load %arg8[%get3A_758, %get3A_759] {strides = array<i32>} : memref<352x128xf32, #tpu.memory_space<vmem>>, vector<16xf32>,
        %mul3A_761 = arith.mulf %get3A_760, %get3A_228 : vector<16xf32>
        %add3A_762 = arith.constant 48 : i32
        %add3A_763 = arith.addi %and3A_741, %add3A_762 : i32
        %get3A_764 = arith.index_cast %add3A_745 : i32 to index
        %get3A_765 = arith.index_cast %add3A_763 : i32 to index
        %get3A_766 = tpu.vector_load %arg8[%get3A_764, %get3A_765] {strides = array<i32>} : memref<352x128xf32, #tpu.memory_space<vmem>>, vector<16xf32>,
        %mul3A_767 = arith.mulf %get3A_766, %get3A_233 : vector<16xf32>
        %add3A_768 = arith.addf %mul3A_749, %mul3A_755 : vector<16xf32>
        %add3A_769 = arith.addf %mul3A_761, %mul3A_767 : vector<16xf32>
        %add3A_770 = arith.addf %add3A_768, %add3A_769 : vector<16xf32>
        %reduce_sum3A_771 = arith.constant true
        %reduce_sum3A_772 = vector.broadcast %reduce_sum3A_771 : i1 to vector<16xi1>
        %reduce_sum3A_773 = tpu.scan <sum>, %add3A_770 masked %reduce_sum3A_772 : vector<16xf32>, vector<16xi1> -> vector<16xf32>
        %reduce_sum3A_774 = vector.extract %reduce_sum3A_773[15] : f32 from vector<16xf32>
        %eq3A_775 = arith.constant 12 : i32
        %eq3A_776 = vector.broadcast %eq3A_775 : i32 to vector<16xi32>
        %eq3A_777 = arith.cmpi eq, %iota3A, %eq3A_776 : vector<16xi32>
        %broadcast_in_dim3A_778 = vector.broadcast %reduce_sum3A_774 : f32 to vector<16xf32>
        %select_n3A_779 = arith.select %eq3A_777, %broadcast_in_dim3A_778, %select_n3A_737 : vector<16xi1>, vector<16xf32>
        %slice3A_780 = vector.extract_strided_slice %get3A_198 {offsets = [13], sizes = [1], strides = [1]} : vector<16xi32> to vector<1xi32>
        %squeeze3A_781 = vector.extract %slice3A_780[0] : i32 from vector<1xi32>
        %and3A_782 = arith.constant 64 : i32
        %and3A_783 = arith.andi %squeeze3A_781, %and3A_782 : i32
        %mul3A_784 = arith.constant 21 : i32
        %mul3A_785 = arith.muli %scan3A_193, %mul3A_784 : i32
        %add3A_786 = arith.constant 13 : i32
        %add3A_787 = arith.addi %mul3A_785, %add3A_786 : i32
        %get3A_788 = arith.index_cast %add3A_787 : i32 to index
        %get3A_789 = arith.index_cast %and3A_783 : i32 to index
        %get3A_790 = tpu.vector_load %arg8[%get3A_788, %get3A_789] {strides = array<i32>} : memref<352x128xf32, #tpu.memory_space<vmem>>, vector<16xf32>,
        %mul3A_791 = arith.mulf %get3A_790, %get3A_218 : vector<16xf32>
        %add3A_792 = arith.constant 16 : i32
        %add3A_793 = arith.addi %and3A_783, %add3A_792 : i32
        %get3A_794 = arith.index_cast %add3A_787 : i32 to index
        %get3A_795 = arith.index_cast %add3A_793 : i32 to index
        %get3A_796 = tpu.vector_load %arg8[%get3A_794, %get3A_795] {strides = array<i32>} : memref<352x128xf32, #tpu.memory_space<vmem>>, vector<16xf32>,
        %mul3A_797 = arith.mulf %get3A_796, %get3A_223 : vector<16xf32>
        %add3A_798 = arith.constant 32 : i32
        %add3A_799 = arith.addi %and3A_783, %add3A_798 : i32
        %get3A_800 = arith.index_cast %add3A_787 : i32 to index
        %get3A_801 = arith.index_cast %add3A_799 : i32 to index
        %get3A_802 = tpu.vector_load %arg8[%get3A_800, %get3A_801] {strides = array<i32>} : memref<352x128xf32, #tpu.memory_space<vmem>>, vector<16xf32>,
        %mul3A_803 = arith.mulf %get3A_802, %get3A_228 : vector<16xf32>
        %add3A_804 = arith.constant 48 : i32
        %add3A_805 = arith.addi %and3A_783, %add3A_804 : i32
        %get3A_806 = arith.index_cast %add3A_787 : i32 to index
        %get3A_807 = arith.index_cast %add3A_805 : i32 to index
        %get3A_808 = tpu.vector_load %arg8[%get3A_806, %get3A_807] {strides = array<i32>} : memref<352x128xf32, #tpu.memory_space<vmem>>, vector<16xf32>,
        %mul3A_809 = arith.mulf %get3A_808, %get3A_233 : vector<16xf32>
        %add3A_810 = arith.addf %mul3A_791, %mul3A_797 : vector<16xf32>
        %add3A_811 = arith.addf %mul3A_803, %mul3A_809 : vector<16xf32>
        %add3A_812 = arith.addf %add3A_810, %add3A_811 : vector<16xf32>
        %reduce_sum3A_813 = arith.constant true
        %reduce_sum3A_814 = vector.broadcast %reduce_sum3A_813 : i1 to vector<16xi1>
        %reduce_sum3A_815 = tpu.scan <sum>, %add3A_812 masked %reduce_sum3A_814 : vector<16xf32>, vector<16xi1> -> vector<16xf32>
        %reduce_sum3A_816 = vector.extract %reduce_sum3A_815[15] : f32 from vector<16xf32>
        %eq3A_817 = arith.constant 13 : i32
        %eq3A_818 = vector.broadcast %eq3A_817 : i32 to vector<16xi32>
        %eq3A_819 = arith.cmpi eq, %iota3A, %eq3A_818 : vector<16xi32>
        %broadcast_in_dim3A_820 = vector.broadcast %reduce_sum3A_816 : f32 to vector<16xf32>
        %select_n3A_821 = arith.select %eq3A_819, %broadcast_in_dim3A_820, %select_n3A_779 : vector<16xi1>, vector<16xf32>
        %slice3A_822 = vector.extract_strided_slice %get3A_198 {offsets = [14], sizes = [1], strides = [1]} : vector<16xi32> to vector<1xi32>
        %squeeze3A_823 = vector.extract %slice3A_822[0] : i32 from vector<1xi32>
        %and3A_824 = arith.constant 64 : i32
        %and3A_825 = arith.andi %squeeze3A_823, %and3A_824 : i32
        %mul3A_826 = arith.constant 21 : i32
        %mul3A_827 = arith.muli %scan3A_193, %mul3A_826 : i32
        %add3A_828 = arith.constant 14 : i32
        %add3A_829 = arith.addi %mul3A_827, %add3A_828 : i32
        %get3A_830 = arith.index_cast %add3A_829 : i32 to index
        %get3A_831 = arith.index_cast %and3A_825 : i32 to index
        %get3A_832 = tpu.vector_load %arg8[%get3A_830, %get3A_831] {strides = array<i32>} : memref<352x128xf32, #tpu.memory_space<vmem>>, vector<16xf32>,
        %mul3A_833 = arith.mulf %get3A_832, %get3A_218 : vector<16xf32>
        %add3A_834 = arith.constant 16 : i32
        %add3A_835 = arith.addi %and3A_825, %add3A_834 : i32
        %get3A_836 = arith.index_cast %add3A_829 : i32 to index
        %get3A_837 = arith.index_cast %add3A_835 : i32 to index
        %get3A_838 = tpu.vector_load %arg8[%get3A_836, %get3A_837] {strides = array<i32>} : memref<352x128xf32, #tpu.memory_space<vmem>>, vector<16xf32>,
        %mul3A_839 = arith.mulf %get3A_838, %get3A_223 : vector<16xf32>
        %add3A_840 = arith.constant 32 : i32
        %add3A_841 = arith.addi %and3A_825, %add3A_840 : i32
        %get3A_842 = arith.index_cast %add3A_829 : i32 to index
        %get3A_843 = arith.index_cast %add3A_841 : i32 to index
        %get3A_844 = tpu.vector_load %arg8[%get3A_842, %get3A_843] {strides = array<i32>} : memref<352x128xf32, #tpu.memory_space<vmem>>, vector<16xf32>,
        %mul3A_845 = arith.mulf %get3A_844, %get3A_228 : vector<16xf32>
        %add3A_846 = arith.constant 48 : i32
        %add3A_847 = arith.addi %and3A_825, %add3A_846 : i32
        %get3A_848 = arith.index_cast %add3A_829 : i32 to index
        %get3A_849 = arith.index_cast %add3A_847 : i32 to index
        %get3A_850 = tpu.vector_load %arg8[%get3A_848, %get3A_849] {strides = array<i32>} : memref<352x128xf32, #tpu.memory_space<vmem>>, vector<16xf32>,
        %mul3A_851 = arith.mulf %get3A_850, %get3A_233 : vector<16xf32>
        %add3A_852 = arith.addf %mul3A_833, %mul3A_839 : vector<16xf32>
        %add3A_853 = arith.addf %mul3A_845, %mul3A_851 : vector<16xf32>
        %add3A_854 = arith.addf %add3A_852, %add3A_853 : vector<16xf32>
        %reduce_sum3A_855 = arith.constant true
        %reduce_sum3A_856 = vector.broadcast %reduce_sum3A_855 : i1 to vector<16xi1>
        %reduce_sum3A_857 = tpu.scan <sum>, %add3A_854 masked %reduce_sum3A_856 : vector<16xf32>, vector<16xi1> -> vector<16xf32>
        %reduce_sum3A_858 = vector.extract %reduce_sum3A_857[15] : f32 from vector<16xf32>
        %eq3A_859 = arith.constant 14 : i32
        %eq3A_860 = vector.broadcast %eq3A_859 : i32 to vector<16xi32>
        %eq3A_861 = arith.cmpi eq, %iota3A, %eq3A_860 : vector<16xi32>
        %broadcast_in_dim3A_862 = vector.broadcast %reduce_sum3A_858 : f32 to vector<16xf32>
        %select_n3A_863 = arith.select %eq3A_861, %broadcast_in_dim3A_862, %select_n3A_821 : vector<16xi1>, vector<16xf32>
        %slice3A_864 = vector.extract_strided_slice %get3A_198 {offsets = [15], sizes = [1], strides = [1]} : vector<16xi32> to vector<1xi32>
        %squeeze3A_865 = vector.extract %slice3A_864[0] : i32 from vector<1xi32>
        %and3A_866 = arith.constant 64 : i32
        %and3A_867 = arith.andi %squeeze3A_865, %and3A_866 : i32
        %mul3A_868 = arith.constant 21 : i32
        %mul3A_869 = arith.muli %scan3A_193, %mul3A_868 : i32
        %add3A_870 = arith.constant 15 : i32
        %add3A_871 = arith.addi %mul3A_869, %add3A_870 : i32
        %get3A_872 = arith.index_cast %add3A_871 : i32 to index
        %get3A_873 = arith.index_cast %and3A_867 : i32 to index
        %get3A_874 = tpu.vector_load %arg8[%get3A_872, %get3A_873] {strides = array<i32>} : memref<352x128xf32, #tpu.memory_space<vmem>>, vector<16xf32>,
        %mul3A_875 = arith.mulf %get3A_874, %get3A_218 : vector<16xf32>
        %add3A_876 = arith.constant 16 : i32
        %add3A_877 = arith.addi %and3A_867, %add3A_876 : i32
        %get3A_878 = arith.index_cast %add3A_871 : i32 to index
        %get3A_879 = arith.index_cast %add3A_877 : i32 to index
        %get3A_880 = tpu.vector_load %arg8[%get3A_878, %get3A_879] {strides = array<i32>} : memref<352x128xf32, #tpu.memory_space<vmem>>, vector<16xf32>,
        %mul3A_881 = arith.mulf %get3A_880, %get3A_223 : vector<16xf32>
        %add3A_882 = arith.constant 32 : i32
        %add3A_883 = arith.addi %and3A_867, %add3A_882 : i32
        %get3A_884 = arith.index_cast %add3A_871 : i32 to index
        %get3A_885 = arith.index_cast %add3A_883 : i32 to index
        %get3A_886 = tpu.vector_load %arg8[%get3A_884, %get3A_885] {strides = array<i32>} : memref<352x128xf32, #tpu.memory_space<vmem>>, vector<16xf32>,
        %mul3A_887 = arith.mulf %get3A_886, %get3A_228 : vector<16xf32>
        %add3A_888 = arith.constant 48 : i32
        %add3A_889 = arith.addi %and3A_867, %add3A_888 : i32
        %get3A_890 = arith.index_cast %add3A_871 : i32 to index
        %get3A_891 = arith.index_cast %add3A_889 : i32 to index
        %get3A_892 = tpu.vector_load %arg8[%get3A_890, %get3A_891] {strides = array<i32>} : memref<352x128xf32, #tpu.memory_space<vmem>>, vector<16xf32>,
        %mul3A_893 = arith.mulf %get3A_892, %get3A_233 : vector<16xf32>
        %add3A_894 = arith.addf %mul3A_875, %mul3A_881 : vector<16xf32>
        %add3A_895 = arith.addf %mul3A_887, %mul3A_893 : vector<16xf32>
        %add3A_896 = arith.addf %add3A_894, %add3A_895 : vector<16xf32>
        %reduce_sum3A_897 = arith.constant true
        %reduce_sum3A_898 = vector.broadcast %reduce_sum3A_897 : i1 to vector<16xi1>
        %reduce_sum3A_899 = tpu.scan <sum>, %add3A_896 masked %reduce_sum3A_898 : vector<16xf32>, vector<16xi1> -> vector<16xf32>
        %reduce_sum3A_900 = vector.extract %reduce_sum3A_899[15] : f32 from vector<16xf32>
        %eq3A_901 = arith.constant 15 : i32
        %eq3A_902 = vector.broadcast %eq3A_901 : i32 to vector<16xi32>
        %eq3A_903 = arith.cmpi eq, %iota3A, %eq3A_902 : vector<16xi32>
        %broadcast_in_dim3A_904 = vector.broadcast %reduce_sum3A_900 : f32 to vector<16xf32>
        %select_n3A_905 = arith.select %eq3A_903, %broadcast_in_dim3A_904, %select_n3A_863 : vector<16xi1>, vector<16xf32>
        %slice3A_906 = vector.extract_strided_slice %get3A_206 {offsets = [0], sizes = [1], strides = [1]} : vector<16xi32> to vector<1xi32>
        %squeeze3A_907 = vector.extract %slice3A_906[0] : i32 from vector<1xi32>
        %and3A_908 = arith.constant 64 : i32
        %and3A_909 = arith.andi %squeeze3A_907, %and3A_908 : i32
        %mul3A_910 = arith.constant 21 : i32
        %mul3A_911 = arith.muli %scan3A_193, %mul3A_910 : i32
        %add3A_912 = arith.constant 16 : i32
        %add3A_913 = arith.addi %mul3A_911, %add3A_912 : i32
        %get3A_914 = arith.index_cast %add3A_913 : i32 to index
        %get3A_915 = arith.index_cast %and3A_909 : i32 to index
        %get3A_916 = tpu.vector_load %arg8[%get3A_914, %get3A_915] {strides = array<i32>} : memref<352x128xf32, #tpu.memory_space<vmem>>, vector<16xf32>,
        %mul3A_917 = arith.mulf %get3A_916, %get3A_218 : vector<16xf32>
        %add3A_918 = arith.constant 16 : i32
        %add3A_919 = arith.addi %and3A_909, %add3A_918 : i32
        %get3A_920 = arith.index_cast %add3A_913 : i32 to index
        %get3A_921 = arith.index_cast %add3A_919 : i32 to index
        %get3A_922 = tpu.vector_load %arg8[%get3A_920, %get3A_921] {strides = array<i32>} : memref<352x128xf32, #tpu.memory_space<vmem>>, vector<16xf32>,
        %mul3A_923 = arith.mulf %get3A_922, %get3A_223 : vector<16xf32>
        %add3A_924 = arith.constant 32 : i32
        %add3A_925 = arith.addi %and3A_909, %add3A_924 : i32
        %get3A_926 = arith.index_cast %add3A_913 : i32 to index
        %get3A_927 = arith.index_cast %add3A_925 : i32 to index
        %get3A_928 = tpu.vector_load %arg8[%get3A_926, %get3A_927] {strides = array<i32>} : memref<352x128xf32, #tpu.memory_space<vmem>>, vector<16xf32>,
        %mul3A_929 = arith.mulf %get3A_928, %get3A_228 : vector<16xf32>
        %add3A_930 = arith.constant 48 : i32
        %add3A_931 = arith.addi %and3A_909, %add3A_930 : i32
        %get3A_932 = arith.index_cast %add3A_913 : i32 to index
        %get3A_933 = arith.index_cast %add3A_931 : i32 to index
        %get3A_934 = tpu.vector_load %arg8[%get3A_932, %get3A_933] {strides = array<i32>} : memref<352x128xf32, #tpu.memory_space<vmem>>, vector<16xf32>,
        %mul3A_935 = arith.mulf %get3A_934, %get3A_233 : vector<16xf32>
        %add3A_936 = arith.addf %mul3A_917, %mul3A_923 : vector<16xf32>
        %add3A_937 = arith.addf %mul3A_929, %mul3A_935 : vector<16xf32>
        %add3A_938 = arith.addf %add3A_936, %add3A_937 : vector<16xf32>
        %reduce_sum3A_939 = arith.constant true
        %reduce_sum3A_940 = vector.broadcast %reduce_sum3A_939 : i1 to vector<16xi1>
        %reduce_sum3A_941 = tpu.scan <sum>, %add3A_938 masked %reduce_sum3A_940 : vector<16xf32>, vector<16xi1> -> vector<16xf32>
        %reduce_sum3A_942 = vector.extract %reduce_sum3A_941[15] : f32 from vector<16xf32>
        %eq3A_943 = arith.constant 0 : i32
        %eq3A_944 = vector.broadcast %eq3A_943 : i32 to vector<16xi32>
        %eq3A_945 = arith.cmpi eq, %iota3A, %eq3A_944 : vector<16xi32>
        %broadcast_in_dim3A_946 = vector.broadcast %reduce_sum3A_942 : f32 to vector<16xf32>
        %select_n3A_947 = arith.select %eq3A_945, %broadcast_in_dim3A_946, %broadcast_in_dim3A_236 : vector<16xi1>, vector<16xf32>
        %slice3A_948 = vector.extract_strided_slice %get3A_206 {offsets = [1], sizes = [1], strides = [1]} : vector<16xi32> to vector<1xi32>
        %squeeze3A_949 = vector.extract %slice3A_948[0] : i32 from vector<1xi32>
        %and3A_950 = arith.constant 64 : i32
        %and3A_951 = arith.andi %squeeze3A_949, %and3A_950 : i32
        %mul3A_952 = arith.constant 21 : i32
        %mul3A_953 = arith.muli %scan3A_193, %mul3A_952 : i32
        %add3A_954 = arith.constant 17 : i32
        %add3A_955 = arith.addi %mul3A_953, %add3A_954 : i32
        %get3A_956 = arith.index_cast %add3A_955 : i32 to index
        %get3A_957 = arith.index_cast %and3A_951 : i32 to index
        %get3A_958 = tpu.vector_load %arg8[%get3A_956, %get3A_957] {strides = array<i32>} : memref<352x128xf32, #tpu.memory_space<vmem>>, vector<16xf32>,
        %mul3A_959 = arith.mulf %get3A_958, %get3A_218 : vector<16xf32>
        %add3A_960 = arith.constant 16 : i32
        %add3A_961 = arith.addi %and3A_951, %add3A_960 : i32
        %get3A_962 = arith.index_cast %add3A_955 : i32 to index
        %get3A_963 = arith.index_cast %add3A_961 : i32 to index
        %get3A_964 = tpu.vector_load %arg8[%get3A_962, %get3A_963] {strides = array<i32>} : memref<352x128xf32, #tpu.memory_space<vmem>>, vector<16xf32>,
        %mul3A_965 = arith.mulf %get3A_964, %get3A_223 : vector<16xf32>
        %add3A_966 = arith.constant 32 : i32
        %add3A_967 = arith.addi %and3A_951, %add3A_966 : i32
        %get3A_968 = arith.index_cast %add3A_955 : i32 to index
        %get3A_969 = arith.index_cast %add3A_967 : i32 to index
        %get3A_970 = tpu.vector_load %arg8[%get3A_968, %get3A_969] {strides = array<i32>} : memref<352x128xf32, #tpu.memory_space<vmem>>, vector<16xf32>,
        %mul3A_971 = arith.mulf %get3A_970, %get3A_228 : vector<16xf32>
        %add3A_972 = arith.constant 48 : i32
        %add3A_973 = arith.addi %and3A_951, %add3A_972 : i32
        %get3A_974 = arith.index_cast %add3A_955 : i32 to index
        %get3A_975 = arith.index_cast %add3A_973 : i32 to index
        %get3A_976 = tpu.vector_load %arg8[%get3A_974, %get3A_975] {strides = array<i32>} : memref<352x128xf32, #tpu.memory_space<vmem>>, vector<16xf32>,
        %mul3A_977 = arith.mulf %get3A_976, %get3A_233 : vector<16xf32>
        %add3A_978 = arith.addf %mul3A_959, %mul3A_965 : vector<16xf32>
        %add3A_979 = arith.addf %mul3A_971, %mul3A_977 : vector<16xf32>
        %add3A_980 = arith.addf %add3A_978, %add3A_979 : vector<16xf32>
        %reduce_sum3A_981 = arith.constant true
        %reduce_sum3A_982 = vector.broadcast %reduce_sum3A_981 : i1 to vector<16xi1>
        %reduce_sum3A_983 = tpu.scan <sum>, %add3A_980 masked %reduce_sum3A_982 : vector<16xf32>, vector<16xi1> -> vector<16xf32>
        %reduce_sum3A_984 = vector.extract %reduce_sum3A_983[15] : f32 from vector<16xf32>
        %eq3A_985 = arith.constant 1 : i32
        %eq3A_986 = vector.broadcast %eq3A_985 : i32 to vector<16xi32>
        %eq3A_987 = arith.cmpi eq, %iota3A, %eq3A_986 : vector<16xi32>
        %broadcast_in_dim3A_988 = vector.broadcast %reduce_sum3A_984 : f32 to vector<16xf32>
        %select_n3A_989 = arith.select %eq3A_987, %broadcast_in_dim3A_988, %select_n3A_947 : vector<16xi1>, vector<16xf32>
        %slice3A_990 = vector.extract_strided_slice %get3A_206 {offsets = [2], sizes = [1], strides = [1]} : vector<16xi32> to vector<1xi32>
        %squeeze3A_991 = vector.extract %slice3A_990[0] : i32 from vector<1xi32>
        %and3A_992 = arith.constant 64 : i32
        %and3A_993 = arith.andi %squeeze3A_991, %and3A_992 : i32
        %mul3A_994 = arith.constant 21 : i32
        %mul3A_995 = arith.muli %scan3A_193, %mul3A_994 : i32
        %add3A_996 = arith.constant 18 : i32
        %add3A_997 = arith.addi %mul3A_995, %add3A_996 : i32
        %get3A_998 = arith.index_cast %add3A_997 : i32 to index
        %get3A_999 = arith.index_cast %and3A_993 : i32 to index
        %get3A_1000 = tpu.vector_load %arg8[%get3A_998, %get3A_999] {strides = array<i32>} : memref<352x128xf32, #tpu.memory_space<vmem>>, vector<16xf32>,
        %mul3A_1001 = arith.mulf %get3A_1000, %get3A_218 : vector<16xf32>
        %add3A_1002 = arith.constant 16 : i32
        %add3A_1003 = arith.addi %and3A_993, %add3A_1002 : i32
        %get3A_1004 = arith.index_cast %add3A_997 : i32 to index
        %get3A_1005 = arith.index_cast %add3A_1003 : i32 to index
        %get3A_1006 = tpu.vector_load %arg8[%get3A_1004, %get3A_1005] {strides = array<i32>} : memref<352x128xf32, #tpu.memory_space<vmem>>, vector<16xf32>,
        %mul3A_1007 = arith.mulf %get3A_1006, %get3A_223 : vector<16xf32>
        %add3A_1008 = arith.constant 32 : i32
        %add3A_1009 = arith.addi %and3A_993, %add3A_1008 : i32
        %get3A_1010 = arith.index_cast %add3A_997 : i32 to index
        %get3A_1011 = arith.index_cast %add3A_1009 : i32 to index
        %get3A_1012 = tpu.vector_load %arg8[%get3A_1010, %get3A_1011] {strides = array<i32>} : memref<352x128xf32, #tpu.memory_space<vmem>>, vector<16xf32>,
        %mul3A_1013 = arith.mulf %get3A_1012, %get3A_228 : vector<16xf32>
        %add3A_1014 = arith.constant 48 : i32
        %add3A_1015 = arith.addi %and3A_993, %add3A_1014 : i32
        %get3A_1016 = arith.index_cast %add3A_997 : i32 to index
        %get3A_1017 = arith.index_cast %add3A_1015 : i32 to index
        %get3A_1018 = tpu.vector_load %arg8[%get3A_1016, %get3A_1017] {strides = array<i32>} : memref<352x128xf32, #tpu.memory_space<vmem>>, vector<16xf32>,
        %mul3A_1019 = arith.mulf %get3A_1018, %get3A_233 : vector<16xf32>
        %add3A_1020 = arith.addf %mul3A_1001, %mul3A_1007 : vector<16xf32>
        %add3A_1021 = arith.addf %mul3A_1013, %mul3A_1019 : vector<16xf32>
        %add3A_1022 = arith.addf %add3A_1020, %add3A_1021 : vector<16xf32>
        %reduce_sum3A_1023 = arith.constant true
        %reduce_sum3A_1024 = vector.broadcast %reduce_sum3A_1023 : i1 to vector<16xi1>
        %reduce_sum3A_1025 = tpu.scan <sum>, %add3A_1022 masked %reduce_sum3A_1024 : vector<16xf32>, vector<16xi1> -> vector<16xf32>
        %reduce_sum3A_1026 = vector.extract %reduce_sum3A_1025[15] : f32 from vector<16xf32>
        %eq3A_1027 = arith.constant 2 : i32
        %eq3A_1028 = vector.broadcast %eq3A_1027 : i32 to vector<16xi32>
        %eq3A_1029 = arith.cmpi eq, %iota3A, %eq3A_1028 : vector<16xi32>
        %broadcast_in_dim3A_1030 = vector.broadcast %reduce_sum3A_1026 : f32 to vector<16xf32>
        %select_n3A_1031 = arith.select %eq3A_1029, %broadcast_in_dim3A_1030, %select_n3A_989 : vector<16xi1>, vector<16xf32>
        %slice3A_1032 = vector.extract_strided_slice %get3A_206 {offsets = [3], sizes = [1], strides = [1]} : vector<16xi32> to vector<1xi32>
        %squeeze3A_1033 = vector.extract %slice3A_1032[0] : i32 from vector<1xi32>
        %and3A_1034 = arith.constant 64 : i32
        %and3A_1035 = arith.andi %squeeze3A_1033, %and3A_1034 : i32
        %mul3A_1036 = arith.constant 21 : i32
        %mul3A_1037 = arith.muli %scan3A_193, %mul3A_1036 : i32
        %add3A_1038 = arith.constant 19 : i32
        %add3A_1039 = arith.addi %mul3A_1037, %add3A_1038 : i32
        %get3A_1040 = arith.index_cast %add3A_1039 : i32 to index
        %get3A_1041 = arith.index_cast %and3A_1035 : i32 to index
        %get3A_1042 = tpu.vector_load %arg8[%get3A_1040, %get3A_1041] {strides = array<i32>} : memref<352x128xf32, #tpu.memory_space<vmem>>, vector<16xf32>,
        %mul3A_1043 = arith.mulf %get3A_1042, %get3A_218 : vector<16xf32>
        %add3A_1044 = arith.constant 16 : i32
        %add3A_1045 = arith.addi %and3A_1035, %add3A_1044 : i32
        %get3A_1046 = arith.index_cast %add3A_1039 : i32 to index
        %get3A_1047 = arith.index_cast %add3A_1045 : i32 to index
        %get3A_1048 = tpu.vector_load %arg8[%get3A_1046, %get3A_1047] {strides = array<i32>} : memref<352x128xf32, #tpu.memory_space<vmem>>, vector<16xf32>,
        %mul3A_1049 = arith.mulf %get3A_1048, %get3A_223 : vector<16xf32>
        %add3A_1050 = arith.constant 32 : i32
        %add3A_1051 = arith.addi %and3A_1035, %add3A_1050 : i32
        %get3A_1052 = arith.index_cast %add3A_1039 : i32 to index
        %get3A_1053 = arith.index_cast %add3A_1051 : i32 to index
        %get3A_1054 = tpu.vector_load %arg8[%get3A_1052, %get3A_1053] {strides = array<i32>} : memref<352x128xf32, #tpu.memory_space<vmem>>, vector<16xf32>,
        %mul3A_1055 = arith.mulf %get3A_1054, %get3A_228 : vector<16xf32>
        %add3A_1056 = arith.constant 48 : i32
        %add3A_1057 = arith.addi %and3A_1035, %add3A_1056 : i32
        %get3A_1058 = arith.index_cast %add3A_1039 : i32 to index
        %get3A_1059 = arith.index_cast %add3A_1057 : i32 to index
        %get3A_1060 = tpu.vector_load %arg8[%get3A_1058, %get3A_1059] {strides = array<i32>} : memref<352x128xf32, #tpu.memory_space<vmem>>, vector<16xf32>,
        %mul3A_1061 = arith.mulf %get3A_1060, %get3A_233 : vector<16xf32>
        %add3A_1062 = arith.addf %mul3A_1043, %mul3A_1049 : vector<16xf32>
        %add3A_1063 = arith.addf %mul3A_1055, %mul3A_1061 : vector<16xf32>
        %add3A_1064 = arith.addf %add3A_1062, %add3A_1063 : vector<16xf32>
        %reduce_sum3A_1065 = arith.constant true
        %reduce_sum3A_1066 = vector.broadcast %reduce_sum3A_1065 : i1 to vector<16xi1>
        %reduce_sum3A_1067 = tpu.scan <sum>, %add3A_1064 masked %reduce_sum3A_1066 : vector<16xf32>, vector<16xi1> -> vector<16xf32>
        %reduce_sum3A_1068 = vector.extract %reduce_sum3A_1067[15] : f32 from vector<16xf32>
        %eq3A_1069 = arith.constant 3 : i32
        %eq3A_1070 = vector.broadcast %eq3A_1069 : i32 to vector<16xi32>
        %eq3A_1071 = arith.cmpi eq, %iota3A, %eq3A_1070 : vector<16xi32>
        %broadcast_in_dim3A_1072 = vector.broadcast %reduce_sum3A_1068 : f32 to vector<16xf32>
        %select_n3A_1073 = arith.select %eq3A_1071, %broadcast_in_dim3A_1072, %select_n3A_1031 : vector<16xi1>, vector<16xf32>
        %slice3A_1074 = vector.extract_strided_slice %get3A_206 {offsets = [4], sizes = [1], strides = [1]} : vector<16xi32> to vector<1xi32>
        %squeeze3A_1075 = vector.extract %slice3A_1074[0] : i32 from vector<1xi32>
        %and3A_1076 = arith.constant 64 : i32
        %and3A_1077 = arith.andi %squeeze3A_1075, %and3A_1076 : i32
        %mul3A_1078 = arith.constant 21 : i32
        %mul3A_1079 = arith.muli %scan3A_193, %mul3A_1078 : i32
        %add3A_1080 = arith.constant 20 : i32
        %add3A_1081 = arith.addi %mul3A_1079, %add3A_1080 : i32
        %get3A_1082 = arith.index_cast %add3A_1081 : i32 to index
        %get3A_1083 = arith.index_cast %and3A_1077 : i32 to index
        %get3A_1084 = tpu.vector_load %arg8[%get3A_1082, %get3A_1083] {strides = array<i32>} : memref<352x128xf32, #tpu.memory_space<vmem>>, vector<16xf32>,
        %mul3A_1085 = arith.mulf %get3A_1084, %get3A_218 : vector<16xf32>
        %add3A_1086 = arith.constant 16 : i32
        %add3A_1087 = arith.addi %and3A_1077, %add3A_1086 : i32
        %get3A_1088 = arith.index_cast %add3A_1081 : i32 to index
        %get3A_1089 = arith.index_cast %add3A_1087 : i32 to index
        %get3A_1090 = tpu.vector_load %arg8[%get3A_1088, %get3A_1089] {strides = array<i32>} : memref<352x128xf32, #tpu.memory_space<vmem>>, vector<16xf32>,
        %mul3A_1091 = arith.mulf %get3A_1090, %get3A_223 : vector<16xf32>
        %add3A_1092 = arith.constant 32 : i32
        %add3A_1093 = arith.addi %and3A_1077, %add3A_1092 : i32
        %get3A_1094 = arith.index_cast %add3A_1081 : i32 to index
        %get3A_1095 = arith.index_cast %add3A_1093 : i32 to index
        %get3A_1096 = tpu.vector_load %arg8[%get3A_1094, %get3A_1095] {strides = array<i32>} : memref<352x128xf32, #tpu.memory_space<vmem>>, vector<16xf32>,
        %mul3A_1097 = arith.mulf %get3A_1096, %get3A_228 : vector<16xf32>
        %add3A_1098 = arith.constant 48 : i32
        %add3A_1099 = arith.addi %and3A_1077, %add3A_1098 : i32
        %get3A_1100 = arith.index_cast %add3A_1081 : i32 to index
        %get3A_1101 = arith.index_cast %add3A_1099 : i32 to index
        %get3A_1102 = tpu.vector_load %arg8[%get3A_1100, %get3A_1101] {strides = array<i32>} : memref<352x128xf32, #tpu.memory_space<vmem>>, vector<16xf32>,
        %mul3A_1103 = arith.mulf %get3A_1102, %get3A_233 : vector<16xf32>
        %add3A_1104 = arith.addf %mul3A_1085, %mul3A_1091 : vector<16xf32>
        %add3A_1105 = arith.addf %mul3A_1097, %mul3A_1103 : vector<16xf32>
        %add3A_1106 = arith.addf %add3A_1104, %add3A_1105 : vector<16xf32>
        %reduce_sum3A_1107 = arith.constant true
        %reduce_sum3A_1108 = vector.broadcast %reduce_sum3A_1107 : i1 to vector<16xi1>
        %reduce_sum3A_1109 = tpu.scan <sum>, %add3A_1106 masked %reduce_sum3A_1108 : vector<16xf32>, vector<16xi1> -> vector<16xf32>
        %reduce_sum3A_1110 = vector.extract %reduce_sum3A_1109[15] : f32 from vector<16xf32>
        %eq3A_1111 = arith.constant 4 : i32
        %eq3A_1112 = vector.broadcast %eq3A_1111 : i32 to vector<16xi32>
        %eq3A_1113 = arith.cmpi eq, %iota3A, %eq3A_1112 : vector<16xi32>
        %broadcast_in_dim3A_1114 = vector.broadcast %reduce_sum3A_1110 : f32 to vector<16xf32>
        %select_n3A_1115 = arith.select %eq3A_1113, %broadcast_in_dim3A_1114, %select_n3A_1073 : vector<16xi1>, vector<16xf32>
        %mul3A_1116 = arith.constant 32 : i32
        %mul3A_1117 = arith.muli %scan3A_193, %mul3A_1116 : i32
        %add3A_1118 = vector.broadcast %mul3A_1117 : i32 to vector<16xi32>
        %add3A_1119 = arith.addi %add3A_1118, %iota3A : vector<16xi32>
        tpu.vector_store_idx %arg10[%add3A_1119], %select_n3A_905 : memref<512xf32, #tpu.memory_space<vmem>>[vector<16xi32>], vector<16xf32>,
        %add3A_1120 = arith.constant 16 : i32
        %add3A_1121 = arith.addi %mul3A_1117, %add3A_1120 : i32
        %add3A_1122 = vector.broadcast %add3A_1121 : i32 to vector<16xi32>
        %add3A_1123 = arith.addi %add3A_1122, %iota3A : vector<16xi32>
        %lt3A_1124 = arith.constant 5 : i32
        %lt3A_1125 = vector.broadcast %lt3A_1124 : i32 to vector<16xi32>
        %lt3A_1126 = arith.cmpi slt, %iota3A, %lt3A_1125 : vector<16xi32>
        tpu.vector_store_idx %arg10[%add3A_1123], %select_n3A_1115 masked %lt3A_1126 : memref<512xf32, #tpu.memory_space<vmem>>[vector<16xi32>], vector<16xf32>, vector<16xi1>
      }
      %scan3A_116 = arith.constant 16 : i32
      %mul3A_117 = arith.constant 512 : i32
      %mul3A_118 = arith.muli %add3A_71, %mul3A_117 : i32
      %dma_start3A_119 = tpu.memref_slice %arg5[%mul3A_118] : memref<524288xf32, #tpu.memory_space<hbm>> -> memref<512xf32, #tpu.memory_space<hbm>>
      %dma_start3A_120 = tpu.memref_slice %arg5[%mul3A_118] : memref<524288xf32, #tpu.memory_space<hbm>> -> memref<512xf32, #tpu.memory_space<hbm>>
      tpu.enqueue_dma source(%arg10 : memref<512xf32, #tpu.memory_space<vmem>>) target(%dma_start3A_120 : memref<512xf32, #tpu.memory_space<hbm>>) target_semaphore(%arg14 : memref<!tpu.dma_semaphore, #tpu.memory_space<semaphore_mem>>)
      %add3A_121 = arith.constant 2 : i32
      %add3A_122 = arith.addi %add3A_70, %add3A_121 : i32
      %lt3A_123 = arith.constant 32 : i32
      %lt3A_124 = arith.cmpi slt, %add3A_122, %lt3A_123 : i32
      %convert_element_type3A_125 = arith.extui %lt3A_124 : i1 to i32
      %cond3A_126 = arith.constant 0 : i32
      %cond3A_127 = arith.cmpi ne, %convert_element_type3A_125, %cond3A_126 : i32
      scf.if %cond3A_127 {
        %add3A_193 = arith.constant 2 : i32
        %add3A_194 = arith.addi %add3A_71, %add3A_193 : i32
        %mul3A_195 = arith.constant 768 : i32
        %mul3A_196 = arith.muli %add3A_194, %mul3A_195 : i32
        %dma_start3A_197 = tpu.memref_slice %arg2[%mul3A_196] : memref<786432xi32, #tpu.memory_space<hbm>> -> memref<768xi32, #tpu.memory_space<hbm>>
        %dma_start3A_198 = tpu.memref_slice %arg2[%mul3A_196] : memref<786432xi32, #tpu.memory_space<hbm>> -> memref<768xi32, #tpu.memory_space<hbm>>
        tpu.enqueue_dma source(%dma_start3A_198 : memref<768xi32, #tpu.memory_space<hbm>>) target(%arg6 : memref<768xi32, #tpu.memory_space<vmem>>) target_semaphore(%arg16 : memref<!tpu.dma_semaphore, #tpu.memory_space<semaphore_mem>>)
      } else {
      }
      %mul3A_128 = arith.constant 2 : i32
      %mul3A_129 = arith.muli %scan3A_66, %mul3A_128 : i32
      %add3A_130 = arith.constant 1 : i32
      %add3A_131 = arith.addi %mul3A_129, %add3A_130 : i32
      %add3A_132 = arith.addi %mul3A_2, %add3A_131 : i32
      %dma_wait3A_133 = arith.constant 0 : i32
      %dma_wait3A_134 = arith.constant 0 : i32
      %dma_wait3A_135 = tpu.memref_slice %arg9[%dma_wait3A_133, %dma_wait3A_134] : memref<352x128xf32, #tpu.memory_space<vmem>> -> memref<128x128xf32, #tpu.memory_space<vmem>>
      %dma_wait3A_136 = arith.constant 0 : i32
      %dma_wait3A_137 = tpu.memref_slice %arg7[%dma_wait3A_136] : memref<768xi32, #tpu.memory_space<vmem>> -> memref<128xi32, #tpu.memory_space<vmem>>
      %dma_wait3A_138 = arith.constant 0 : i32
      %dma_wait3A_139 = arith.constant 0 : i32
      %dma_wait3A_140 = tpu.memref_slice %arg4[%dma_wait3A_138, %dma_wait3A_139] : memref<503808x128xf32, #tpu.memory_space<hbm>> -> memref<503808x128xf32, #tpu.memory_space<hbm>>
      tpu.wait_indirect_dma semaphore(%arg13 : memref<!tpu.dma_semaphore, #tpu.memory_space<semaphore_mem>>) src(%dma_wait3A_140 : memref<503808x128xf32, #tpu.memory_space<hbm>>) dst(%dma_wait3A_135 : memref<128x128xf32, #tpu.memory_space<vmem>>)
      %dma_wait3A_141 = arith.constant 128 : i32
      %dma_wait3A_142 = arith.constant 0 : i32
      %dma_wait3A_143 = tpu.memref_slice %arg9[%dma_wait3A_141, %dma_wait3A_142] : memref<352x128xf32, #tpu.memory_space<vmem>> -> memref<128x128xf32, #tpu.memory_space<vmem>>
      %dma_wait3A_144 = arith.constant 128 : i32
      %dma_wait3A_145 = tpu.memref_slice %arg7[%dma_wait3A_144] : memref<768xi32, #tpu.memory_space<vmem>> -> memref<128xi32, #tpu.memory_space<vmem>>
      %dma_wait3A_146 = arith.constant 0 : i32
      %dma_wait3A_147 = arith.constant 0 : i32
      %dma_wait3A_148 = tpu.memref_slice %arg4[%dma_wait3A_146, %dma_wait3A_147] : memref<503808x128xf32, #tpu.memory_space<hbm>> -> memref<503808x128xf32, #tpu.memory_space<hbm>>
      tpu.wait_indirect_dma semaphore(%arg13 : memref<!tpu.dma_semaphore, #tpu.memory_space<semaphore_mem>>) src(%dma_wait3A_148 : memref<503808x128xf32, #tpu.memory_space<hbm>>) dst(%dma_wait3A_143 : memref<128x128xf32, #tpu.memory_space<vmem>>)
      %dma_wait3A_149 = arith.constant 256 : i32
      %dma_wait3A_150 = arith.constant 0 : i32
      %dma_wait3A_151 = tpu.memref_slice %arg9[%dma_wait3A_149, %dma_wait3A_150] : memref<352x128xf32, #tpu.memory_space<vmem>> -> memref<80x128xf32, #tpu.memory_space<vmem>>
      %dma_wait3A_152 = arith.constant 256 : i32
      %dma_wait3A_153 = tpu.memref_slice %arg7[%dma_wait3A_152] : memref<768xi32, #tpu.memory_space<vmem>> -> memref<80xi32, #tpu.memory_space<vmem>>
      %dma_wait3A_154 = arith.constant 0 : i32
      %dma_wait3A_155 = arith.constant 0 : i32
      %dma_wait3A_156 = tpu.memref_slice %arg4[%dma_wait3A_154, %dma_wait3A_155] : memref<503808x128xf32, #tpu.memory_space<hbm>> -> memref<503808x128xf32, #tpu.memory_space<hbm>>
      tpu.wait_indirect_dma semaphore(%arg13 : memref<!tpu.dma_semaphore, #tpu.memory_space<semaphore_mem>>) src(%dma_wait3A_156 : memref<503808x128xf32, #tpu.memory_space<hbm>>) dst(%dma_wait3A_151 : memref<80x128xf32, #tpu.memory_space<vmem>>)
      %dma_wait3A_157 = arith.constant 336 : i32
      %dma_wait3A_158 = arith.constant 0 : i32
      %dma_wait3A_159 = tpu.memref_slice %arg9[%dma_wait3A_157, %dma_wait3A_158] : memref<352x128xf32, #tpu.memory_space<vmem>> -> memref<16x128xf32, #tpu.memory_space<vmem>>
      %dma_wait3A_160 = arith.constant 336 : i32
      %dma_wait3A_161 = tpu.memref_slice %arg7[%dma_wait3A_160] : memref<768xi32, #tpu.memory_space<vmem>> -> memref<16xi32, #tpu.memory_space<vmem>>
      %dma_wait3A_162 = arith.constant 0 : i32
      %dma_wait3A_163 = arith.constant 0 : i32
      %dma_wait3A_164 = tpu.memref_slice %arg3[%dma_wait3A_162, %dma_wait3A_163] : memref<503808x128xf32, #tpu.memory_space<hbm>> -> memref<503808x128xf32, #tpu.memory_space<hbm>>
      tpu.wait_indirect_dma semaphore(%arg13 : memref<!tpu.dma_semaphore, #tpu.memory_space<semaphore_mem>>) src(%dma_wait3A_164 : memref<503808x128xf32, #tpu.memory_space<hbm>>) dst(%dma_wait3A_159 : memref<16x128xf32, #tpu.memory_space<vmem>>)
      %add3A_165 = arith.constant 1 : i32
      %add3A_166 = arith.addi %add3A_131, %add3A_165 : i32
      %lt3A_167 = arith.constant 32 : i32
      %lt3A_168 = arith.cmpi slt, %add3A_166, %lt3A_167 : i32
      %convert_element_type3A_169 = arith.extui %lt3A_168 : i1 to i32
      %cond3A_170 = arith.constant 0 : i32
      %cond3A_171 = arith.cmpi ne, %convert_element_type3A_169, %cond3A_170 : i32
      scf.if %cond3A_171 {
        %add3A_193 = arith.constant 1 : i32
        %add3A_194 = arith.addi %add3A_132, %add3A_193 : i32
        %mul3A_195 = arith.constant 768 : i32
        %mul3A_196 = arith.muli %add3A_194, %mul3A_195 : i32
        %dma_wait3A_197 = tpu.memref_slice %arg2[%mul3A_196] : memref<786432xi32, #tpu.memory_space<hbm>> -> memref<768xi32, #tpu.memory_space<hbm>>
        %dma_wait3A_198 = tpu.memref_slice %arg2[%mul3A_196] : memref<786432xi32, #tpu.memory_space<hbm>> -> memref<768xi32, #tpu.memory_space<hbm>>
        tpu.wait_dma2 semaphore(%arg16 : memref<!tpu.dma_semaphore, #tpu.memory_space<semaphore_mem>>) src(%dma_wait3A_198 : memref<768xi32, #tpu.memory_space<hbm>>) dst(%arg6 : memref<768xi32, #tpu.memory_space<vmem>>)
        %dma_start3A_199 = arith.constant 0 : i32
        %dma_start3A_200 = arith.constant 0 : i32
        %dma_start3A_201 = tpu.memref_slice %arg8[%dma_start3A_199, %dma_start3A_200] : memref<352x128xf32, #tpu.memory_space<vmem>> -> memref<128x128xf32, #tpu.memory_space<vmem>>
        %dma_start3A_202 = arith.constant 0 : i32
        %dma_start3A_203 = tpu.memref_slice %arg6[%dma_start3A_202] : memref<768xi32, #tpu.memory_space<vmem>> -> memref<128xi32, #tpu.memory_space<vmem>>
        %dma_start3A_204 = arith.constant 0 : i32
        %dma_start3A_205 = arith.constant 0 : i32
        %dma_start3A_206 = tpu.memref_slice %arg4[%dma_start3A_204, %dma_start3A_205] : memref<503808x128xf32, #tpu.memory_space<hbm>> -> memref<503808x128xf32, #tpu.memory_space<hbm>>
        tpu.enqueue_indirect_dma source(%dma_start3A_206 : memref<503808x128xf32, #tpu.memory_space<hbm>>) target(%dma_start3A_201 : memref<128x128xf32, #tpu.memory_space<vmem>>) offsets(%dma_start3A_203 : memref<128xi32, #tpu.memory_space<vmem>>) semaphore(%arg12 : memref<!tpu.dma_semaphore, #tpu.memory_space<semaphore_mem>>)
        %dma_start3A_207 = arith.constant 128 : i32
        %dma_start3A_208 = arith.constant 0 : i32
        %dma_start3A_209 = tpu.memref_slice %arg8[%dma_start3A_207, %dma_start3A_208] : memref<352x128xf32, #tpu.memory_space<vmem>> -> memref<128x128xf32, #tpu.memory_space<vmem>>
        %dma_start3A_210 = arith.constant 128 : i32
        %dma_start3A_211 = tpu.memref_slice %arg6[%dma_start3A_210] : memref<768xi32, #tpu.memory_space<vmem>> -> memref<128xi32, #tpu.memory_space<vmem>>
        %dma_start3A_212 = arith.constant 0 : i32
        %dma_start3A_213 = arith.constant 0 : i32
        %dma_start3A_214 = tpu.memref_slice %arg4[%dma_start3A_212, %dma_start3A_213] : memref<503808x128xf32, #tpu.memory_space<hbm>> -> memref<503808x128xf32, #tpu.memory_space<hbm>>
        tpu.enqueue_indirect_dma source(%dma_start3A_214 : memref<503808x128xf32, #tpu.memory_space<hbm>>) target(%dma_start3A_209 : memref<128x128xf32, #tpu.memory_space<vmem>>) offsets(%dma_start3A_211 : memref<128xi32, #tpu.memory_space<vmem>>) semaphore(%arg12 : memref<!tpu.dma_semaphore, #tpu.memory_space<semaphore_mem>>)
        %dma_start3A_215 = arith.constant 256 : i32
        %dma_start3A_216 = arith.constant 0 : i32
        %dma_start3A_217 = tpu.memref_slice %arg8[%dma_start3A_215, %dma_start3A_216] : memref<352x128xf32, #tpu.memory_space<vmem>> -> memref<80x128xf32, #tpu.memory_space<vmem>>
        %dma_start3A_218 = arith.constant 256 : i32
        %dma_start3A_219 = tpu.memref_slice %arg6[%dma_start3A_218] : memref<768xi32, #tpu.memory_space<vmem>> -> memref<80xi32, #tpu.memory_space<vmem>>
        %dma_start3A_220 = arith.constant 0 : i32
        %dma_start3A_221 = arith.constant 0 : i32
        %dma_start3A_222 = tpu.memref_slice %arg4[%dma_start3A_220, %dma_start3A_221] : memref<503808x128xf32, #tpu.memory_space<hbm>> -> memref<503808x128xf32, #tpu.memory_space<hbm>>
        tpu.enqueue_indirect_dma source(%dma_start3A_222 : memref<503808x128xf32, #tpu.memory_space<hbm>>) target(%dma_start3A_217 : memref<80x128xf32, #tpu.memory_space<vmem>>) offsets(%dma_start3A_219 : memref<80xi32, #tpu.memory_space<vmem>>) semaphore(%arg12 : memref<!tpu.dma_semaphore, #tpu.memory_space<semaphore_mem>>)
        %dma_start3A_223 = arith.constant 336 : i32
        %dma_start3A_224 = arith.constant 0 : i32
        %dma_start3A_225 = tpu.memref_slice %arg8[%dma_start3A_223, %dma_start3A_224] : memref<352x128xf32, #tpu.memory_space<vmem>> -> memref<16x128xf32, #tpu.memory_space<vmem>>
        %dma_start3A_226 = arith.constant 336 : i32
        %dma_start3A_227 = tpu.memref_slice %arg6[%dma_start3A_226] : memref<768xi32, #tpu.memory_space<vmem>> -> memref<16xi32, #tpu.memory_space<vmem>>
        %dma_start3A_228 = arith.constant 0 : i32
        %dma_start3A_229 = arith.constant 0 : i32
        %dma_start3A_230 = tpu.memref_slice %arg3[%dma_start3A_228, %dma_start3A_229] : memref<503808x128xf32, #tpu.memory_space<hbm>> -> memref<503808x128xf32, #tpu.memory_space<hbm>>
        tpu.enqueue_indirect_dma source(%dma_start3A_230 : memref<503808x128xf32, #tpu.memory_space<hbm>>) target(%dma_start3A_225 : memref<16x128xf32, #tpu.memory_space<vmem>>) offsets(%dma_start3A_227 : memref<16xi32, #tpu.memory_space<vmem>>) semaphore(%arg12 : memref<!tpu.dma_semaphore, #tpu.memory_space<semaphore_mem>>)
      } else {
      }
      %ge3A_172 = arith.constant 2 : i32
      %ge3A_173 = arith.cmpi sge, %add3A_131, %ge3A_172 : i32
      %convert_element_type3A_174 = arith.extui %ge3A_173 : i1 to i32
      %cond3A_175 = arith.constant 0 : i32
      %cond3A_176 = arith.cmpi ne, %convert_element_type3A_174, %cond3A_175 : i32
      scf.if %cond3A_176 {
        %sub3A_193 = arith.constant 2 : i32
        %sub3A_194 = arith.subi %add3A_132, %sub3A_193 : i32
        %mul3A_195 = arith.constant 512 : i32
        %mul3A_196 = arith.muli %sub3A_194, %mul3A_195 : i32
        %dma_wait3A_197 = tpu.memref_slice %arg5[%mul3A_196] : memref<524288xf32, #tpu.memory_space<hbm>> -> memref<512xf32, #tpu.memory_space<hbm>>
        %dma_wait3A_198 = tpu.memref_slice %arg5[%mul3A_196] : memref<524288xf32, #tpu.memory_space<hbm>> -> memref<512xf32, #tpu.memory_space<hbm>>
        tpu.wait_dma2 semaphore(%arg15 : memref<!tpu.dma_semaphore, #tpu.memory_space<semaphore_mem>>) src(%arg11 : memref<512xf32, #tpu.memory_space<vmem>>) dst(%dma_wait3A_198 : memref<512xf32, #tpu.memory_space<hbm>>)
      } else {
      }
      %scan3A_177 = arith.constant 0 : i32
      %scan3A_178 = arith.constant 16 : i32
      %scan3A_179 = arith.addi %scan3A_177, %scan3A_178 : i32
      %scan3A_180 = arith.constant 1 : i32
      scf.for %scan3A_193 = %scan3A_177 to %scan3A_179 step %scan3A_180  : i32 {
        %mul3A_194 = arith.constant 21 : i32
        %mul3A_195 = arith.muli %scan3A_193, %mul3A_194 : i32
        %add3A_196 = arith.constant 352 : i32
        %add3A_197 = arith.addi %add3A_196, %mul3A_195 : i32
        %get3A = arith.index_cast %add3A_197 : i32 to index
        %get3A_198 = tpu.vector_load %arg7[%get3A] {strides = array<i32>} : memref<768xi32, #tpu.memory_space<vmem>>, vector<16xi32>,
        %mul3A_199 = arith.constant 21 : i32
        %mul3A_200 = arith.muli %scan3A_193, %mul3A_199 : i32
        %add3A_201 = arith.constant 352 : i32
        %add3A_202 = arith.addi %add3A_201, %mul3A_200 : i32
        %add3A_203 = arith.constant 16 : i32
        %add3A_204 = arith.addi %add3A_202, %add3A_203 : i32
        %get3A_205 = arith.index_cast %add3A_204 : i32 to index
        %get3A_206 = tpu.vector_load %arg7[%get3A_205] {strides = array<i32>} : memref<768xi32, #tpu.memory_space<vmem>>, vector<16xi32>,
        %add3A_207 = arith.constant 688 : i32
        %add3A_208 = arith.addi %add3A_207, %scan3A_193 : i32
        %get3A_209 = arith.index_cast %add3A_208 : i32 to index
        %get3A_210 = tpu.vector_load %arg7[%get3A_209] {strides = array<i32>} : memref<768xi32, #tpu.memory_space<vmem>>, vector<16xi32>,
        %slice3A = vector.extract_strided_slice %get3A_210 {offsets = [0], sizes = [1], strides = [1]} : vector<16xi32> to vector<1xi32>
        %squeeze3A = vector.extract %slice3A[0] : i32 from vector<1xi32>
        %and3A = arith.constant 64 : i32
        %and3A_211 = arith.andi %squeeze3A, %and3A : i32
        %add3A_212 = arith.constant 336 : i32
        %add3A_213 = arith.addi %add3A_212, %scan3A_193 : i32
        %add3A_214 = arith.constant 0 : i32
        %add3A_215 = arith.addi %and3A_211, %add3A_214 : i32
        %get3A_216 = arith.index_cast %add3A_213 : i32 to index
        %get3A_217 = arith.index_cast %add3A_215 : i32 to index
        %get3A_218 = tpu.vector_load %arg9[%get3A_216, %get3A_217] {strides = array<i32>} : memref<352x128xf32, #tpu.memory_space<vmem>>, vector<16xf32>,
        %add3A_219 = arith.constant 16 : i32
        %add3A_220 = arith.addi %and3A_211, %add3A_219 : i32
        %get3A_221 = arith.index_cast %add3A_213 : i32 to index
        %get3A_222 = arith.index_cast %add3A_220 : i32 to index
        %get3A_223 = tpu.vector_load %arg9[%get3A_221, %get3A_222] {strides = array<i32>} : memref<352x128xf32, #tpu.memory_space<vmem>>, vector<16xf32>,
        %add3A_224 = arith.constant 32 : i32
        %add3A_225 = arith.addi %and3A_211, %add3A_224 : i32
        %get3A_226 = arith.index_cast %add3A_213 : i32 to index
        %get3A_227 = arith.index_cast %add3A_225 : i32 to index
        %get3A_228 = tpu.vector_load %arg9[%get3A_226, %get3A_227] {strides = array<i32>} : memref<352x128xf32, #tpu.memory_space<vmem>>, vector<16xf32>,
        %add3A_229 = arith.constant 48 : i32
        %add3A_230 = arith.addi %and3A_211, %add3A_229 : i32
        %get3A_231 = arith.index_cast %add3A_213 : i32 to index
        %get3A_232 = arith.index_cast %add3A_230 : i32 to index
        %get3A_233 = tpu.vector_load %arg9[%get3A_231, %get3A_232] {strides = array<i32>} : memref<352x128xf32, #tpu.memory_space<vmem>>, vector<16xf32>,
        %broadcast_in_dim3A = arith.constant 0.000000e+00 : f32
        %broadcast_in_dim3A_234 = vector.broadcast %broadcast_in_dim3A : f32 to vector<16xf32>
        %broadcast_in_dim3A_235 = arith.constant 0.000000e+00 : f32
        %broadcast_in_dim3A_236 = vector.broadcast %broadcast_in_dim3A_235 : f32 to vector<16xf32>
        %slice3A_237 = vector.extract_strided_slice %get3A_198 {offsets = [0], sizes = [1], strides = [1]} : vector<16xi32> to vector<1xi32>
        %squeeze3A_238 = vector.extract %slice3A_237[0] : i32 from vector<1xi32>
        %and3A_239 = arith.constant 64 : i32
        %and3A_240 = arith.andi %squeeze3A_238, %and3A_239 : i32
        %mul3A_241 = arith.constant 21 : i32
        %mul3A_242 = arith.muli %scan3A_193, %mul3A_241 : i32
        %add3A_243 = arith.constant 0 : i32
        %add3A_244 = arith.addi %mul3A_242, %add3A_243 : i32
        %get3A_245 = arith.index_cast %add3A_244 : i32 to index
        %get3A_246 = arith.index_cast %and3A_240 : i32 to index
        %get3A_247 = tpu.vector_load %arg9[%get3A_245, %get3A_246] {strides = array<i32>} : memref<352x128xf32, #tpu.memory_space<vmem>>, vector<16xf32>,
        %mul3A_248 = arith.mulf %get3A_247, %get3A_218 : vector<16xf32>
        %add3A_249 = arith.constant 16 : i32
        %add3A_250 = arith.addi %and3A_240, %add3A_249 : i32
        %get3A_251 = arith.index_cast %add3A_244 : i32 to index
        %get3A_252 = arith.index_cast %add3A_250 : i32 to index
        %get3A_253 = tpu.vector_load %arg9[%get3A_251, %get3A_252] {strides = array<i32>} : memref<352x128xf32, #tpu.memory_space<vmem>>, vector<16xf32>,
        %mul3A_254 = arith.mulf %get3A_253, %get3A_223 : vector<16xf32>
        %add3A_255 = arith.constant 32 : i32
        %add3A_256 = arith.addi %and3A_240, %add3A_255 : i32
        %get3A_257 = arith.index_cast %add3A_244 : i32 to index
        %get3A_258 = arith.index_cast %add3A_256 : i32 to index
        %get3A_259 = tpu.vector_load %arg9[%get3A_257, %get3A_258] {strides = array<i32>} : memref<352x128xf32, #tpu.memory_space<vmem>>, vector<16xf32>,
        %mul3A_260 = arith.mulf %get3A_259, %get3A_228 : vector<16xf32>
        %add3A_261 = arith.constant 48 : i32
        %add3A_262 = arith.addi %and3A_240, %add3A_261 : i32
        %get3A_263 = arith.index_cast %add3A_244 : i32 to index
        %get3A_264 = arith.index_cast %add3A_262 : i32 to index
        %get3A_265 = tpu.vector_load %arg9[%get3A_263, %get3A_264] {strides = array<i32>} : memref<352x128xf32, #tpu.memory_space<vmem>>, vector<16xf32>,
        %mul3A_266 = arith.mulf %get3A_265, %get3A_233 : vector<16xf32>
        %add3A_267 = arith.addf %mul3A_248, %mul3A_254 : vector<16xf32>
        %add3A_268 = arith.addf %mul3A_260, %mul3A_266 : vector<16xf32>
        %add3A_269 = arith.addf %add3A_267, %add3A_268 : vector<16xf32>
        %reduce_sum3A = arith.constant true
        %reduce_sum3A_270 = vector.broadcast %reduce_sum3A : i1 to vector<16xi1>
        %reduce_sum3A_271 = tpu.scan <sum>, %add3A_269 masked %reduce_sum3A_270 : vector<16xf32>, vector<16xi1> -> vector<16xf32>
        %reduce_sum3A_272 = vector.extract %reduce_sum3A_271[15] : f32 from vector<16xf32>
        %eq3A = arith.constant 0 : i32
        %eq3A_273 = vector.broadcast %eq3A : i32 to vector<16xi32>
        %eq3A_274 = arith.cmpi eq, %iota3A, %eq3A_273 : vector<16xi32>
        %broadcast_in_dim3A_275 = vector.broadcast %reduce_sum3A_272 : f32 to vector<16xf32>
        %select_n3A = arith.select %eq3A_274, %broadcast_in_dim3A_275, %broadcast_in_dim3A_234 : vector<16xi1>, vector<16xf32>
        %slice3A_276 = vector.extract_strided_slice %get3A_198 {offsets = [1], sizes = [1], strides = [1]} : vector<16xi32> to vector<1xi32>
        %squeeze3A_277 = vector.extract %slice3A_276[0] : i32 from vector<1xi32>
        %and3A_278 = arith.constant 64 : i32
        %and3A_279 = arith.andi %squeeze3A_277, %and3A_278 : i32
        %mul3A_280 = arith.constant 21 : i32
        %mul3A_281 = arith.muli %scan3A_193, %mul3A_280 : i32
        %add3A_282 = arith.constant 1 : i32
        %add3A_283 = arith.addi %mul3A_281, %add3A_282 : i32
        %get3A_284 = arith.index_cast %add3A_283 : i32 to index
        %get3A_285 = arith.index_cast %and3A_279 : i32 to index
        %get3A_286 = tpu.vector_load %arg9[%get3A_284, %get3A_285] {strides = array<i32>} : memref<352x128xf32, #tpu.memory_space<vmem>>, vector<16xf32>,
        %mul3A_287 = arith.mulf %get3A_286, %get3A_218 : vector<16xf32>
        %add3A_288 = arith.constant 16 : i32
        %add3A_289 = arith.addi %and3A_279, %add3A_288 : i32
        %get3A_290 = arith.index_cast %add3A_283 : i32 to index
        %get3A_291 = arith.index_cast %add3A_289 : i32 to index
        %get3A_292 = tpu.vector_load %arg9[%get3A_290, %get3A_291] {strides = array<i32>} : memref<352x128xf32, #tpu.memory_space<vmem>>, vector<16xf32>,
        %mul3A_293 = arith.mulf %get3A_292, %get3A_223 : vector<16xf32>
        %add3A_294 = arith.constant 32 : i32
        %add3A_295 = arith.addi %and3A_279, %add3A_294 : i32
        %get3A_296 = arith.index_cast %add3A_283 : i32 to index
        %get3A_297 = arith.index_cast %add3A_295 : i32 to index
        %get3A_298 = tpu.vector_load %arg9[%get3A_296, %get3A_297] {strides = array<i32>} : memref<352x128xf32, #tpu.memory_space<vmem>>, vector<16xf32>,
        %mul3A_299 = arith.mulf %get3A_298, %get3A_228 : vector<16xf32>
        %add3A_300 = arith.constant 48 : i32
        %add3A_301 = arith.addi %and3A_279, %add3A_300 : i32
        %get3A_302 = arith.index_cast %add3A_283 : i32 to index
        %get3A_303 = arith.index_cast %add3A_301 : i32 to index
        %get3A_304 = tpu.vector_load %arg9[%get3A_302, %get3A_303] {strides = array<i32>} : memref<352x128xf32, #tpu.memory_space<vmem>>, vector<16xf32>,
        %mul3A_305 = arith.mulf %get3A_304, %get3A_233 : vector<16xf32>
        %add3A_306 = arith.addf %mul3A_287, %mul3A_293 : vector<16xf32>
        %add3A_307 = arith.addf %mul3A_299, %mul3A_305 : vector<16xf32>
        %add3A_308 = arith.addf %add3A_306, %add3A_307 : vector<16xf32>
        %reduce_sum3A_309 = arith.constant true
        %reduce_sum3A_310 = vector.broadcast %reduce_sum3A_309 : i1 to vector<16xi1>
        %reduce_sum3A_311 = tpu.scan <sum>, %add3A_308 masked %reduce_sum3A_310 : vector<16xf32>, vector<16xi1> -> vector<16xf32>
        %reduce_sum3A_312 = vector.extract %reduce_sum3A_311[15] : f32 from vector<16xf32>
        %eq3A_313 = arith.constant 1 : i32
        %eq3A_314 = vector.broadcast %eq3A_313 : i32 to vector<16xi32>
        %eq3A_315 = arith.cmpi eq, %iota3A, %eq3A_314 : vector<16xi32>
        %broadcast_in_dim3A_316 = vector.broadcast %reduce_sum3A_312 : f32 to vector<16xf32>
        %select_n3A_317 = arith.select %eq3A_315, %broadcast_in_dim3A_316, %select_n3A : vector<16xi1>, vector<16xf32>
        %slice3A_318 = vector.extract_strided_slice %get3A_198 {offsets = [2], sizes = [1], strides = [1]} : vector<16xi32> to vector<1xi32>
        %squeeze3A_319 = vector.extract %slice3A_318[0] : i32 from vector<1xi32>
        %and3A_320 = arith.constant 64 : i32
        %and3A_321 = arith.andi %squeeze3A_319, %and3A_320 : i32
        %mul3A_322 = arith.constant 21 : i32
        %mul3A_323 = arith.muli %scan3A_193, %mul3A_322 : i32
        %add3A_324 = arith.constant 2 : i32
        %add3A_325 = arith.addi %mul3A_323, %add3A_324 : i32
        %get3A_326 = arith.index_cast %add3A_325 : i32 to index
        %get3A_327 = arith.index_cast %and3A_321 : i32 to index
        %get3A_328 = tpu.vector_load %arg9[%get3A_326, %get3A_327] {strides = array<i32>} : memref<352x128xf32, #tpu.memory_space<vmem>>, vector<16xf32>,
        %mul3A_329 = arith.mulf %get3A_328, %get3A_218 : vector<16xf32>
        %add3A_330 = arith.constant 16 : i32
        %add3A_331 = arith.addi %and3A_321, %add3A_330 : i32
        %get3A_332 = arith.index_cast %add3A_325 : i32 to index
        %get3A_333 = arith.index_cast %add3A_331 : i32 to index
        %get3A_334 = tpu.vector_load %arg9[%get3A_332, %get3A_333] {strides = array<i32>} : memref<352x128xf32, #tpu.memory_space<vmem>>, vector<16xf32>,
        %mul3A_335 = arith.mulf %get3A_334, %get3A_223 : vector<16xf32>
        %add3A_336 = arith.constant 32 : i32
        %add3A_337 = arith.addi %and3A_321, %add3A_336 : i32
        %get3A_338 = arith.index_cast %add3A_325 : i32 to index
        %get3A_339 = arith.index_cast %add3A_337 : i32 to index
        %get3A_340 = tpu.vector_load %arg9[%get3A_338, %get3A_339] {strides = array<i32>} : memref<352x128xf32, #tpu.memory_space<vmem>>, vector<16xf32>,
        %mul3A_341 = arith.mulf %get3A_340, %get3A_228 : vector<16xf32>
        %add3A_342 = arith.constant 48 : i32
        %add3A_343 = arith.addi %and3A_321, %add3A_342 : i32
        %get3A_344 = arith.index_cast %add3A_325 : i32 to index
        %get3A_345 = arith.index_cast %add3A_343 : i32 to index
        %get3A_346 = tpu.vector_load %arg9[%get3A_344, %get3A_345] {strides = array<i32>} : memref<352x128xf32, #tpu.memory_space<vmem>>, vector<16xf32>,
        %mul3A_347 = arith.mulf %get3A_346, %get3A_233 : vector<16xf32>
        %add3A_348 = arith.addf %mul3A_329, %mul3A_335 : vector<16xf32>
        %add3A_349 = arith.addf %mul3A_341, %mul3A_347 : vector<16xf32>
        %add3A_350 = arith.addf %add3A_348, %add3A_349 : vector<16xf32>
        %reduce_sum3A_351 = arith.constant true
        %reduce_sum3A_352 = vector.broadcast %reduce_sum3A_351 : i1 to vector<16xi1>
        %reduce_sum3A_353 = tpu.scan <sum>, %add3A_350 masked %reduce_sum3A_352 : vector<16xf32>, vector<16xi1> -> vector<16xf32>
        %reduce_sum3A_354 = vector.extract %reduce_sum3A_353[15] : f32 from vector<16xf32>
        %eq3A_355 = arith.constant 2 : i32
        %eq3A_356 = vector.broadcast %eq3A_355 : i32 to vector<16xi32>
        %eq3A_357 = arith.cmpi eq, %iota3A, %eq3A_356 : vector<16xi32>
        %broadcast_in_dim3A_358 = vector.broadcast %reduce_sum3A_354 : f32 to vector<16xf32>
        %select_n3A_359 = arith.select %eq3A_357, %broadcast_in_dim3A_358, %select_n3A_317 : vector<16xi1>, vector<16xf32>
        %slice3A_360 = vector.extract_strided_slice %get3A_198 {offsets = [3], sizes = [1], strides = [1]} : vector<16xi32> to vector<1xi32>
        %squeeze3A_361 = vector.extract %slice3A_360[0] : i32 from vector<1xi32>
        %and3A_362 = arith.constant 64 : i32
        %and3A_363 = arith.andi %squeeze3A_361, %and3A_362 : i32
        %mul3A_364 = arith.constant 21 : i32
        %mul3A_365 = arith.muli %scan3A_193, %mul3A_364 : i32
        %add3A_366 = arith.constant 3 : i32
        %add3A_367 = arith.addi %mul3A_365, %add3A_366 : i32
        %get3A_368 = arith.index_cast %add3A_367 : i32 to index
        %get3A_369 = arith.index_cast %and3A_363 : i32 to index
        %get3A_370 = tpu.vector_load %arg9[%get3A_368, %get3A_369] {strides = array<i32>} : memref<352x128xf32, #tpu.memory_space<vmem>>, vector<16xf32>,
        %mul3A_371 = arith.mulf %get3A_370, %get3A_218 : vector<16xf32>
        %add3A_372 = arith.constant 16 : i32
        %add3A_373 = arith.addi %and3A_363, %add3A_372 : i32
        %get3A_374 = arith.index_cast %add3A_367 : i32 to index
        %get3A_375 = arith.index_cast %add3A_373 : i32 to index
        %get3A_376 = tpu.vector_load %arg9[%get3A_374, %get3A_375] {strides = array<i32>} : memref<352x128xf32, #tpu.memory_space<vmem>>, vector<16xf32>,
        %mul3A_377 = arith.mulf %get3A_376, %get3A_223 : vector<16xf32>
        %add3A_378 = arith.constant 32 : i32
        %add3A_379 = arith.addi %and3A_363, %add3A_378 : i32
        %get3A_380 = arith.index_cast %add3A_367 : i32 to index
        %get3A_381 = arith.index_cast %add3A_379 : i32 to index
        %get3A_382 = tpu.vector_load %arg9[%get3A_380, %get3A_381] {strides = array<i32>} : memref<352x128xf32, #tpu.memory_space<vmem>>, vector<16xf32>,
        %mul3A_383 = arith.mulf %get3A_382, %get3A_228 : vector<16xf32>
        %add3A_384 = arith.constant 48 : i32
        %add3A_385 = arith.addi %and3A_363, %add3A_384 : i32
        %get3A_386 = arith.index_cast %add3A_367 : i32 to index
        %get3A_387 = arith.index_cast %add3A_385 : i32 to index
        %get3A_388 = tpu.vector_load %arg9[%get3A_386, %get3A_387] {strides = array<i32>} : memref<352x128xf32, #tpu.memory_space<vmem>>, vector<16xf32>,
        %mul3A_389 = arith.mulf %get3A_388, %get3A_233 : vector<16xf32>
        %add3A_390 = arith.addf %mul3A_371, %mul3A_377 : vector<16xf32>
        %add3A_391 = arith.addf %mul3A_383, %mul3A_389 : vector<16xf32>
        %add3A_392 = arith.addf %add3A_390, %add3A_391 : vector<16xf32>
        %reduce_sum3A_393 = arith.constant true
        %reduce_sum3A_394 = vector.broadcast %reduce_sum3A_393 : i1 to vector<16xi1>
        %reduce_sum3A_395 = tpu.scan <sum>, %add3A_392 masked %reduce_sum3A_394 : vector<16xf32>, vector<16xi1> -> vector<16xf32>
        %reduce_sum3A_396 = vector.extract %reduce_sum3A_395[15] : f32 from vector<16xf32>
        %eq3A_397 = arith.constant 3 : i32
        %eq3A_398 = vector.broadcast %eq3A_397 : i32 to vector<16xi32>
        %eq3A_399 = arith.cmpi eq, %iota3A, %eq3A_398 : vector<16xi32>
        %broadcast_in_dim3A_400 = vector.broadcast %reduce_sum3A_396 : f32 to vector<16xf32>
        %select_n3A_401 = arith.select %eq3A_399, %broadcast_in_dim3A_400, %select_n3A_359 : vector<16xi1>, vector<16xf32>
        %slice3A_402 = vector.extract_strided_slice %get3A_198 {offsets = [4], sizes = [1], strides = [1]} : vector<16xi32> to vector<1xi32>
        %squeeze3A_403 = vector.extract %slice3A_402[0] : i32 from vector<1xi32>
        %and3A_404 = arith.constant 64 : i32
        %and3A_405 = arith.andi %squeeze3A_403, %and3A_404 : i32
        %mul3A_406 = arith.constant 21 : i32
        %mul3A_407 = arith.muli %scan3A_193, %mul3A_406 : i32
        %add3A_408 = arith.constant 4 : i32
        %add3A_409 = arith.addi %mul3A_407, %add3A_408 : i32
        %get3A_410 = arith.index_cast %add3A_409 : i32 to index
        %get3A_411 = arith.index_cast %and3A_405 : i32 to index
        %get3A_412 = tpu.vector_load %arg9[%get3A_410, %get3A_411] {strides = array<i32>} : memref<352x128xf32, #tpu.memory_space<vmem>>, vector<16xf32>,
        %mul3A_413 = arith.mulf %get3A_412, %get3A_218 : vector<16xf32>
        %add3A_414 = arith.constant 16 : i32
        %add3A_415 = arith.addi %and3A_405, %add3A_414 : i32
        %get3A_416 = arith.index_cast %add3A_409 : i32 to index
        %get3A_417 = arith.index_cast %add3A_415 : i32 to index
        %get3A_418 = tpu.vector_load %arg9[%get3A_416, %get3A_417] {strides = array<i32>} : memref<352x128xf32, #tpu.memory_space<vmem>>, vector<16xf32>,
        %mul3A_419 = arith.mulf %get3A_418, %get3A_223 : vector<16xf32>
        %add3A_420 = arith.constant 32 : i32
        %add3A_421 = arith.addi %and3A_405, %add3A_420 : i32
        %get3A_422 = arith.index_cast %add3A_409 : i32 to index
        %get3A_423 = arith.index_cast %add3A_421 : i32 to index
        %get3A_424 = tpu.vector_load %arg9[%get3A_422, %get3A_423] {strides = array<i32>} : memref<352x128xf32, #tpu.memory_space<vmem>>, vector<16xf32>,
        %mul3A_425 = arith.mulf %get3A_424, %get3A_228 : vector<16xf32>
        %add3A_426 = arith.constant 48 : i32
        %add3A_427 = arith.addi %and3A_405, %add3A_426 : i32
        %get3A_428 = arith.index_cast %add3A_409 : i32 to index
        %get3A_429 = arith.index_cast %add3A_427 : i32 to index
        %get3A_430 = tpu.vector_load %arg9[%get3A_428, %get3A_429] {strides = array<i32>} : memref<352x128xf32, #tpu.memory_space<vmem>>, vector<16xf32>,
        %mul3A_431 = arith.mulf %get3A_430, %get3A_233 : vector<16xf32>
        %add3A_432 = arith.addf %mul3A_413, %mul3A_419 : vector<16xf32>
        %add3A_433 = arith.addf %mul3A_425, %mul3A_431 : vector<16xf32>
        %add3A_434 = arith.addf %add3A_432, %add3A_433 : vector<16xf32>
        %reduce_sum3A_435 = arith.constant true
        %reduce_sum3A_436 = vector.broadcast %reduce_sum3A_435 : i1 to vector<16xi1>
        %reduce_sum3A_437 = tpu.scan <sum>, %add3A_434 masked %reduce_sum3A_436 : vector<16xf32>, vector<16xi1> -> vector<16xf32>
        %reduce_sum3A_438 = vector.extract %reduce_sum3A_437[15] : f32 from vector<16xf32>
        %eq3A_439 = arith.constant 4 : i32
        %eq3A_440 = vector.broadcast %eq3A_439 : i32 to vector<16xi32>
        %eq3A_441 = arith.cmpi eq, %iota3A, %eq3A_440 : vector<16xi32>
        %broadcast_in_dim3A_442 = vector.broadcast %reduce_sum3A_438 : f32 to vector<16xf32>
        %select_n3A_443 = arith.select %eq3A_441, %broadcast_in_dim3A_442, %select_n3A_401 : vector<16xi1>, vector<16xf32>
        %slice3A_444 = vector.extract_strided_slice %get3A_198 {offsets = [5], sizes = [1], strides = [1]} : vector<16xi32> to vector<1xi32>
        %squeeze3A_445 = vector.extract %slice3A_444[0] : i32 from vector<1xi32>
        %and3A_446 = arith.constant 64 : i32
        %and3A_447 = arith.andi %squeeze3A_445, %and3A_446 : i32
        %mul3A_448 = arith.constant 21 : i32
        %mul3A_449 = arith.muli %scan3A_193, %mul3A_448 : i32
        %add3A_450 = arith.constant 5 : i32
        %add3A_451 = arith.addi %mul3A_449, %add3A_450 : i32
        %get3A_452 = arith.index_cast %add3A_451 : i32 to index
        %get3A_453 = arith.index_cast %and3A_447 : i32 to index
        %get3A_454 = tpu.vector_load %arg9[%get3A_452, %get3A_453] {strides = array<i32>} : memref<352x128xf32, #tpu.memory_space<vmem>>, vector<16xf32>,
        %mul3A_455 = arith.mulf %get3A_454, %get3A_218 : vector<16xf32>
        %add3A_456 = arith.constant 16 : i32
        %add3A_457 = arith.addi %and3A_447, %add3A_456 : i32
        %get3A_458 = arith.index_cast %add3A_451 : i32 to index
        %get3A_459 = arith.index_cast %add3A_457 : i32 to index
        %get3A_460 = tpu.vector_load %arg9[%get3A_458, %get3A_459] {strides = array<i32>} : memref<352x128xf32, #tpu.memory_space<vmem>>, vector<16xf32>,
        %mul3A_461 = arith.mulf %get3A_460, %get3A_223 : vector<16xf32>
        %add3A_462 = arith.constant 32 : i32
        %add3A_463 = arith.addi %and3A_447, %add3A_462 : i32
        %get3A_464 = arith.index_cast %add3A_451 : i32 to index
        %get3A_465 = arith.index_cast %add3A_463 : i32 to index
        %get3A_466 = tpu.vector_load %arg9[%get3A_464, %get3A_465] {strides = array<i32>} : memref<352x128xf32, #tpu.memory_space<vmem>>, vector<16xf32>,
        %mul3A_467 = arith.mulf %get3A_466, %get3A_228 : vector<16xf32>
        %add3A_468 = arith.constant 48 : i32
        %add3A_469 = arith.addi %and3A_447, %add3A_468 : i32
        %get3A_470 = arith.index_cast %add3A_451 : i32 to index
        %get3A_471 = arith.index_cast %add3A_469 : i32 to index
        %get3A_472 = tpu.vector_load %arg9[%get3A_470, %get3A_471] {strides = array<i32>} : memref<352x128xf32, #tpu.memory_space<vmem>>, vector<16xf32>,
        %mul3A_473 = arith.mulf %get3A_472, %get3A_233 : vector<16xf32>
        %add3A_474 = arith.addf %mul3A_455, %mul3A_461 : vector<16xf32>
        %add3A_475 = arith.addf %mul3A_467, %mul3A_473 : vector<16xf32>
        %add3A_476 = arith.addf %add3A_474, %add3A_475 : vector<16xf32>
        %reduce_sum3A_477 = arith.constant true
        %reduce_sum3A_478 = vector.broadcast %reduce_sum3A_477 : i1 to vector<16xi1>
        %reduce_sum3A_479 = tpu.scan <sum>, %add3A_476 masked %reduce_sum3A_478 : vector<16xf32>, vector<16xi1> -> vector<16xf32>
        %reduce_sum3A_480 = vector.extract %reduce_sum3A_479[15] : f32 from vector<16xf32>
        %eq3A_481 = arith.constant 5 : i32
        %eq3A_482 = vector.broadcast %eq3A_481 : i32 to vector<16xi32>
        %eq3A_483 = arith.cmpi eq, %iota3A, %eq3A_482 : vector<16xi32>
        %broadcast_in_dim3A_484 = vector.broadcast %reduce_sum3A_480 : f32 to vector<16xf32>
        %select_n3A_485 = arith.select %eq3A_483, %broadcast_in_dim3A_484, %select_n3A_443 : vector<16xi1>, vector<16xf32>
        %slice3A_486 = vector.extract_strided_slice %get3A_198 {offsets = [6], sizes = [1], strides = [1]} : vector<16xi32> to vector<1xi32>
        %squeeze3A_487 = vector.extract %slice3A_486[0] : i32 from vector<1xi32>
        %and3A_488 = arith.constant 64 : i32
        %and3A_489 = arith.andi %squeeze3A_487, %and3A_488 : i32
        %mul3A_490 = arith.constant 21 : i32
        %mul3A_491 = arith.muli %scan3A_193, %mul3A_490 : i32
        %add3A_492 = arith.constant 6 : i32
        %add3A_493 = arith.addi %mul3A_491, %add3A_492 : i32
        %get3A_494 = arith.index_cast %add3A_493 : i32 to index
        %get3A_495 = arith.index_cast %and3A_489 : i32 to index
        %get3A_496 = tpu.vector_load %arg9[%get3A_494, %get3A_495] {strides = array<i32>} : memref<352x128xf32, #tpu.memory_space<vmem>>, vector<16xf32>,
        %mul3A_497 = arith.mulf %get3A_496, %get3A_218 : vector<16xf32>
        %add3A_498 = arith.constant 16 : i32
        %add3A_499 = arith.addi %and3A_489, %add3A_498 : i32
        %get3A_500 = arith.index_cast %add3A_493 : i32 to index
        %get3A_501 = arith.index_cast %add3A_499 : i32 to index
        %get3A_502 = tpu.vector_load %arg9[%get3A_500, %get3A_501] {strides = array<i32>} : memref<352x128xf32, #tpu.memory_space<vmem>>, vector<16xf32>,
        %mul3A_503 = arith.mulf %get3A_502, %get3A_223 : vector<16xf32>
        %add3A_504 = arith.constant 32 : i32
        %add3A_505 = arith.addi %and3A_489, %add3A_504 : i32
        %get3A_506 = arith.index_cast %add3A_493 : i32 to index
        %get3A_507 = arith.index_cast %add3A_505 : i32 to index
        %get3A_508 = tpu.vector_load %arg9[%get3A_506, %get3A_507] {strides = array<i32>} : memref<352x128xf32, #tpu.memory_space<vmem>>, vector<16xf32>,
        %mul3A_509 = arith.mulf %get3A_508, %get3A_228 : vector<16xf32>
        %add3A_510 = arith.constant 48 : i32
        %add3A_511 = arith.addi %and3A_489, %add3A_510 : i32
        %get3A_512 = arith.index_cast %add3A_493 : i32 to index
        %get3A_513 = arith.index_cast %add3A_511 : i32 to index
        %get3A_514 = tpu.vector_load %arg9[%get3A_512, %get3A_513] {strides = array<i32>} : memref<352x128xf32, #tpu.memory_space<vmem>>, vector<16xf32>,
        %mul3A_515 = arith.mulf %get3A_514, %get3A_233 : vector<16xf32>
        %add3A_516 = arith.addf %mul3A_497, %mul3A_503 : vector<16xf32>
        %add3A_517 = arith.addf %mul3A_509, %mul3A_515 : vector<16xf32>
        %add3A_518 = arith.addf %add3A_516, %add3A_517 : vector<16xf32>
        %reduce_sum3A_519 = arith.constant true
        %reduce_sum3A_520 = vector.broadcast %reduce_sum3A_519 : i1 to vector<16xi1>
        %reduce_sum3A_521 = tpu.scan <sum>, %add3A_518 masked %reduce_sum3A_520 : vector<16xf32>, vector<16xi1> -> vector<16xf32>
        %reduce_sum3A_522 = vector.extract %reduce_sum3A_521[15] : f32 from vector<16xf32>
        %eq3A_523 = arith.constant 6 : i32
        %eq3A_524 = vector.broadcast %eq3A_523 : i32 to vector<16xi32>
        %eq3A_525 = arith.cmpi eq, %iota3A, %eq3A_524 : vector<16xi32>
        %broadcast_in_dim3A_526 = vector.broadcast %reduce_sum3A_522 : f32 to vector<16xf32>
        %select_n3A_527 = arith.select %eq3A_525, %broadcast_in_dim3A_526, %select_n3A_485 : vector<16xi1>, vector<16xf32>
        %slice3A_528 = vector.extract_strided_slice %get3A_198 {offsets = [7], sizes = [1], strides = [1]} : vector<16xi32> to vector<1xi32>
        %squeeze3A_529 = vector.extract %slice3A_528[0] : i32 from vector<1xi32>
        %and3A_530 = arith.constant 64 : i32
        %and3A_531 = arith.andi %squeeze3A_529, %and3A_530 : i32
        %mul3A_532 = arith.constant 21 : i32
        %mul3A_533 = arith.muli %scan3A_193, %mul3A_532 : i32
        %add3A_534 = arith.constant 7 : i32
        %add3A_535 = arith.addi %mul3A_533, %add3A_534 : i32
        %get3A_536 = arith.index_cast %add3A_535 : i32 to index
        %get3A_537 = arith.index_cast %and3A_531 : i32 to index
        %get3A_538 = tpu.vector_load %arg9[%get3A_536, %get3A_537] {strides = array<i32>} : memref<352x128xf32, #tpu.memory_space<vmem>>, vector<16xf32>,
        %mul3A_539 = arith.mulf %get3A_538, %get3A_218 : vector<16xf32>
        %add3A_540 = arith.constant 16 : i32
        %add3A_541 = arith.addi %and3A_531, %add3A_540 : i32
        %get3A_542 = arith.index_cast %add3A_535 : i32 to index
        %get3A_543 = arith.index_cast %add3A_541 : i32 to index
        %get3A_544 = tpu.vector_load %arg9[%get3A_542, %get3A_543] {strides = array<i32>} : memref<352x128xf32, #tpu.memory_space<vmem>>, vector<16xf32>,
        %mul3A_545 = arith.mulf %get3A_544, %get3A_223 : vector<16xf32>
        %add3A_546 = arith.constant 32 : i32
        %add3A_547 = arith.addi %and3A_531, %add3A_546 : i32
        %get3A_548 = arith.index_cast %add3A_535 : i32 to index
        %get3A_549 = arith.index_cast %add3A_547 : i32 to index
        %get3A_550 = tpu.vector_load %arg9[%get3A_548, %get3A_549] {strides = array<i32>} : memref<352x128xf32, #tpu.memory_space<vmem>>, vector<16xf32>,
        %mul3A_551 = arith.mulf %get3A_550, %get3A_228 : vector<16xf32>
        %add3A_552 = arith.constant 48 : i32
        %add3A_553 = arith.addi %and3A_531, %add3A_552 : i32
        %get3A_554 = arith.index_cast %add3A_535 : i32 to index
        %get3A_555 = arith.index_cast %add3A_553 : i32 to index
        %get3A_556 = tpu.vector_load %arg9[%get3A_554, %get3A_555] {strides = array<i32>} : memref<352x128xf32, #tpu.memory_space<vmem>>, vector<16xf32>,
        %mul3A_557 = arith.mulf %get3A_556, %get3A_233 : vector<16xf32>
        %add3A_558 = arith.addf %mul3A_539, %mul3A_545 : vector<16xf32>
        %add3A_559 = arith.addf %mul3A_551, %mul3A_557 : vector<16xf32>
        %add3A_560 = arith.addf %add3A_558, %add3A_559 : vector<16xf32>
        %reduce_sum3A_561 = arith.constant true
        %reduce_sum3A_562 = vector.broadcast %reduce_sum3A_561 : i1 to vector<16xi1>
        %reduce_sum3A_563 = tpu.scan <sum>, %add3A_560 masked %reduce_sum3A_562 : vector<16xf32>, vector<16xi1> -> vector<16xf32>
        %reduce_sum3A_564 = vector.extract %reduce_sum3A_563[15] : f32 from vector<16xf32>
        %eq3A_565 = arith.constant 7 : i32
        %eq3A_566 = vector.broadcast %eq3A_565 : i32 to vector<16xi32>
        %eq3A_567 = arith.cmpi eq, %iota3A, %eq3A_566 : vector<16xi32>
        %broadcast_in_dim3A_568 = vector.broadcast %reduce_sum3A_564 : f32 to vector<16xf32>
        %select_n3A_569 = arith.select %eq3A_567, %broadcast_in_dim3A_568, %select_n3A_527 : vector<16xi1>, vector<16xf32>
        %slice3A_570 = vector.extract_strided_slice %get3A_198 {offsets = [8], sizes = [1], strides = [1]} : vector<16xi32> to vector<1xi32>
        %squeeze3A_571 = vector.extract %slice3A_570[0] : i32 from vector<1xi32>
        %and3A_572 = arith.constant 64 : i32
        %and3A_573 = arith.andi %squeeze3A_571, %and3A_572 : i32
        %mul3A_574 = arith.constant 21 : i32
        %mul3A_575 = arith.muli %scan3A_193, %mul3A_574 : i32
        %add3A_576 = arith.constant 8 : i32
        %add3A_577 = arith.addi %mul3A_575, %add3A_576 : i32
        %get3A_578 = arith.index_cast %add3A_577 : i32 to index
        %get3A_579 = arith.index_cast %and3A_573 : i32 to index
        %get3A_580 = tpu.vector_load %arg9[%get3A_578, %get3A_579] {strides = array<i32>} : memref<352x128xf32, #tpu.memory_space<vmem>>, vector<16xf32>,
        %mul3A_581 = arith.mulf %get3A_580, %get3A_218 : vector<16xf32>
        %add3A_582 = arith.constant 16 : i32
        %add3A_583 = arith.addi %and3A_573, %add3A_582 : i32
        %get3A_584 = arith.index_cast %add3A_577 : i32 to index
        %get3A_585 = arith.index_cast %add3A_583 : i32 to index
        %get3A_586 = tpu.vector_load %arg9[%get3A_584, %get3A_585] {strides = array<i32>} : memref<352x128xf32, #tpu.memory_space<vmem>>, vector<16xf32>,
        %mul3A_587 = arith.mulf %get3A_586, %get3A_223 : vector<16xf32>
        %add3A_588 = arith.constant 32 : i32
        %add3A_589 = arith.addi %and3A_573, %add3A_588 : i32
        %get3A_590 = arith.index_cast %add3A_577 : i32 to index
        %get3A_591 = arith.index_cast %add3A_589 : i32 to index
        %get3A_592 = tpu.vector_load %arg9[%get3A_590, %get3A_591] {strides = array<i32>} : memref<352x128xf32, #tpu.memory_space<vmem>>, vector<16xf32>,
        %mul3A_593 = arith.mulf %get3A_592, %get3A_228 : vector<16xf32>
        %add3A_594 = arith.constant 48 : i32
        %add3A_595 = arith.addi %and3A_573, %add3A_594 : i32
        %get3A_596 = arith.index_cast %add3A_577 : i32 to index
        %get3A_597 = arith.index_cast %add3A_595 : i32 to index
        %get3A_598 = tpu.vector_load %arg9[%get3A_596, %get3A_597] {strides = array<i32>} : memref<352x128xf32, #tpu.memory_space<vmem>>, vector<16xf32>,
        %mul3A_599 = arith.mulf %get3A_598, %get3A_233 : vector<16xf32>
        %add3A_600 = arith.addf %mul3A_581, %mul3A_587 : vector<16xf32>
        %add3A_601 = arith.addf %mul3A_593, %mul3A_599 : vector<16xf32>
        %add3A_602 = arith.addf %add3A_600, %add3A_601 : vector<16xf32>
        %reduce_sum3A_603 = arith.constant true
        %reduce_sum3A_604 = vector.broadcast %reduce_sum3A_603 : i1 to vector<16xi1>
        %reduce_sum3A_605 = tpu.scan <sum>, %add3A_602 masked %reduce_sum3A_604 : vector<16xf32>, vector<16xi1> -> vector<16xf32>
        %reduce_sum3A_606 = vector.extract %reduce_sum3A_605[15] : f32 from vector<16xf32>
        %eq3A_607 = arith.constant 8 : i32
        %eq3A_608 = vector.broadcast %eq3A_607 : i32 to vector<16xi32>
        %eq3A_609 = arith.cmpi eq, %iota3A, %eq3A_608 : vector<16xi32>
        %broadcast_in_dim3A_610 = vector.broadcast %reduce_sum3A_606 : f32 to vector<16xf32>
        %select_n3A_611 = arith.select %eq3A_609, %broadcast_in_dim3A_610, %select_n3A_569 : vector<16xi1>, vector<16xf32>
        %slice3A_612 = vector.extract_strided_slice %get3A_198 {offsets = [9], sizes = [1], strides = [1]} : vector<16xi32> to vector<1xi32>
        %squeeze3A_613 = vector.extract %slice3A_612[0] : i32 from vector<1xi32>
        %and3A_614 = arith.constant 64 : i32
        %and3A_615 = arith.andi %squeeze3A_613, %and3A_614 : i32
        %mul3A_616 = arith.constant 21 : i32
        %mul3A_617 = arith.muli %scan3A_193, %mul3A_616 : i32
        %add3A_618 = arith.constant 9 : i32
        %add3A_619 = arith.addi %mul3A_617, %add3A_618 : i32
        %get3A_620 = arith.index_cast %add3A_619 : i32 to index
        %get3A_621 = arith.index_cast %and3A_615 : i32 to index
        %get3A_622 = tpu.vector_load %arg9[%get3A_620, %get3A_621] {strides = array<i32>} : memref<352x128xf32, #tpu.memory_space<vmem>>, vector<16xf32>,
        %mul3A_623 = arith.mulf %get3A_622, %get3A_218 : vector<16xf32>
        %add3A_624 = arith.constant 16 : i32
        %add3A_625 = arith.addi %and3A_615, %add3A_624 : i32
        %get3A_626 = arith.index_cast %add3A_619 : i32 to index
        %get3A_627 = arith.index_cast %add3A_625 : i32 to index
        %get3A_628 = tpu.vector_load %arg9[%get3A_626, %get3A_627] {strides = array<i32>} : memref<352x128xf32, #tpu.memory_space<vmem>>, vector<16xf32>,
        %mul3A_629 = arith.mulf %get3A_628, %get3A_223 : vector<16xf32>
        %add3A_630 = arith.constant 32 : i32
        %add3A_631 = arith.addi %and3A_615, %add3A_630 : i32
        %get3A_632 = arith.index_cast %add3A_619 : i32 to index
        %get3A_633 = arith.index_cast %add3A_631 : i32 to index
        %get3A_634 = tpu.vector_load %arg9[%get3A_632, %get3A_633] {strides = array<i32>} : memref<352x128xf32, #tpu.memory_space<vmem>>, vector<16xf32>,
        %mul3A_635 = arith.mulf %get3A_634, %get3A_228 : vector<16xf32>
        %add3A_636 = arith.constant 48 : i32
        %add3A_637 = arith.addi %and3A_615, %add3A_636 : i32
        %get3A_638 = arith.index_cast %add3A_619 : i32 to index
        %get3A_639 = arith.index_cast %add3A_637 : i32 to index
        %get3A_640 = tpu.vector_load %arg9[%get3A_638, %get3A_639] {strides = array<i32>} : memref<352x128xf32, #tpu.memory_space<vmem>>, vector<16xf32>,
        %mul3A_641 = arith.mulf %get3A_640, %get3A_233 : vector<16xf32>
        %add3A_642 = arith.addf %mul3A_623, %mul3A_629 : vector<16xf32>
        %add3A_643 = arith.addf %mul3A_635, %mul3A_641 : vector<16xf32>
        %add3A_644 = arith.addf %add3A_642, %add3A_643 : vector<16xf32>
        %reduce_sum3A_645 = arith.constant true
        %reduce_sum3A_646 = vector.broadcast %reduce_sum3A_645 : i1 to vector<16xi1>
        %reduce_sum3A_647 = tpu.scan <sum>, %add3A_644 masked %reduce_sum3A_646 : vector<16xf32>, vector<16xi1> -> vector<16xf32>
        %reduce_sum3A_648 = vector.extract %reduce_sum3A_647[15] : f32 from vector<16xf32>
        %eq3A_649 = arith.constant 9 : i32
        %eq3A_650 = vector.broadcast %eq3A_649 : i32 to vector<16xi32>
        %eq3A_651 = arith.cmpi eq, %iota3A, %eq3A_650 : vector<16xi32>
        %broadcast_in_dim3A_652 = vector.broadcast %reduce_sum3A_648 : f32 to vector<16xf32>
        %select_n3A_653 = arith.select %eq3A_651, %broadcast_in_dim3A_652, %select_n3A_611 : vector<16xi1>, vector<16xf32>
        %slice3A_654 = vector.extract_strided_slice %get3A_198 {offsets = [10], sizes = [1], strides = [1]} : vector<16xi32> to vector<1xi32>
        %squeeze3A_655 = vector.extract %slice3A_654[0] : i32 from vector<1xi32>
        %and3A_656 = arith.constant 64 : i32
        %and3A_657 = arith.andi %squeeze3A_655, %and3A_656 : i32
        %mul3A_658 = arith.constant 21 : i32
        %mul3A_659 = arith.muli %scan3A_193, %mul3A_658 : i32
        %add3A_660 = arith.constant 10 : i32
        %add3A_661 = arith.addi %mul3A_659, %add3A_660 : i32
        %get3A_662 = arith.index_cast %add3A_661 : i32 to index
        %get3A_663 = arith.index_cast %and3A_657 : i32 to index
        %get3A_664 = tpu.vector_load %arg9[%get3A_662, %get3A_663] {strides = array<i32>} : memref<352x128xf32, #tpu.memory_space<vmem>>, vector<16xf32>,
        %mul3A_665 = arith.mulf %get3A_664, %get3A_218 : vector<16xf32>
        %add3A_666 = arith.constant 16 : i32
        %add3A_667 = arith.addi %and3A_657, %add3A_666 : i32
        %get3A_668 = arith.index_cast %add3A_661 : i32 to index
        %get3A_669 = arith.index_cast %add3A_667 : i32 to index
        %get3A_670 = tpu.vector_load %arg9[%get3A_668, %get3A_669] {strides = array<i32>} : memref<352x128xf32, #tpu.memory_space<vmem>>, vector<16xf32>,
        %mul3A_671 = arith.mulf %get3A_670, %get3A_223 : vector<16xf32>
        %add3A_672 = arith.constant 32 : i32
        %add3A_673 = arith.addi %and3A_657, %add3A_672 : i32
        %get3A_674 = arith.index_cast %add3A_661 : i32 to index
        %get3A_675 = arith.index_cast %add3A_673 : i32 to index
        %get3A_676 = tpu.vector_load %arg9[%get3A_674, %get3A_675] {strides = array<i32>} : memref<352x128xf32, #tpu.memory_space<vmem>>, vector<16xf32>,
        %mul3A_677 = arith.mulf %get3A_676, %get3A_228 : vector<16xf32>
        %add3A_678 = arith.constant 48 : i32
        %add3A_679 = arith.addi %and3A_657, %add3A_678 : i32
        %get3A_680 = arith.index_cast %add3A_661 : i32 to index
        %get3A_681 = arith.index_cast %add3A_679 : i32 to index
        %get3A_682 = tpu.vector_load %arg9[%get3A_680, %get3A_681] {strides = array<i32>} : memref<352x128xf32, #tpu.memory_space<vmem>>, vector<16xf32>,
        %mul3A_683 = arith.mulf %get3A_682, %get3A_233 : vector<16xf32>
        %add3A_684 = arith.addf %mul3A_665, %mul3A_671 : vector<16xf32>
        %add3A_685 = arith.addf %mul3A_677, %mul3A_683 : vector<16xf32>
        %add3A_686 = arith.addf %add3A_684, %add3A_685 : vector<16xf32>
        %reduce_sum3A_687 = arith.constant true
        %reduce_sum3A_688 = vector.broadcast %reduce_sum3A_687 : i1 to vector<16xi1>
        %reduce_sum3A_689 = tpu.scan <sum>, %add3A_686 masked %reduce_sum3A_688 : vector<16xf32>, vector<16xi1> -> vector<16xf32>
        %reduce_sum3A_690 = vector.extract %reduce_sum3A_689[15] : f32 from vector<16xf32>
        %eq3A_691 = arith.constant 10 : i32
        %eq3A_692 = vector.broadcast %eq3A_691 : i32 to vector<16xi32>
        %eq3A_693 = arith.cmpi eq, %iota3A, %eq3A_692 : vector<16xi32>
        %broadcast_in_dim3A_694 = vector.broadcast %reduce_sum3A_690 : f32 to vector<16xf32>
        %select_n3A_695 = arith.select %eq3A_693, %broadcast_in_dim3A_694, %select_n3A_653 : vector<16xi1>, vector<16xf32>
        %slice3A_696 = vector.extract_strided_slice %get3A_198 {offsets = [11], sizes = [1], strides = [1]} : vector<16xi32> to vector<1xi32>
        %squeeze3A_697 = vector.extract %slice3A_696[0] : i32 from vector<1xi32>
        %and3A_698 = arith.constant 64 : i32
        %and3A_699 = arith.andi %squeeze3A_697, %and3A_698 : i32
        %mul3A_700 = arith.constant 21 : i32
        %mul3A_701 = arith.muli %scan3A_193, %mul3A_700 : i32
        %add3A_702 = arith.constant 11 : i32
        %add3A_703 = arith.addi %mul3A_701, %add3A_702 : i32
        %get3A_704 = arith.index_cast %add3A_703 : i32 to index
        %get3A_705 = arith.index_cast %and3A_699 : i32 to index
        %get3A_706 = tpu.vector_load %arg9[%get3A_704, %get3A_705] {strides = array<i32>} : memref<352x128xf32, #tpu.memory_space<vmem>>, vector<16xf32>,
        %mul3A_707 = arith.mulf %get3A_706, %get3A_218 : vector<16xf32>
        %add3A_708 = arith.constant 16 : i32
        %add3A_709 = arith.addi %and3A_699, %add3A_708 : i32
        %get3A_710 = arith.index_cast %add3A_703 : i32 to index
        %get3A_711 = arith.index_cast %add3A_709 : i32 to index
        %get3A_712 = tpu.vector_load %arg9[%get3A_710, %get3A_711] {strides = array<i32>} : memref<352x128xf32, #tpu.memory_space<vmem>>, vector<16xf32>,
        %mul3A_713 = arith.mulf %get3A_712, %get3A_223 : vector<16xf32>
        %add3A_714 = arith.constant 32 : i32
        %add3A_715 = arith.addi %and3A_699, %add3A_714 : i32
        %get3A_716 = arith.index_cast %add3A_703 : i32 to index
        %get3A_717 = arith.index_cast %add3A_715 : i32 to index
        %get3A_718 = tpu.vector_load %arg9[%get3A_716, %get3A_717] {strides = array<i32>} : memref<352x128xf32, #tpu.memory_space<vmem>>, vector<16xf32>,
        %mul3A_719 = arith.mulf %get3A_718, %get3A_228 : vector<16xf32>
        %add3A_720 = arith.constant 48 : i32
        %add3A_721 = arith.addi %and3A_699, %add3A_720 : i32
        %get3A_722 = arith.index_cast %add3A_703 : i32 to index
        %get3A_723 = arith.index_cast %add3A_721 : i32 to index
        %get3A_724 = tpu.vector_load %arg9[%get3A_722, %get3A_723] {strides = array<i32>} : memref<352x128xf32, #tpu.memory_space<vmem>>, vector<16xf32>,
        %mul3A_725 = arith.mulf %get3A_724, %get3A_233 : vector<16xf32>
        %add3A_726 = arith.addf %mul3A_707, %mul3A_713 : vector<16xf32>
        %add3A_727 = arith.addf %mul3A_719, %mul3A_725 : vector<16xf32>
        %add3A_728 = arith.addf %add3A_726, %add3A_727 : vector<16xf32>
        %reduce_sum3A_729 = arith.constant true
        %reduce_sum3A_730 = vector.broadcast %reduce_sum3A_729 : i1 to vector<16xi1>
        %reduce_sum3A_731 = tpu.scan <sum>, %add3A_728 masked %reduce_sum3A_730 : vector<16xf32>, vector<16xi1> -> vector<16xf32>
        %reduce_sum3A_732 = vector.extract %reduce_sum3A_731[15] : f32 from vector<16xf32>
        %eq3A_733 = arith.constant 11 : i32
        %eq3A_734 = vector.broadcast %eq3A_733 : i32 to vector<16xi32>
        %eq3A_735 = arith.cmpi eq, %iota3A, %eq3A_734 : vector<16xi32>
        %broadcast_in_dim3A_736 = vector.broadcast %reduce_sum3A_732 : f32 to vector<16xf32>
        %select_n3A_737 = arith.select %eq3A_735, %broadcast_in_dim3A_736, %select_n3A_695 : vector<16xi1>, vector<16xf32>
        %slice3A_738 = vector.extract_strided_slice %get3A_198 {offsets = [12], sizes = [1], strides = [1]} : vector<16xi32> to vector<1xi32>
        %squeeze3A_739 = vector.extract %slice3A_738[0] : i32 from vector<1xi32>
        %and3A_740 = arith.constant 64 : i32
        %and3A_741 = arith.andi %squeeze3A_739, %and3A_740 : i32
        %mul3A_742 = arith.constant 21 : i32
        %mul3A_743 = arith.muli %scan3A_193, %mul3A_742 : i32
        %add3A_744 = arith.constant 12 : i32
        %add3A_745 = arith.addi %mul3A_743, %add3A_744 : i32
        %get3A_746 = arith.index_cast %add3A_745 : i32 to index
        %get3A_747 = arith.index_cast %and3A_741 : i32 to index
        %get3A_748 = tpu.vector_load %arg9[%get3A_746, %get3A_747] {strides = array<i32>} : memref<352x128xf32, #tpu.memory_space<vmem>>, vector<16xf32>,
        %mul3A_749 = arith.mulf %get3A_748, %get3A_218 : vector<16xf32>
        %add3A_750 = arith.constant 16 : i32
        %add3A_751 = arith.addi %and3A_741, %add3A_750 : i32
        %get3A_752 = arith.index_cast %add3A_745 : i32 to index
        %get3A_753 = arith.index_cast %add3A_751 : i32 to index
        %get3A_754 = tpu.vector_load %arg9[%get3A_752, %get3A_753] {strides = array<i32>} : memref<352x128xf32, #tpu.memory_space<vmem>>, vector<16xf32>,
        %mul3A_755 = arith.mulf %get3A_754, %get3A_223 : vector<16xf32>
        %add3A_756 = arith.constant 32 : i32
        %add3A_757 = arith.addi %and3A_741, %add3A_756 : i32
        %get3A_758 = arith.index_cast %add3A_745 : i32 to index
        %get3A_759 = arith.index_cast %add3A_757 : i32 to index
        %get3A_760 = tpu.vector_load %arg9[%get3A_758, %get3A_759] {strides = array<i32>} : memref<352x128xf32, #tpu.memory_space<vmem>>, vector<16xf32>,
        %mul3A_761 = arith.mulf %get3A_760, %get3A_228 : vector<16xf32>
        %add3A_762 = arith.constant 48 : i32
        %add3A_763 = arith.addi %and3A_741, %add3A_762 : i32
        %get3A_764 = arith.index_cast %add3A_745 : i32 to index
        %get3A_765 = arith.index_cast %add3A_763 : i32 to index
        %get3A_766 = tpu.vector_load %arg9[%get3A_764, %get3A_765] {strides = array<i32>} : memref<352x128xf32, #tpu.memory_space<vmem>>, vector<16xf32>,
        %mul3A_767 = arith.mulf %get3A_766, %get3A_233 : vector<16xf32>
        %add3A_768 = arith.addf %mul3A_749, %mul3A_755 : vector<16xf32>
        %add3A_769 = arith.addf %mul3A_761, %mul3A_767 : vector<16xf32>
        %add3A_770 = arith.addf %add3A_768, %add3A_769 : vector<16xf32>
        %reduce_sum3A_771 = arith.constant true
        %reduce_sum3A_772 = vector.broadcast %reduce_sum3A_771 : i1 to vector<16xi1>
        %reduce_sum3A_773 = tpu.scan <sum>, %add3A_770 masked %reduce_sum3A_772 : vector<16xf32>, vector<16xi1> -> vector<16xf32>
        %reduce_sum3A_774 = vector.extract %reduce_sum3A_773[15] : f32 from vector<16xf32>
        %eq3A_775 = arith.constant 12 : i32
        %eq3A_776 = vector.broadcast %eq3A_775 : i32 to vector<16xi32>
        %eq3A_777 = arith.cmpi eq, %iota3A, %eq3A_776 : vector<16xi32>
        %broadcast_in_dim3A_778 = vector.broadcast %reduce_sum3A_774 : f32 to vector<16xf32>
        %select_n3A_779 = arith.select %eq3A_777, %broadcast_in_dim3A_778, %select_n3A_737 : vector<16xi1>, vector<16xf32>
        %slice3A_780 = vector.extract_strided_slice %get3A_198 {offsets = [13], sizes = [1], strides = [1]} : vector<16xi32> to vector<1xi32>
        %squeeze3A_781 = vector.extract %slice3A_780[0] : i32 from vector<1xi32>
        %and3A_782 = arith.constant 64 : i32
        %and3A_783 = arith.andi %squeeze3A_781, %and3A_782 : i32
        %mul3A_784 = arith.constant 21 : i32
        %mul3A_785 = arith.muli %scan3A_193, %mul3A_784 : i32
        %add3A_786 = arith.constant 13 : i32
        %add3A_787 = arith.addi %mul3A_785, %add3A_786 : i32
        %get3A_788 = arith.index_cast %add3A_787 : i32 to index
        %get3A_789 = arith.index_cast %and3A_783 : i32 to index
        %get3A_790 = tpu.vector_load %arg9[%get3A_788, %get3A_789] {strides = array<i32>} : memref<352x128xf32, #tpu.memory_space<vmem>>, vector<16xf32>,
        %mul3A_791 = arith.mulf %get3A_790, %get3A_218 : vector<16xf32>
        %add3A_792 = arith.constant 16 : i32
        %add3A_793 = arith.addi %and3A_783, %add3A_792 : i32
        %get3A_794 = arith.index_cast %add3A_787 : i32 to index
        %get3A_795 = arith.index_cast %add3A_793 : i32 to index
        %get3A_796 = tpu.vector_load %arg9[%get3A_794, %get3A_795] {strides = array<i32>} : memref<352x128xf32, #tpu.memory_space<vmem>>, vector<16xf32>,
        %mul3A_797 = arith.mulf %get3A_796, %get3A_223 : vector<16xf32>
        %add3A_798 = arith.constant 32 : i32
        %add3A_799 = arith.addi %and3A_783, %add3A_798 : i32
        %get3A_800 = arith.index_cast %add3A_787 : i32 to index
        %get3A_801 = arith.index_cast %add3A_799 : i32 to index
        %get3A_802 = tpu.vector_load %arg9[%get3A_800, %get3A_801] {strides = array<i32>} : memref<352x128xf32, #tpu.memory_space<vmem>>, vector<16xf32>,
        %mul3A_803 = arith.mulf %get3A_802, %get3A_228 : vector<16xf32>
        %add3A_804 = arith.constant 48 : i32
        %add3A_805 = arith.addi %and3A_783, %add3A_804 : i32
        %get3A_806 = arith.index_cast %add3A_787 : i32 to index
        %get3A_807 = arith.index_cast %add3A_805 : i32 to index
        %get3A_808 = tpu.vector_load %arg9[%get3A_806, %get3A_807] {strides = array<i32>} : memref<352x128xf32, #tpu.memory_space<vmem>>, vector<16xf32>,
        %mul3A_809 = arith.mulf %get3A_808, %get3A_233 : vector<16xf32>
        %add3A_810 = arith.addf %mul3A_791, %mul3A_797 : vector<16xf32>
        %add3A_811 = arith.addf %mul3A_803, %mul3A_809 : vector<16xf32>
        %add3A_812 = arith.addf %add3A_810, %add3A_811 : vector<16xf32>
        %reduce_sum3A_813 = arith.constant true
        %reduce_sum3A_814 = vector.broadcast %reduce_sum3A_813 : i1 to vector<16xi1>
        %reduce_sum3A_815 = tpu.scan <sum>, %add3A_812 masked %reduce_sum3A_814 : vector<16xf32>, vector<16xi1> -> vector<16xf32>
        %reduce_sum3A_816 = vector.extract %reduce_sum3A_815[15] : f32 from vector<16xf32>
        %eq3A_817 = arith.constant 13 : i32
        %eq3A_818 = vector.broadcast %eq3A_817 : i32 to vector<16xi32>
        %eq3A_819 = arith.cmpi eq, %iota3A, %eq3A_818 : vector<16xi32>
        %broadcast_in_dim3A_820 = vector.broadcast %reduce_sum3A_816 : f32 to vector<16xf32>
        %select_n3A_821 = arith.select %eq3A_819, %broadcast_in_dim3A_820, %select_n3A_779 : vector<16xi1>, vector<16xf32>
        %slice3A_822 = vector.extract_strided_slice %get3A_198 {offsets = [14], sizes = [1], strides = [1]} : vector<16xi32> to vector<1xi32>
        %squeeze3A_823 = vector.extract %slice3A_822[0] : i32 from vector<1xi32>
        %and3A_824 = arith.constant 64 : i32
        %and3A_825 = arith.andi %squeeze3A_823, %and3A_824 : i32
        %mul3A_826 = arith.constant 21 : i32
        %mul3A_827 = arith.muli %scan3A_193, %mul3A_826 : i32
        %add3A_828 = arith.constant 14 : i32
        %add3A_829 = arith.addi %mul3A_827, %add3A_828 : i32
        %get3A_830 = arith.index_cast %add3A_829 : i32 to index
        %get3A_831 = arith.index_cast %and3A_825 : i32 to index
        %get3A_832 = tpu.vector_load %arg9[%get3A_830, %get3A_831] {strides = array<i32>} : memref<352x128xf32, #tpu.memory_space<vmem>>, vector<16xf32>,
        %mul3A_833 = arith.mulf %get3A_832, %get3A_218 : vector<16xf32>
        %add3A_834 = arith.constant 16 : i32
        %add3A_835 = arith.addi %and3A_825, %add3A_834 : i32
        %get3A_836 = arith.index_cast %add3A_829 : i32 to index
        %get3A_837 = arith.index_cast %add3A_835 : i32 to index
        %get3A_838 = tpu.vector_load %arg9[%get3A_836, %get3A_837] {strides = array<i32>} : memref<352x128xf32, #tpu.memory_space<vmem>>, vector<16xf32>,
        %mul3A_839 = arith.mulf %get3A_838, %get3A_223 : vector<16xf32>
        %add3A_840 = arith.constant 32 : i32
        %add3A_841 = arith.addi %and3A_825, %add3A_840 : i32
        %get3A_842 = arith.index_cast %add3A_829 : i32 to index
        %get3A_843 = arith.index_cast %add3A_841 : i32 to index
        %get3A_844 = tpu.vector_load %arg9[%get3A_842, %get3A_843] {strides = array<i32>} : memref<352x128xf32, #tpu.memory_space<vmem>>, vector<16xf32>,
        %mul3A_845 = arith.mulf %get3A_844, %get3A_228 : vector<16xf32>
        %add3A_846 = arith.constant 48 : i32
        %add3A_847 = arith.addi %and3A_825, %add3A_846 : i32
        %get3A_848 = arith.index_cast %add3A_829 : i32 to index
        %get3A_849 = arith.index_cast %add3A_847 : i32 to index
        %get3A_850 = tpu.vector_load %arg9[%get3A_848, %get3A_849] {strides = array<i32>} : memref<352x128xf32, #tpu.memory_space<vmem>>, vector<16xf32>,
        %mul3A_851 = arith.mulf %get3A_850, %get3A_233 : vector<16xf32>
        %add3A_852 = arith.addf %mul3A_833, %mul3A_839 : vector<16xf32>
        %add3A_853 = arith.addf %mul3A_845, %mul3A_851 : vector<16xf32>
        %add3A_854 = arith.addf %add3A_852, %add3A_853 : vector<16xf32>
        %reduce_sum3A_855 = arith.constant true
        %reduce_sum3A_856 = vector.broadcast %reduce_sum3A_855 : i1 to vector<16xi1>
        %reduce_sum3A_857 = tpu.scan <sum>, %add3A_854 masked %reduce_sum3A_856 : vector<16xf32>, vector<16xi1> -> vector<16xf32>
        %reduce_sum3A_858 = vector.extract %reduce_sum3A_857[15] : f32 from vector<16xf32>
        %eq3A_859 = arith.constant 14 : i32
        %eq3A_860 = vector.broadcast %eq3A_859 : i32 to vector<16xi32>
        %eq3A_861 = arith.cmpi eq, %iota3A, %eq3A_860 : vector<16xi32>
        %broadcast_in_dim3A_862 = vector.broadcast %reduce_sum3A_858 : f32 to vector<16xf32>
        %select_n3A_863 = arith.select %eq3A_861, %broadcast_in_dim3A_862, %select_n3A_821 : vector<16xi1>, vector<16xf32>
        %slice3A_864 = vector.extract_strided_slice %get3A_198 {offsets = [15], sizes = [1], strides = [1]} : vector<16xi32> to vector<1xi32>
        %squeeze3A_865 = vector.extract %slice3A_864[0] : i32 from vector<1xi32>
        %and3A_866 = arith.constant 64 : i32
        %and3A_867 = arith.andi %squeeze3A_865, %and3A_866 : i32
        %mul3A_868 = arith.constant 21 : i32
        %mul3A_869 = arith.muli %scan3A_193, %mul3A_868 : i32
        %add3A_870 = arith.constant 15 : i32
        %add3A_871 = arith.addi %mul3A_869, %add3A_870 : i32
        %get3A_872 = arith.index_cast %add3A_871 : i32 to index
        %get3A_873 = arith.index_cast %and3A_867 : i32 to index
        %get3A_874 = tpu.vector_load %arg9[%get3A_872, %get3A_873] {strides = array<i32>} : memref<352x128xf32, #tpu.memory_space<vmem>>, vector<16xf32>,
        %mul3A_875 = arith.mulf %get3A_874, %get3A_218 : vector<16xf32>
        %add3A_876 = arith.constant 16 : i32
        %add3A_877 = arith.addi %and3A_867, %add3A_876 : i32
        %get3A_878 = arith.index_cast %add3A_871 : i32 to index
        %get3A_879 = arith.index_cast %add3A_877 : i32 to index
        %get3A_880 = tpu.vector_load %arg9[%get3A_878, %get3A_879] {strides = array<i32>} : memref<352x128xf32, #tpu.memory_space<vmem>>, vector<16xf32>,
        %mul3A_881 = arith.mulf %get3A_880, %get3A_223 : vector<16xf32>
        %add3A_882 = arith.constant 32 : i32
        %add3A_883 = arith.addi %and3A_867, %add3A_882 : i32
        %get3A_884 = arith.index_cast %add3A_871 : i32 to index
        %get3A_885 = arith.index_cast %add3A_883 : i32 to index
        %get3A_886 = tpu.vector_load %arg9[%get3A_884, %get3A_885] {strides = array<i32>} : memref<352x128xf32, #tpu.memory_space<vmem>>, vector<16xf32>,
        %mul3A_887 = arith.mulf %get3A_886, %get3A_228 : vector<16xf32>
        %add3A_888 = arith.constant 48 : i32
        %add3A_889 = arith.addi %and3A_867, %add3A_888 : i32
        %get3A_890 = arith.index_cast %add3A_871 : i32 to index
        %get3A_891 = arith.index_cast %add3A_889 : i32 to index
        %get3A_892 = tpu.vector_load %arg9[%get3A_890, %get3A_891] {strides = array<i32>} : memref<352x128xf32, #tpu.memory_space<vmem>>, vector<16xf32>,
        %mul3A_893 = arith.mulf %get3A_892, %get3A_233 : vector<16xf32>
        %add3A_894 = arith.addf %mul3A_875, %mul3A_881 : vector<16xf32>
        %add3A_895 = arith.addf %mul3A_887, %mul3A_893 : vector<16xf32>
        %add3A_896 = arith.addf %add3A_894, %add3A_895 : vector<16xf32>
        %reduce_sum3A_897 = arith.constant true
        %reduce_sum3A_898 = vector.broadcast %reduce_sum3A_897 : i1 to vector<16xi1>
        %reduce_sum3A_899 = tpu.scan <sum>, %add3A_896 masked %reduce_sum3A_898 : vector<16xf32>, vector<16xi1> -> vector<16xf32>
        %reduce_sum3A_900 = vector.extract %reduce_sum3A_899[15] : f32 from vector<16xf32>
        %eq3A_901 = arith.constant 15 : i32
        %eq3A_902 = vector.broadcast %eq3A_901 : i32 to vector<16xi32>
        %eq3A_903 = arith.cmpi eq, %iota3A, %eq3A_902 : vector<16xi32>
        %broadcast_in_dim3A_904 = vector.broadcast %reduce_sum3A_900 : f32 to vector<16xf32>
        %select_n3A_905 = arith.select %eq3A_903, %broadcast_in_dim3A_904, %select_n3A_863 : vector<16xi1>, vector<16xf32>
        %slice3A_906 = vector.extract_strided_slice %get3A_206 {offsets = [0], sizes = [1], strides = [1]} : vector<16xi32> to vector<1xi32>
        %squeeze3A_907 = vector.extract %slice3A_906[0] : i32 from vector<1xi32>
        %and3A_908 = arith.constant 64 : i32
        %and3A_909 = arith.andi %squeeze3A_907, %and3A_908 : i32
        %mul3A_910 = arith.constant 21 : i32
        %mul3A_911 = arith.muli %scan3A_193, %mul3A_910 : i32
        %add3A_912 = arith.constant 16 : i32
        %add3A_913 = arith.addi %mul3A_911, %add3A_912 : i32
        %get3A_914 = arith.index_cast %add3A_913 : i32 to index
        %get3A_915 = arith.index_cast %and3A_909 : i32 to index
        %get3A_916 = tpu.vector_load %arg9[%get3A_914, %get3A_915] {strides = array<i32>} : memref<352x128xf32, #tpu.memory_space<vmem>>, vector<16xf32>,
        %mul3A_917 = arith.mulf %get3A_916, %get3A_218 : vector<16xf32>
        %add3A_918 = arith.constant 16 : i32
        %add3A_919 = arith.addi %and3A_909, %add3A_918 : i32
        %get3A_920 = arith.index_cast %add3A_913 : i32 to index
        %get3A_921 = arith.index_cast %add3A_919 : i32 to index
        %get3A_922 = tpu.vector_load %arg9[%get3A_920, %get3A_921] {strides = array<i32>} : memref<352x128xf32, #tpu.memory_space<vmem>>, vector<16xf32>,
        %mul3A_923 = arith.mulf %get3A_922, %get3A_223 : vector<16xf32>
        %add3A_924 = arith.constant 32 : i32
        %add3A_925 = arith.addi %and3A_909, %add3A_924 : i32
        %get3A_926 = arith.index_cast %add3A_913 : i32 to index
        %get3A_927 = arith.index_cast %add3A_925 : i32 to index
        %get3A_928 = tpu.vector_load %arg9[%get3A_926, %get3A_927] {strides = array<i32>} : memref<352x128xf32, #tpu.memory_space<vmem>>, vector<16xf32>,
        %mul3A_929 = arith.mulf %get3A_928, %get3A_228 : vector<16xf32>
        %add3A_930 = arith.constant 48 : i32
        %add3A_931 = arith.addi %and3A_909, %add3A_930 : i32
        %get3A_932 = arith.index_cast %add3A_913 : i32 to index
        %get3A_933 = arith.index_cast %add3A_931 : i32 to index
        %get3A_934 = tpu.vector_load %arg9[%get3A_932, %get3A_933] {strides = array<i32>} : memref<352x128xf32, #tpu.memory_space<vmem>>, vector<16xf32>,
        %mul3A_935 = arith.mulf %get3A_934, %get3A_233 : vector<16xf32>
        %add3A_936 = arith.addf %mul3A_917, %mul3A_923 : vector<16xf32>
        %add3A_937 = arith.addf %mul3A_929, %mul3A_935 : vector<16xf32>
        %add3A_938 = arith.addf %add3A_936, %add3A_937 : vector<16xf32>
        %reduce_sum3A_939 = arith.constant true
        %reduce_sum3A_940 = vector.broadcast %reduce_sum3A_939 : i1 to vector<16xi1>
        %reduce_sum3A_941 = tpu.scan <sum>, %add3A_938 masked %reduce_sum3A_940 : vector<16xf32>, vector<16xi1> -> vector<16xf32>
        %reduce_sum3A_942 = vector.extract %reduce_sum3A_941[15] : f32 from vector<16xf32>
        %eq3A_943 = arith.constant 0 : i32
        %eq3A_944 = vector.broadcast %eq3A_943 : i32 to vector<16xi32>
        %eq3A_945 = arith.cmpi eq, %iota3A, %eq3A_944 : vector<16xi32>
        %broadcast_in_dim3A_946 = vector.broadcast %reduce_sum3A_942 : f32 to vector<16xf32>
        %select_n3A_947 = arith.select %eq3A_945, %broadcast_in_dim3A_946, %broadcast_in_dim3A_236 : vector<16xi1>, vector<16xf32>
        %slice3A_948 = vector.extract_strided_slice %get3A_206 {offsets = [1], sizes = [1], strides = [1]} : vector<16xi32> to vector<1xi32>
        %squeeze3A_949 = vector.extract %slice3A_948[0] : i32 from vector<1xi32>
        %and3A_950 = arith.constant 64 : i32
        %and3A_951 = arith.andi %squeeze3A_949, %and3A_950 : i32
        %mul3A_952 = arith.constant 21 : i32
        %mul3A_953 = arith.muli %scan3A_193, %mul3A_952 : i32
        %add3A_954 = arith.constant 17 : i32
        %add3A_955 = arith.addi %mul3A_953, %add3A_954 : i32
        %get3A_956 = arith.index_cast %add3A_955 : i32 to index
        %get3A_957 = arith.index_cast %and3A_951 : i32 to index
        %get3A_958 = tpu.vector_load %arg9[%get3A_956, %get3A_957] {strides = array<i32>} : memref<352x128xf32, #tpu.memory_space<vmem>>, vector<16xf32>,
        %mul3A_959 = arith.mulf %get3A_958, %get3A_218 : vector<16xf32>
        %add3A_960 = arith.constant 16 : i32
        %add3A_961 = arith.addi %and3A_951, %add3A_960 : i32
        %get3A_962 = arith.index_cast %add3A_955 : i32 to index
        %get3A_963 = arith.index_cast %add3A_961 : i32 to index
        %get3A_964 = tpu.vector_load %arg9[%get3A_962, %get3A_963] {strides = array<i32>} : memref<352x128xf32, #tpu.memory_space<vmem>>, vector<16xf32>,
        %mul3A_965 = arith.mulf %get3A_964, %get3A_223 : vector<16xf32>
        %add3A_966 = arith.constant 32 : i32
        %add3A_967 = arith.addi %and3A_951, %add3A_966 : i32
        %get3A_968 = arith.index_cast %add3A_955 : i32 to index
        %get3A_969 = arith.index_cast %add3A_967 : i32 to index
        %get3A_970 = tpu.vector_load %arg9[%get3A_968, %get3A_969] {strides = array<i32>} : memref<352x128xf32, #tpu.memory_space<vmem>>, vector<16xf32>,
        %mul3A_971 = arith.mulf %get3A_970, %get3A_228 : vector<16xf32>
        %add3A_972 = arith.constant 48 : i32
        %add3A_973 = arith.addi %and3A_951, %add3A_972 : i32
        %get3A_974 = arith.index_cast %add3A_955 : i32 to index
        %get3A_975 = arith.index_cast %add3A_973 : i32 to index
        %get3A_976 = tpu.vector_load %arg9[%get3A_974, %get3A_975] {strides = array<i32>} : memref<352x128xf32, #tpu.memory_space<vmem>>, vector<16xf32>,
        %mul3A_977 = arith.mulf %get3A_976, %get3A_233 : vector<16xf32>
        %add3A_978 = arith.addf %mul3A_959, %mul3A_965 : vector<16xf32>
        %add3A_979 = arith.addf %mul3A_971, %mul3A_977 : vector<16xf32>
        %add3A_980 = arith.addf %add3A_978, %add3A_979 : vector<16xf32>
        %reduce_sum3A_981 = arith.constant true
        %reduce_sum3A_982 = vector.broadcast %reduce_sum3A_981 : i1 to vector<16xi1>
        %reduce_sum3A_983 = tpu.scan <sum>, %add3A_980 masked %reduce_sum3A_982 : vector<16xf32>, vector<16xi1> -> vector<16xf32>
        %reduce_sum3A_984 = vector.extract %reduce_sum3A_983[15] : f32 from vector<16xf32>
        %eq3A_985 = arith.constant 1 : i32
        %eq3A_986 = vector.broadcast %eq3A_985 : i32 to vector<16xi32>
        %eq3A_987 = arith.cmpi eq, %iota3A, %eq3A_986 : vector<16xi32>
        %broadcast_in_dim3A_988 = vector.broadcast %reduce_sum3A_984 : f32 to vector<16xf32>
        %select_n3A_989 = arith.select %eq3A_987, %broadcast_in_dim3A_988, %select_n3A_947 : vector<16xi1>, vector<16xf32>
        %slice3A_990 = vector.extract_strided_slice %get3A_206 {offsets = [2], sizes = [1], strides = [1]} : vector<16xi32> to vector<1xi32>
        %squeeze3A_991 = vector.extract %slice3A_990[0] : i32 from vector<1xi32>
        %and3A_992 = arith.constant 64 : i32
        %and3A_993 = arith.andi %squeeze3A_991, %and3A_992 : i32
        %mul3A_994 = arith.constant 21 : i32
        %mul3A_995 = arith.muli %scan3A_193, %mul3A_994 : i32
        %add3A_996 = arith.constant 18 : i32
        %add3A_997 = arith.addi %mul3A_995, %add3A_996 : i32
        %get3A_998 = arith.index_cast %add3A_997 : i32 to index
        %get3A_999 = arith.index_cast %and3A_993 : i32 to index
        %get3A_1000 = tpu.vector_load %arg9[%get3A_998, %get3A_999] {strides = array<i32>} : memref<352x128xf32, #tpu.memory_space<vmem>>, vector<16xf32>,
        %mul3A_1001 = arith.mulf %get3A_1000, %get3A_218 : vector<16xf32>
        %add3A_1002 = arith.constant 16 : i32
        %add3A_1003 = arith.addi %and3A_993, %add3A_1002 : i32
        %get3A_1004 = arith.index_cast %add3A_997 : i32 to index
        %get3A_1005 = arith.index_cast %add3A_1003 : i32 to index
        %get3A_1006 = tpu.vector_load %arg9[%get3A_1004, %get3A_1005] {strides = array<i32>} : memref<352x128xf32, #tpu.memory_space<vmem>>, vector<16xf32>,
        %mul3A_1007 = arith.mulf %get3A_1006, %get3A_223 : vector<16xf32>
        %add3A_1008 = arith.constant 32 : i32
        %add3A_1009 = arith.addi %and3A_993, %add3A_1008 : i32
        %get3A_1010 = arith.index_cast %add3A_997 : i32 to index
        %get3A_1011 = arith.index_cast %add3A_1009 : i32 to index
        %get3A_1012 = tpu.vector_load %arg9[%get3A_1010, %get3A_1011] {strides = array<i32>} : memref<352x128xf32, #tpu.memory_space<vmem>>, vector<16xf32>,
        %mul3A_1013 = arith.mulf %get3A_1012, %get3A_228 : vector<16xf32>
        %add3A_1014 = arith.constant 48 : i32
        %add3A_1015 = arith.addi %and3A_993, %add3A_1014 : i32
        %get3A_1016 = arith.index_cast %add3A_997 : i32 to index
        %get3A_1017 = arith.index_cast %add3A_1015 : i32 to index
        %get3A_1018 = tpu.vector_load %arg9[%get3A_1016, %get3A_1017] {strides = array<i32>} : memref<352x128xf32, #tpu.memory_space<vmem>>, vector<16xf32>,
        %mul3A_1019 = arith.mulf %get3A_1018, %get3A_233 : vector<16xf32>
        %add3A_1020 = arith.addf %mul3A_1001, %mul3A_1007 : vector<16xf32>
        %add3A_1021 = arith.addf %mul3A_1013, %mul3A_1019 : vector<16xf32>
        %add3A_1022 = arith.addf %add3A_1020, %add3A_1021 : vector<16xf32>
        %reduce_sum3A_1023 = arith.constant true
        %reduce_sum3A_1024 = vector.broadcast %reduce_sum3A_1023 : i1 to vector<16xi1>
        %reduce_sum3A_1025 = tpu.scan <sum>, %add3A_1022 masked %reduce_sum3A_1024 : vector<16xf32>, vector<16xi1> -> vector<16xf32>
        %reduce_sum3A_1026 = vector.extract %reduce_sum3A_1025[15] : f32 from vector<16xf32>
        %eq3A_1027 = arith.constant 2 : i32
        %eq3A_1028 = vector.broadcast %eq3A_1027 : i32 to vector<16xi32>
        %eq3A_1029 = arith.cmpi eq, %iota3A, %eq3A_1028 : vector<16xi32>
        %broadcast_in_dim3A_1030 = vector.broadcast %reduce_sum3A_1026 : f32 to vector<16xf32>
        %select_n3A_1031 = arith.select %eq3A_1029, %broadcast_in_dim3A_1030, %select_n3A_989 : vector<16xi1>, vector<16xf32>
        %slice3A_1032 = vector.extract_strided_slice %get3A_206 {offsets = [3], sizes = [1], strides = [1]} : vector<16xi32> to vector<1xi32>
        %squeeze3A_1033 = vector.extract %slice3A_1032[0] : i32 from vector<1xi32>
        %and3A_1034 = arith.constant 64 : i32
        %and3A_1035 = arith.andi %squeeze3A_1033, %and3A_1034 : i32
        %mul3A_1036 = arith.constant 21 : i32
        %mul3A_1037 = arith.muli %scan3A_193, %mul3A_1036 : i32
        %add3A_1038 = arith.constant 19 : i32
        %add3A_1039 = arith.addi %mul3A_1037, %add3A_1038 : i32
        %get3A_1040 = arith.index_cast %add3A_1039 : i32 to index
        %get3A_1041 = arith.index_cast %and3A_1035 : i32 to index
        %get3A_1042 = tpu.vector_load %arg9[%get3A_1040, %get3A_1041] {strides = array<i32>} : memref<352x128xf32, #tpu.memory_space<vmem>>, vector<16xf32>,
        %mul3A_1043 = arith.mulf %get3A_1042, %get3A_218 : vector<16xf32>
        %add3A_1044 = arith.constant 16 : i32
        %add3A_1045 = arith.addi %and3A_1035, %add3A_1044 : i32
        %get3A_1046 = arith.index_cast %add3A_1039 : i32 to index
        %get3A_1047 = arith.index_cast %add3A_1045 : i32 to index
        %get3A_1048 = tpu.vector_load %arg9[%get3A_1046, %get3A_1047] {strides = array<i32>} : memref<352x128xf32, #tpu.memory_space<vmem>>, vector<16xf32>,
        %mul3A_1049 = arith.mulf %get3A_1048, %get3A_223 : vector<16xf32>
        %add3A_1050 = arith.constant 32 : i32
        %add3A_1051 = arith.addi %and3A_1035, %add3A_1050 : i32
        %get3A_1052 = arith.index_cast %add3A_1039 : i32 to index
        %get3A_1053 = arith.index_cast %add3A_1051 : i32 to index
        %get3A_1054 = tpu.vector_load %arg9[%get3A_1052, %get3A_1053] {strides = array<i32>} : memref<352x128xf32, #tpu.memory_space<vmem>>, vector<16xf32>,
        %mul3A_1055 = arith.mulf %get3A_1054, %get3A_228 : vector<16xf32>
        %add3A_1056 = arith.constant 48 : i32
        %add3A_1057 = arith.addi %and3A_1035, %add3A_1056 : i32
        %get3A_1058 = arith.index_cast %add3A_1039 : i32 to index
        %get3A_1059 = arith.index_cast %add3A_1057 : i32 to index
        %get3A_1060 = tpu.vector_load %arg9[%get3A_1058, %get3A_1059] {strides = array<i32>} : memref<352x128xf32, #tpu.memory_space<vmem>>, vector<16xf32>,
        %mul3A_1061 = arith.mulf %get3A_1060, %get3A_233 : vector<16xf32>
        %add3A_1062 = arith.addf %mul3A_1043, %mul3A_1049 : vector<16xf32>
        %add3A_1063 = arith.addf %mul3A_1055, %mul3A_1061 : vector<16xf32>
        %add3A_1064 = arith.addf %add3A_1062, %add3A_1063 : vector<16xf32>
        %reduce_sum3A_1065 = arith.constant true
        %reduce_sum3A_1066 = vector.broadcast %reduce_sum3A_1065 : i1 to vector<16xi1>
        %reduce_sum3A_1067 = tpu.scan <sum>, %add3A_1064 masked %reduce_sum3A_1066 : vector<16xf32>, vector<16xi1> -> vector<16xf32>
        %reduce_sum3A_1068 = vector.extract %reduce_sum3A_1067[15] : f32 from vector<16xf32>
        %eq3A_1069 = arith.constant 3 : i32
        %eq3A_1070 = vector.broadcast %eq3A_1069 : i32 to vector<16xi32>
        %eq3A_1071 = arith.cmpi eq, %iota3A, %eq3A_1070 : vector<16xi32>
        %broadcast_in_dim3A_1072 = vector.broadcast %reduce_sum3A_1068 : f32 to vector<16xf32>
        %select_n3A_1073 = arith.select %eq3A_1071, %broadcast_in_dim3A_1072, %select_n3A_1031 : vector<16xi1>, vector<16xf32>
        %slice3A_1074 = vector.extract_strided_slice %get3A_206 {offsets = [4], sizes = [1], strides = [1]} : vector<16xi32> to vector<1xi32>
        %squeeze3A_1075 = vector.extract %slice3A_1074[0] : i32 from vector<1xi32>
        %and3A_1076 = arith.constant 64 : i32
        %and3A_1077 = arith.andi %squeeze3A_1075, %and3A_1076 : i32
        %mul3A_1078 = arith.constant 21 : i32
        %mul3A_1079 = arith.muli %scan3A_193, %mul3A_1078 : i32
        %add3A_1080 = arith.constant 20 : i32
        %add3A_1081 = arith.addi %mul3A_1079, %add3A_1080 : i32
        %get3A_1082 = arith.index_cast %add3A_1081 : i32 to index
        %get3A_1083 = arith.index_cast %and3A_1077 : i32 to index
        %get3A_1084 = tpu.vector_load %arg9[%get3A_1082, %get3A_1083] {strides = array<i32>} : memref<352x128xf32, #tpu.memory_space<vmem>>, vector<16xf32>,
        %mul3A_1085 = arith.mulf %get3A_1084, %get3A_218 : vector<16xf32>
        %add3A_1086 = arith.constant 16 : i32
        %add3A_1087 = arith.addi %and3A_1077, %add3A_1086 : i32
        %get3A_1088 = arith.index_cast %add3A_1081 : i32 to index
        %get3A_1089 = arith.index_cast %add3A_1087 : i32 to index
        %get3A_1090 = tpu.vector_load %arg9[%get3A_1088, %get3A_1089] {strides = array<i32>} : memref<352x128xf32, #tpu.memory_space<vmem>>, vector<16xf32>,
        %mul3A_1091 = arith.mulf %get3A_1090, %get3A_223 : vector<16xf32>
        %add3A_1092 = arith.constant 32 : i32
        %add3A_1093 = arith.addi %and3A_1077, %add3A_1092 : i32
        %get3A_1094 = arith.index_cast %add3A_1081 : i32 to index
        %get3A_1095 = arith.index_cast %add3A_1093 : i32 to index
        %get3A_1096 = tpu.vector_load %arg9[%get3A_1094, %get3A_1095] {strides = array<i32>} : memref<352x128xf32, #tpu.memory_space<vmem>>, vector<16xf32>,
        %mul3A_1097 = arith.mulf %get3A_1096, %get3A_228 : vector<16xf32>
        %add3A_1098 = arith.constant 48 : i32
        %add3A_1099 = arith.addi %and3A_1077, %add3A_1098 : i32
        %get3A_1100 = arith.index_cast %add3A_1081 : i32 to index
        %get3A_1101 = arith.index_cast %add3A_1099 : i32 to index
        %get3A_1102 = tpu.vector_load %arg9[%get3A_1100, %get3A_1101] {strides = array<i32>} : memref<352x128xf32, #tpu.memory_space<vmem>>, vector<16xf32>,
        %mul3A_1103 = arith.mulf %get3A_1102, %get3A_233 : vector<16xf32>
        %add3A_1104 = arith.addf %mul3A_1085, %mul3A_1091 : vector<16xf32>
        %add3A_1105 = arith.addf %mul3A_1097, %mul3A_1103 : vector<16xf32>
        %add3A_1106 = arith.addf %add3A_1104, %add3A_1105 : vector<16xf32>
        %reduce_sum3A_1107 = arith.constant true
        %reduce_sum3A_1108 = vector.broadcast %reduce_sum3A_1107 : i1 to vector<16xi1>
        %reduce_sum3A_1109 = tpu.scan <sum>, %add3A_1106 masked %reduce_sum3A_1108 : vector<16xf32>, vector<16xi1> -> vector<16xf32>
        %reduce_sum3A_1110 = vector.extract %reduce_sum3A_1109[15] : f32 from vector<16xf32>
        %eq3A_1111 = arith.constant 4 : i32
        %eq3A_1112 = vector.broadcast %eq3A_1111 : i32 to vector<16xi32>
        %eq3A_1113 = arith.cmpi eq, %iota3A, %eq3A_1112 : vector<16xi32>
        %broadcast_in_dim3A_1114 = vector.broadcast %reduce_sum3A_1110 : f32 to vector<16xf32>
        %select_n3A_1115 = arith.select %eq3A_1113, %broadcast_in_dim3A_1114, %select_n3A_1073 : vector<16xi1>, vector<16xf32>
        %mul3A_1116 = arith.constant 32 : i32
        %mul3A_1117 = arith.muli %scan3A_193, %mul3A_1116 : i32
        %add3A_1118 = vector.broadcast %mul3A_1117 : i32 to vector<16xi32>
        %add3A_1119 = arith.addi %add3A_1118, %iota3A : vector<16xi32>
        tpu.vector_store_idx %arg11[%add3A_1119], %select_n3A_905 : memref<512xf32, #tpu.memory_space<vmem>>[vector<16xi32>], vector<16xf32>,
        %add3A_1120 = arith.constant 16 : i32
        %add3A_1121 = arith.addi %mul3A_1117, %add3A_1120 : i32
        %add3A_1122 = vector.broadcast %add3A_1121 : i32 to vector<16xi32>
        %add3A_1123 = arith.addi %add3A_1122, %iota3A : vector<16xi32>
        %lt3A_1124 = arith.constant 5 : i32
        %lt3A_1125 = vector.broadcast %lt3A_1124 : i32 to vector<16xi32>
        %lt3A_1126 = arith.cmpi slt, %iota3A, %lt3A_1125 : vector<16xi32>
        tpu.vector_store_idx %arg11[%add3A_1123], %select_n3A_1115 masked %lt3A_1126 : memref<512xf32, #tpu.memory_space<vmem>>[vector<16xi32>], vector<16xf32>, vector<16xi1>
      }
      %scan3A_181 = arith.constant 16 : i32
      %mul3A_182 = arith.constant 512 : i32
      %mul3A_183 = arith.muli %add3A_132, %mul3A_182 : i32
      %dma_start3A_184 = tpu.memref_slice %arg5[%mul3A_183] : memref<524288xf32, #tpu.memory_space<hbm>> -> memref<512xf32, #tpu.memory_space<hbm>>
      %dma_start3A_185 = tpu.memref_slice %arg5[%mul3A_183] : memref<524288xf32, #tpu.memory_space<hbm>> -> memref<512xf32, #tpu.memory_space<hbm>>
      tpu.enqueue_dma source(%arg11 : memref<512xf32, #tpu.memory_space<vmem>>) target(%dma_start3A_185 : memref<512xf32, #tpu.memory_space<hbm>>) target_semaphore(%arg15 : memref<!tpu.dma_semaphore, #tpu.memory_space<semaphore_mem>>)
      %add3A_186 = arith.constant 2 : i32
      %add3A_187 = arith.addi %add3A_131, %add3A_186 : i32
      %lt3A_188 = arith.constant 32 : i32
      %lt3A_189 = arith.cmpi slt, %add3A_187, %lt3A_188 : i32
      %convert_element_type3A_190 = arith.extui %lt3A_189 : i1 to i32
      %cond3A_191 = arith.constant 0 : i32
      %cond3A_192 = arith.cmpi ne, %convert_element_type3A_190, %cond3A_191 : i32
      scf.if %cond3A_192 {
        %add3A_193 = arith.constant 2 : i32
        %add3A_194 = arith.addi %add3A_132, %add3A_193 : i32
        %mul3A_195 = arith.constant 768 : i32
        %mul3A_196 = arith.muli %add3A_194, %mul3A_195 : i32
        %dma_start3A_197 = tpu.memref_slice %arg2[%mul3A_196] : memref<786432xi32, #tpu.memory_space<hbm>> -> memref<768xi32, #tpu.memory_space<hbm>>
        %dma_start3A_198 = tpu.memref_slice %arg2[%mul3A_196] : memref<786432xi32, #tpu.memory_space<hbm>> -> memref<768xi32, #tpu.memory_space<hbm>>
        tpu.enqueue_dma source(%dma_start3A_198 : memref<768xi32, #tpu.memory_space<hbm>>) target(%arg7 : memref<768xi32, #tpu.memory_space<vmem>>) target_semaphore(%arg17 : memref<!tpu.dma_semaphore, #tpu.memory_space<semaphore_mem>>)
      } else {
      }
    }
    %scan3A_50 = arith.constant 16 : i32
    %add3A_51 = arith.constant 32 : i32
    %add3A_52 = arith.addi %mul3A_2, %add3A_51 : i32
    %sub3A = arith.constant 2 : i32
    %sub3A_53 = arith.subi %add3A_52, %sub3A : i32
    %mul3A_54 = arith.constant 512 : i32
    %mul3A_55 = arith.muli %sub3A_53, %mul3A_54 : i32
    %dma_wait3A_56 = tpu.memref_slice %arg5[%mul3A_55] : memref<524288xf32, #tpu.memory_space<hbm>> -> memref<512xf32, #tpu.memory_space<hbm>>
    %dma_wait3A_57 = tpu.memref_slice %arg5[%mul3A_55] : memref<524288xf32, #tpu.memory_space<hbm>> -> memref<512xf32, #tpu.memory_space<hbm>>
    tpu.wait_dma2 semaphore(%arg14 : memref<!tpu.dma_semaphore, #tpu.memory_space<semaphore_mem>>) src(%arg10 : memref<512xf32, #tpu.memory_space<vmem>>) dst(%dma_wait3A_57 : memref<512xf32, #tpu.memory_space<hbm>>)
    %add3A_58 = arith.constant 32 : i32
    %add3A_59 = arith.addi %mul3A_2, %add3A_58 : i32
    %sub3A_60 = arith.constant 1 : i32
    %sub3A_61 = arith.subi %add3A_59, %sub3A_60 : i32
    %mul3A_62 = arith.constant 512 : i32
    %mul3A_63 = arith.muli %sub3A_61, %mul3A_62 : i32
    %dma_wait3A_64 = tpu.memref_slice %arg5[%mul3A_63] : memref<524288xf32, #tpu.memory_space<hbm>> -> memref<512xf32, #tpu.memory_space<hbm>>
    %dma_wait3A_65 = tpu.memref_slice %arg5[%mul3A_63] : memref<524288xf32, #tpu.memory_space<hbm>> -> memref<512xf32, #tpu.memory_space<hbm>>
    tpu.wait_dma2 semaphore(%arg15 : memref<!tpu.dma_semaphore, #tpu.memory_space<semaphore_mem>>) src(%arg11 : memref<512xf32, #tpu.memory_space<vmem>>) dst(%dma_wait3A_65 : memref<512xf32, #tpu.memory_space<hbm>>)
    return
  }
}

module attributes {stable_mosaic.version = 14 : i64} {
  func.func @_tc_pack_body(%arg0: i32, %arg1: memref<64x8192xf32, #tpu.memory_space<vmem>>, %arg2: memref<4096x128xf32, #tpu.memory_space<vmem>>) attributes {dimension_semantics = [#tpu.dimension_semantics<arbitrary>], iteration_bounds = array<i64: 123>, scalar_prefetch = 0 : i64, scratch_operands = 0 : i64, tpu.core_type = #tpu.core_type<tc>, window_params = [{transform_indices = @transform_0, window_bounds = array<i64: 64, 8192>}, {transform_indices = @transform_1, window_bounds = array<i64: 4096, 128>}]} {
    %get3A = arith.constant 0 : index
    %get3A_0 = arith.constant 0 : index
    %get3A_1 = vector.load %arg1[%get3A, %get3A_0] : memref<64x8192xf32, #tpu.memory_space<vmem>>, vector<64x4096xf32>
    %transpose3A = tpu.transpose %get3A_1, [1, 0] : vector<64x4096xf32> -> vector<4096x64xf32>
    %get3A_2 = arith.constant 0 : index
    %get3A_3 = arith.constant 4096 : index
    %get3A_4 = vector.load %arg1[%get3A_2, %get3A_3] : memref<64x8192xf32, #tpu.memory_space<vmem>>, vector<64x4096xf32>
    %transpose3A_5 = tpu.transpose %get3A_4, [1, 0] : vector<64x4096xf32> -> vector<4096x64xf32>
    %concatenate3A = tpu.concatenate %transpose3A, %transpose3A_5 in 1 : vector<4096x64xf32>, vector<4096x64xf32> -> vector<4096x128xf32>
    %swap3A = arith.constant 0 : index
    %swap3A_6 = arith.constant 0 : index
    %swap3A_7 = vector.load %arg2[%swap3A, %swap3A_6] : memref<4096x128xf32, #tpu.memory_space<vmem>>, vector<4096x128xf32>
    tpu.vector_store %arg2[%swap3A, %swap3A_6], %concatenate3A {strides = array<i32>} : memref<4096x128xf32, #tpu.memory_space<vmem>>, vector<4096x128xf32>,
    return
  }
  func.func @transform_0(%arg0: i32) -> (i32, i32) {
    %c0_i32 = arith.constant 0 : i32
    %c0_i32_0 = arith.constant 0 : i32
    return %c0_i32, %arg0 : i32, i32
  }
  func.func @transform_1(%arg0: i32) -> (i32, i32) {
    %c0_i32 = arith.constant 0 : i32
    %c0_i32_0 = arith.constant 0 : i32
    return %arg0, %c0_i32 : i32, i32
  }
}

module attributes {stable_mosaic.version = 14 : i64} {
  func.func @_tc_idxprep_body(%arg0: i32, %arg1: memref<128x16xi32, #tpu.memory_space<vmem>>, %arg2: memref<128x336xi32, #tpu.memory_space<vmem>>, %arg3: memref<128x768xi32, #tpu.memory_space<vmem>>) attributes {dimension_semantics = [#tpu.dimension_semantics<arbitrary>], iteration_bounds = array<i64: 8>, scalar_prefetch = 0 : i64, scratch_operands = 0 : i64, tpu.core_type = #tpu.core_type<tc>, window_params = [{transform_indices = @transform_0, window_bounds = array<i64: 128, 16>}, {transform_indices = @transform_1, window_bounds = array<i64: 128, 336>}, {transform_indices = @transform_2, window_bounds = array<i64: 128, 768>}]} {
    %get3A = arith.constant 0 : index
    %get3A_0 = arith.constant 0 : index
    %get3A_1 = vector.load %arg1[%get3A, %get3A_0] : memref<128x16xi32, #tpu.memory_space<vmem>>, vector<128x16xi32>
    %get3A_2 = arith.constant 0 : index
    %get3A_3 = arith.constant 0 : index
    %get3A_4 = vector.load %arg2[%get3A_2, %get3A_3] : memref<128x336xi32, #tpu.memory_space<vmem>>, vector<128x336xi32>
    %shift_right_arithmetic3A = arith.constant 13 : i32
    %shift_right_arithmetic3A_5 = vector.broadcast %shift_right_arithmetic3A : i32 to vector<128x336xi32>
    %shift_right_arithmetic3A_6 = arith.shrsi %get3A_4, %shift_right_arithmetic3A_5 : vector<128x336xi32>
    %mul3A = arith.constant 4096 : i32
    %mul3A_7 = vector.broadcast %mul3A : i32 to vector<128x336xi32>
    %mul3A_8 = arith.muli %shift_right_arithmetic3A_6, %mul3A_7 : vector<128x336xi32>
    %and3A = arith.constant 4095 : i32
    %and3A_9 = vector.broadcast %and3A : i32 to vector<128x336xi32>
    %and3A_10 = arith.andi %get3A_4, %and3A_9 : vector<128x336xi32>
    %add3A = arith.addi %mul3A_8, %and3A_10 : vector<128x336xi32>
    %shift_right_arithmetic3A_11 = arith.constant 13 : i32
    %shift_right_arithmetic3A_12 = vector.broadcast %shift_right_arithmetic3A_11 : i32 to vector<128x16xi32>
    %shift_right_arithmetic3A_13 = arith.shrsi %get3A_1, %shift_right_arithmetic3A_12 : vector<128x16xi32>
    %mul3A_14 = arith.constant 4096 : i32
    %mul3A_15 = vector.broadcast %mul3A_14 : i32 to vector<128x16xi32>
    %mul3A_16 = arith.muli %shift_right_arithmetic3A_13, %mul3A_15 : vector<128x16xi32>
    %and3A_17 = arith.constant 4095 : i32
    %and3A_18 = vector.broadcast %and3A_17 : i32 to vector<128x16xi32>
    %and3A_19 = arith.andi %get3A_1, %and3A_18 : vector<128x16xi32>
    %add3A_20 = arith.addi %mul3A_16, %and3A_19 : vector<128x16xi32>
    %shift_right_arithmetic3A_21 = arith.constant 12 : i32
    %shift_right_arithmetic3A_22 = vector.broadcast %shift_right_arithmetic3A_21 : i32 to vector<128x336xi32>
    %shift_right_arithmetic3A_23 = arith.shrsi %get3A_4, %shift_right_arithmetic3A_22 : vector<128x336xi32>
    %and3A_24 = arith.constant 1 : i32
    %and3A_25 = vector.broadcast %and3A_24 : i32 to vector<128x336xi32>
    %and3A_26 = arith.andi %shift_right_arithmetic3A_23, %and3A_25 : vector<128x336xi32>
    %shift_left3A = arith.constant 6 : i32
    %shift_left3A_27 = vector.broadcast %shift_left3A : i32 to vector<128x336xi32>
    %shift_left3A_28 = arith.shli %and3A_26, %shift_left3A_27 : vector<128x336xi32>
    %shift_right_arithmetic3A_29 = arith.constant 12 : i32
    %shift_right_arithmetic3A_30 = vector.broadcast %shift_right_arithmetic3A_29 : i32 to vector<128x16xi32>
    %shift_right_arithmetic3A_31 = arith.shrsi %get3A_1, %shift_right_arithmetic3A_30 : vector<128x16xi32>
    %and3A_32 = arith.constant 1 : i32
    %and3A_33 = vector.broadcast %and3A_32 : i32 to vector<128x16xi32>
    %and3A_34 = arith.andi %shift_right_arithmetic3A_31, %and3A_33 : vector<128x16xi32>
    %shift_left3A_35 = arith.constant 6 : i32
    %shift_left3A_36 = vector.broadcast %shift_left3A_35 : i32 to vector<128x16xi32>
    %shift_left3A_37 = arith.shli %and3A_34, %shift_left3A_36 : vector<128x16xi32>
    %broadcast_in_dim3A = arith.constant 0 : i32
    %broadcast_in_dim3A_38 = vector.broadcast %broadcast_in_dim3A : i32 to vector<128x64xi32>
    %concatenate3A = tpu.concatenate %add3A, %add3A_20, %shift_left3A_28, %shift_left3A_37, %broadcast_in_dim3A_38 in 1 : vector<128x336xi32>, vector<128x16xi32>, vector<128x336xi32>, vector<128x16xi32>, vector<128x64xi32> -> vector<128x768xi32>
    %swap3A = arith.constant 0 : index
    %swap3A_39 = arith.constant 0 : index
    %swap3A_40 = vector.load %arg3[%swap3A, %swap3A_39] : memref<128x768xi32, #tpu.memory_space<vmem>>, vector<128x768xi32>
    tpu.vector_store %arg3[%swap3A, %swap3A_39], %concatenate3A {strides = array<i32>} : memref<128x768xi32, #tpu.memory_space<vmem>>, vector<128x768xi32>,
    return
  }
  func.func @transform_0(%arg0: i32) -> (i32, i32) {
    %c0_i32 = arith.constant 0 : i32
    %c0_i32_0 = arith.constant 0 : i32
    return %arg0, %c0_i32 : i32, i32
  }
  func.func @transform_1(%arg0: i32) -> (i32, i32) {
    %c0_i32 = arith.constant 0 : i32
    %c0_i32_0 = arith.constant 0 : i32
    return %arg0, %c0_i32 : i32, i32
  }
  func.func @transform_2(%arg0: i32) -> (i32, i32) {
    %c0_i32 = arith.constant 0 : i32
    %c0_i32_0 = arith.constant 0 : i32
    return %arg0, %c0_i32 : i32, i32
  }
}

</mosaic_0001>

<sc_bundles>
// kernel: _run.6.cloned.1.call-start
scs
__scs_entry_jumppad:
0x0: {  	(pc) =	sbr.rel $0x88, $3  }
0x1: {  	(tag) =	ssettag $0x0;
	lr =	simm.s32 $0x1  }
0x2: {  	[smem:$0x3F9D] =	sst lr;
	_ =	strace $0xD0000000  }
0x3: {  	_ = 	snop  }
0x4: {  	_ = 	snop  }
0x5: {  	_ = 	snop  }
0x6: {  	_ = 	snop  }
0x7: {  	_ = 	snop  }
__scs_overlays_trampoline_lowered:
0x8: {  	[smem:$0x3FAC] =	sst s0  }
0x9: {  	[smem:$0x3FAD] =	sst s1  }
0xa: {  	[smem:$0x3FAE] =	sst s2  }
0xb: {  	[smem:$0x3FAF] =	sst s3  }
0xc: {  	[smem:$0x3FB0] =	sst s4  }
0xd: {  	[smem:$0x3FB1] =	sst s5  }
0xe: {  	[smem:$0x3FB2] =	sst s6  }
0xf: {  	[smem:$0x3FB3] =	sst s7  }
0x10: {  	[smem:$0x3FB4] =	sst s8  }
0x11: {  	[smem:$0x3FB5] =	sst s9;
	s0 =	simm.s32 @!p0 $0x0  }
0x12: {  	s1 =	sld [smem:$0x3F9B];
	s0 =	simm.s32 @p0 $0x1  }
0x13: {  	[smem:$0x3FB6] =	sst s0;
	s0 =	simm.s32 @!p1 $0x0  }
0x14: {  	s2 =	sld [smem:$0x3F9A];
	s0 =	simm.s32 @p1 $0x1  }
0x15: {  	[smem:$0x3FB7] =	sst s0;
	s0 =	simm.s32 @!p2 $0x0  }
0x16: {  	s3 =	sld [smem:$0x3FDB];
	s0 =	simm.s32 @p2 $0x1  }
0x17: {  	s4 =	simm.s32 $0x1BF5;
	[smem:$0x3FB9] =	sst s0  }
0x18: {  	s0 =	sld [smem:$0x3F9C];
	_ =	swait.ge [sflag:s4], $0x0  }
0x19: {  	s7 =	sld [smem:$0x3F9D]  }
0x1a: {  	s8 =	sadd.s32 $0xFFFFE003, lr  }
0x1b: {  	s9 =	sadd.s32 $0xFFFFFEF7, lr;
	s5 =	simm.s32 $0xFFFFFFFF;
	p2 =	slt.u32 s8, $0xFFFFF086  }
0x1c: {  	p1 =	slt.u32 s9, $0xF7A;
	s5 =	simm.s32 @!p2 $0x0  }
0x1d: {  	s5 =	simm.s32 @p1 $0x1;
	p0 =	seq.s32 s7, s2  }
0x1e: {  	s7 =	smul.u32 @!p0 $0xF7A, s2;
	p2 =	seq.s32 @!p0 s5, $0x0  }
0x1f: {  	s9 =	smul.u32 $0xF7A, s1;
	s8 =	simm.s32 @!p0 $0x1BF5;
	p2 =	por !p2, p0  }
0x20: {  	[sflag:s8] =	ssyncset.s32 @!p0 $0xFFFFF086;
	s6 =	sadd.s32 @!p0 s3, s7;
	s7 =	simm.s32 @!p0 $0x108  }
0x21: {  	s3 =	sadd.s32 s3, s9;
	s6 =	sadd.s32 @!p0 $0x88, s6;
	s7 =	simm.s32 @p2 $0x1082  }
0x22: {  	[simem:s7], [sflag:s8] =	dma.local @!p0 [hbm:s6], $0xF7A  }
0x23: {  	s9 =	sor.u32 $0xD0000000, s2;
	s6 =	simm.s32 $0x108;
	_ =	swait.ge @!p0 [sflag:s8], $0x0  }
0x24: {  	s3 =	sadd.s32 $0x88, s3;
	s6 =	simm.s32 @!p1 $0x1082;
	[sflag:s4] =	ssyncset.s32 $0xFFFFF086  }
0x25: {  	[simem:s6], [sflag:s4] =	dma.local [hbm:s3], $0xF7A  }
0x26: {  	[smem:$0x3F9D] =	sst s1;
	(tag) =	ssettag s2;
	_ =	strace s9  }
0x27: {  	s1 =	sld [smem:$0x3FAD]  }
0x28: {  	s2 =	sld [smem:$0x3FAE]  }
0x29: {  	s4 =	sld [smem:$0x3FB0]  }
0x2a: {  	p0 =	seq.s32 s5, $0x0;
	s5 =	sld [smem:$0x3FB1]  }
0x2b: {  	s6 =	sld [smem:$0x3FB2]  }
0x2c: {  	s7 =	sld [smem:$0x3FB3]  }
0x2d: {  	s3 =	simm.s32 $0x108;
	s8 =	sld [smem:$0x3FB4]  }
0x2e: {  	s3 =	simm.s32 @!p0 $0x1082;
	s9 =	sld [smem:$0x3FB5]  }
0x2f: {  	lr =	sadd.s32 s0, s3;
	s0 =	sld [smem:$0x3FAC]  }
0x30: {  	s3 =	sld [smem:$0x3FAF]  }
0x31: {  	[smem:$0x3FB8] =	sst s10  }
0x32: {  	s10 =	sld [smem:$0x3FB6];
	_ =	sdelay $0x3  }
0x33: {  	p0 =	seq.s32 s10, $0x1;
	s10 =	sld [smem:$0x3FB8];
	_ =	sdelay $0x3  }
0x34: {  	[smem:$0x3FB8] =	sst s10  }
0x35: {  	s10 =	sld [smem:$0x3FB7];
	_ =	sdelay $0x3  }
0x36: {  	p1 =	seq.s32 s10, $0x1;
	s10 =	sld [smem:$0x3FB8];
	_ =	sdelay $0x3  }
0x37: {  	[smem:$0x3FB8] =	sst s10  }
0x38: {  	s10 =	sld [smem:$0x3FB9]  }
0x39: {  	_ = 	snop;
	(pc) =	sbr.ind lr, $3  }
0x3a: {  	_ = 	snop  }
0x3b: {  	_ = 	snop  }
0x3c: {  	p2 =	seq.s32 s10, $0x1;
	s10 =	sld [smem:$0x3FB8]  }
0x3d: {  	_ =	shalt  }
0x3e: {  	_ =	shalt  }
0x3f: {  	_ =	shalt  }
0x40: {  	_ =	shalt  }
0x41: {  	_ =	shalt  }
0x42: {  	_ =	shalt  }
0x43: {  	_ =	shalt  }
0x44: {  	_ =	shalt  }
0x45: {  	_ =	shalt  }
0x46: {  	_ =	shalt  }
0x47: {  	_ =	shalt  }
0x48: {  	_ =	shalt  }
0x49: {  	_ =	shalt  }
0x4a: {  	_ =	shalt  }
0x4b: {  	_ =	shalt  }
0x4c: {  	_ =	shalt  }
0x4d: {  	_ =	shalt  }
0x4e: {  	_ =	shalt  }
0x4f: {  	_ =	shalt  }
0x50: {  	_ =	shalt  }
0x51: {  	_ =	shalt  }
0x52: {  	_ =	shalt  }
0x53: {  	_ =	shalt  }
0x54: {  	_ =	shalt  }
0x55: {  	_ =	shalt  }
0x56: {  	_ =	shalt  }
0x57: {  	_ =	shalt  }
0x58: {  	_ =	shalt  }
0x59: {  	_ =	shalt  }
0x5a: {  	_ =	shalt  }
0x5b: {  	_ =	shalt  }
0x5c: {  	_ =	shalt  }
0x5d: {  	_ =	shalt  }
0x5e: {  	_ =	shalt  }
0x5f: {  	_ =	shalt  }
0x60: {  	_ =	shalt  }
0x61: {  	_ =	shalt  }
0x62: {  	_ =	shalt  }
0x63: {  	_ =	shalt  }
0x64: {  	_ =	shalt  }
0x65: {  	_ =	shalt  }
0x66: {  	_ =	shalt  }
0x67: {  	_ =	shalt  }
0x68: {  	_ =	shalt  }
0x69: {  	_ =	shalt  }
0x6a: {  	_ =	shalt  }
0x6b: {  	_ =	shalt  }
0x6c: {  	_ =	shalt  }
0x6d: {  	_ =	shalt  }
0x6e: {  	_ =	shalt  }
0x6f: {  	_ =	shalt  }
0x70: {  	_ =	shalt  }
0x71: {  	_ =	shalt  }
0x72: {  	_ =	shalt  }
0x73: {  	_ =	shalt  }
0x74: {  	_ =	shalt  }
0x75: {  	_ =	shalt  }
0x76: {  	_ =	shalt  }
0x77: {  	_ =	shalt  }
0x78: {  	_ =	shalt  }
0x79: {  	_ =	shalt  }
0x7a: {  	_ =	shalt  }
0x7b: {  	_ =	shalt  }
0x7c: {  	_ =	shalt  }
0x7d: {  	_ =	shalt  }
0x7e: {  	_ =	shalt  }
0x7f: {  	_ =	shalt  }
0x80: {  	_ =	shalt  }
0x81: {  	_ =	shalt  }
0x82: {  	_ =	shalt  }
0x83: {  	_ =	shalt  }
0x84: {  	_ =	shalt  }
0x85: {  	_ =	shalt  }
0x86: {  	_ =	shalt  }
0x87: {  	_ =	shalt  }
.Lfunc_end0:
.L_simem_size_0:
called_computation_lowered:
.L_overlay_start_0:
0x88: {  	s2 =	sld [smem:$0x3FD9]  }
0x89: {  	s3 =	sld [smem:$0x3FFE];
	_ =	sdelay $0x1  }
0x8a: {  	s1 =	srdreg.scid  }
0x8b: {  	s0 =	sand.u32 $0x1, s1  }
0x8c: {  	s17 =	sshll.u32 s0, $0xA;
	s2 =	sadd.s32 s3, s2  }
0x8d: {  	s2 =	sadd.s32 s2, s17  }
0x8e: {  	[smem:$0x3FC4] =	sst s2  }
0x8f: {  	_ = 	snop  }
0x90: {  	s2 =	sld [smem:$0x3FD0];
	(tm) =	ssettm $0x1  }
0x91: {  	s18 =	sld [smem:$0x3FFB];
	_ =	sdelay $0x3  }
0x92: {  	_ =	strace s18  }
0x93: {  	s3 =	sld [smem:$0x3FFC];
	_ =	sdelay $0x3  }
0x94: {  	_ =	strace s3  }
0x95: {  	s3 =	sld [smem:$0x3FFD];
	_ =	sdelay $0x3  }
0x96: {  	_ =	strace s3  }
0x97: {  	_ =	strace $0x8FFFFFFF  }
0x98: {  	s19 =	sld [smem:$0x3FDB];
	_ =	sdelay $0x1  }
0x99: {  	s4 =	simm.s32 $_scs_section_size  }
0x9a: {  	s5 =	simm.s32 $_size__tile_overlayer_lowered;
	s6 =	simm.s32 $_tile_overlayer_lowered  }
0x9b: {  	s22 =	simm.s32 $0x1BFF;
	s21 =	sshll.u32 s6, $0x1;
	s3 =	sadd.s32 s4, s19  }
0x9c: {  	s7 =	simm.s32 $0x0;
	s20 =	sshll.u32 s5, $0x1;
	s5 =	sadd.s32 s21, s3  }
0x9d: {  	[timem:s7], [sflag:s22] =	dma.local [hbm:s5], s20  }
0x9e: {  	_ =	swait.ge [sflag:s22], s20  }
0x9f: {  	s4 =	ssub.s32 $0x0, s20;
	[sflag:s22] =	ssyncset.done $0x0  }
0xa0: {  	[sflag:s22] =	ssyncadd.s32 s4;
	_ =	sdelay $0x1  }
0xa1: {  	s23 =	simm.s32 $0x1B8B  }
0xa2: {  	_ =	swait.ge [sflag:s23], $0x1  }
0xa3: {  	[sflag:s23] =	ssyncset.done $0x0  }
0xa4: {  	s25 =	simm.s32 $0x1B8E;
	s24 =	sld [smem:$0x3FFE];
	[sflag:s23] =	ssyncadd.s32 $0xFFFFFFFF  }
0xa5: {  	s26 =	simm.s32 $execute0_lowered;
	[smem:$0x3FD2] =	sst s25  }
0xa6: {  	s5 =	sshll.u32 s26, $0x1;
	_ =	strace $0x80000046;
	[dreg:$0x1] =	wrdreg $0xFFFFFFFF  }
0xa7: {  	s28 =	simm.s32 $_size_execute0_lowered;
	s3 =	sadd.s32 s3, s5;
	[dreg:$0x0] =	wrdreg $0x0  }
0xa8: {  	s5 =	sshll.u32 s28, $0x1;
	[dreg:$0x2] =	wrdreg s3  }
0xa9: {  	[dreg:$0x3] =	wrdreg s5  }
0xaa: {  	[dreg:$0x4] =	wrdreg $0xC0  }
0xab: {  	_ =	task [dreg:s7], $0x5FFFF  }
0xac: {  	[dreg:$0x1] =	wrdreg $0xFFFFFFFF  }
0xad: {  	[dreg:$0x0] =	wrdreg $0x60  }
0xae: {  	[dreg:$0x2] =	wrdreg s24  }
0xaf: {  	[dreg:$0x3] =	wrdreg s2  }
0xb0: {  	[dreg:$0x4] =	wrdreg $0x9  }
0xb1: {  	_ =	task.clear_ibuf [dreg:s7], $0x5FFFF;
	_ =	strace $0x90000046  }
0xb2: {  	s29 =	simm.s32 $0x9;
	_ =	strace $0x80000048  }
0xb3: {  	_ =	swait.ge [sflag:s29], $0x1  }
0xb4: {  	[sflag:s29] =	ssyncadd.s32 $0xFFFFFFFF  }
0xb5: {  	_ =	strace $0x90000048  }
0xb6: {  	_ =	sfence  }
0xb7: {  	s30 =	sld [smem:$0x0];
	_ =	sdelay $0x2  }
0xb8: {  	s31 =	sshll.u32 s1, $0xD;
	s1 =	sshrl.u32 s1, $0x2  }
0xb9: {  	s3 =	sand.u32 $0x4000, s31;
	s1 =	sadd.s32 s1, s30  }
0xba: {  	s0 =	sor.u32 s3, s0;
	s1 =	sshll.u32 s1, $0x11  }
0xbb: {  	s0 =	sor.u32 s1, s0  }
0xbc: {  	s0 =	sadd.s32 $0x8F2B, s0  }
0xbd: {  	[sflag:s0] =	ssyncadd.remote.s32 $0x1  }
0xbe: {  	_ =	sfence.sel $0xFFFF  }
0xbf: {  	[dreg:$0x0] =	wrdreg $0xFFFFFFFF;
	(pc) =	sbr.abs _section_cstart, $3  }
0xc0: {  	[dreg:$0x1] =	wrdreg $0xFFFFFFFF  }
0xc1: {  	_ =	task.clear_ibuf [dreg:s7], $0x2FFFF;
	_ =	strace $0x9FFFFFFF  }
0xc2: {  	(tm) =	ssettm $0x7FFFFFFF  }
0xc3: {  	_ =	shalt  }
tec
execute0_lowered:
.L_overlay_start_1:
0x0: {  	(tag) =	ssettag $0x1  }
0x1: {  	s0 =	rddreg [dreg:$0x0];
	s3 =	simm.s32 $0x0;
	vm2 =	vmmov $0x3;
	v1 =	vimm.s32 $0x0  }
0x2: {  	[smem:$0x7FF] =	sst s3;
	v1 =	vsel vm2, $0xFFFFFFFF, v1  }
0x3: {  	s2 =	rddreg [dreg:$0x1];
	vm3 =	vmmov $0x7;
	_ =	strace $0x80000047;
	[tilespmem:$0x1FF20] =	vst v1;
	v1 =	vimm.s32 $0x0  }
0x4: {  	v1 =	vsel vm3, $0xFFFFFFFF, v1  }
0x5: {  	vm4 =	vmmov $0xf;
	[tilespmem:$0x1FF30] =	vst v1;
	v1 =	vimm.s32 $0x0  }
0x6: {  	v1 =	vsel vm4, $0xFFFFFFFF, v1  }
0x7: {  	vm5 =	vmmov $0x1f;
	[tilespmem:$0x1FF40] =	vst v1;
	v1 =	vimm.s32 $0x0  }
0x8: {  	v1 =	vsel vm5, $0xFFFFFFFF, v1  }
0x9: {  	vm6 =	vmmov $0x3f;
	[tilespmem:$0x1FF50] =	vst v1;
	v1 =	vimm.s32 $0x0  }
0xa: {  	v1 =	vsel vm6, $0xFFFFFFFF, v1  }
0xb: {  	vm7 =	vmmov $0x7f;
	[tilespmem:$0x1FF60] =	vst v1;
	v1 =	vimm.s32 $0x0  }
0xc: {  	v1 =	vsel vm7, $0xFFFFFFFF, v1  }
0xd: {  	vm8 =	vmmov $0xff;
	[tilespmem:$0x1FF70] =	vst v1;
	v1 =	vimm.s32 $0x0  }
0xe: {  	v1 =	vsel vm8, $0xFFFFFFFF, v1  }
0xf: {  	vm9 =	vmmov $0x1ff;
	[tilespmem:$0x1FF80] =	vst v1;
	v1 =	vimm.s32 $0x0  }
0x10: {  	v1 =	vsel vm9, $0xFFFFFFFF, v1  }
0x11: {  	vm10 =	vmmov $0x3ff;
	[tilespmem:$0x1FF90] =	vst v1;
	v1 =	vimm.s32 $0x0  }
0x12: {  	v1 =	vsel vm10, $0xFFFFFFFF, v1  }
0x13: {  	s1 =	srdreg.scid;
	s4 =	stileid.u32;
	vm11 =	vmmov $0x7ff;
	[tilespmem:$0x1FFA0] =	vst v1;
	v1 =	vimm.s32 $0x0  }
0x14: {  	s12 =	simm.s32 $0x80;
	s15 =	simm.s32 $0x50;
	s18 =	simm.s32 $0x10;
	v1 =	vsel vm11, $0xFFFFFFFF, v1  }
0x15: {  	s21 =	simm.s32 $0x300;
	s22 =	simm.s32 $0x1;
	s23 =	simm.s32 $0x6;
	vm12 =	vmmov $0xfff;
	[tilespmem:$0x1FFB0] =	vst v1;
	v1 =	vimm.s32 $0x0  }
0x16: {  	s31 =	simm.s32 $0x15E00;
	s1 =	sand.u32 $0x1, s1;
	s4 =	sshll.u32 s4, $0x1;
	v1 =	vsel vm12, $0xFFFFFFFF, v1  }
0x17: {  	vm13 =	vmmov $0x1fff;
	s13 =	simm.s32 $0x16800;
	s16 =	simm.s32 $0x4;
	s7 =	sor.u32 s1, s4;
	[tilespmem:$0x1FFC0] =	vst v1;
	v1 =	vimm.s32 $0x0  }
0x18: {  	s5 =	sadd.s32 $0x18400, s0;
	s1 =	ssub.s32 $0x2, s1;
	s8 =	smul.u32 $0xC00, s7;
	v1 =	vsel vm13, $0xFFFFFFFF, v1  }
.Ltmp0:
0x19: {  	vm14 =	vmmov $0x3fff;
	s4 =	sadd.s32 $0x400, s0;
	s29 =	sshrl.u32 s1, $0x1;
	[tilespmem:$0x1FFD0] =	vst v1;
	v1 =	vimm.s32 $0x0;
	(pc) =	sbr.rel .LBB2_1-.Ltmp0, $4  }
0x1a: {  	s6 =	sadd.s32 $0x7C8400, s0;
	s0 =	ssub.s32 s1, s29;
	s9 =	sadd.s32 s4, s8;
	v1 =	vsel vm14, $0xFFFFFFFF, v1  }
0x1b: {  	vm1 =	vmmov $0x7fff;
	s1 =	simm.s32 $0x2;
	s0 =	smax.u32 s0, $0x1;
	[dreg:$0x3] =	wrdreg s9;
	[tilespmem:$0x1FFE0] =	vst v1;
	v1 =	vimm.s32 $0x0  }
0x1c: {  	s8 =	sshll.u32 s7, $0x5;
	s30 =	sadd.s32 $0x60, s9;
	[dreg:$0x5] =	wrdreg s0;
	v1 =	vsel vm1, $0xFFFFFFFF, v1  }
0x1d: {  	vm0 =	vmmov $0x1;
	v0 =	vlaneseq.u32;
	s0 =	simm.s32 $0x16600;
	s9 =	simm.s32 $0x0;
	[dreg:$0x4] =	wrdreg s30;
	[tilespmem:$0x1FFF0] =	vst v1  }
.LBB2_8:
0x1e: {  	s7 =	simm.s32 $0x3  }
0x1f: {  	_ =	swait.ge [sflag:s7], $0x200  }
0x20: {  	[sflag:s7] =	ssyncset.done $0x0  }
0x21: {  	[sflag:s7] =	ssyncadd.s32 $0xFFFFFE00  }
0x22: {  	_ =	swait.ge [sflag:s16], $0x200  }
0x23: {  	v1 =	vld [tilespmem:$0x1FF20];
	_ =	sdelay $0x4  }
0x24: {  	vm2 =	vnez.u8 v1;
	v1 =	vld [tilespmem:$0x1FF30];
	_ =	sdelay $0x4  }
0x25: {  	vm3 =	vnez.u8 v1;
	v1 =	vld [tilespmem:$0x1FF40];
	_ =	sdelay $0x4  }
0x26: {  	vm4 =	vnez.u8 v1;
	v1 =	vld [tilespmem:$0x1FF50];
	_ =	sdelay $0x4  }
0x27: {  	vm5 =	vnez.u8 v1;
	v1 =	vld [tilespmem:$0x1FF60];
	_ =	sdelay $0x4  }
0x28: {  	vm6 =	vnez.u8 v1;
	v1 =	vld [tilespmem:$0x1FF70];
	_ =	sdelay $0x4  }
0x29: {  	vm7 =	vnez.u8 v1;
	v1 =	vld [tilespmem:$0x1FF80];
	_ =	sdelay $0x4  }
0x2a: {  	vm8 =	vnez.u8 v1;
	v1 =	vld [tilespmem:$0x1FF90];
	_ =	sdelay $0x4  }
0x2b: {  	vm9 =	vnez.u8 v1;
	v1 =	vld [tilespmem:$0x1FFA0];
	_ =	sdelay $0x4  }
0x2c: {  	vm10 =	vnez.u8 v1;
	v1 =	vld [tilespmem:$0x1FFB0];
	_ =	sdelay $0x4  }
0x2d: {  	vm11 =	vnez.u8 v1;
	v1 =	vld [tilespmem:$0x1FFC0];
	_ =	sdelay $0x4  }
0x2e: {  	vm12 =	vnez.u8 v1;
	v1 =	vld [tilespmem:$0x1FFD0];
	_ =	sdelay $0x4  }
0x2f: {  	vm13 =	vnez.u8 v1;
	v1 =	vld [tilespmem:$0x1FFE0];
	_ =	sdelay $0x2  }
0x30: {  	s9 =	rddreg [dreg:$0x6]  }
0x31: {  	s30 =	rddreg [dreg:$0x5];
	s9 =	sadd.s32 $0x1, s9  }
0x32: {  	p0 =	sne.s32 s9, s30;
	vm14 =	vnez.u8 v1;
	v1 =	vld [tilespmem:$0x1FFF0]  }
.Ltmp1:
0x33: {  	_ = 	snop;
	(pc) =	sbr.rel @!p0 .LBB2_9-.Ltmp1, $3  }
0x34: {  	_ =	sdelay $0x1  }
0x35: {  	[sflag:s16] =	ssyncset.done $0x0  }
0x36: {  	[sflag:s16] =	ssyncadd.s32 $0xFFFFFE00;
	vm1 =	vnez.u8 v1  }
.LBB2_1:
0x37: {  	[dreg:$0x6] =	wrdreg s9  }
0x38: {  	s7 =	rddreg [dreg:$0x3];
	s19 =	simm.s32 $0x5  }
0x39: {  	[tilespmem:s3], [sflag:$0x5] =	stream.linear.gather [hbm4b:s7+s3], $0x300, $0x38;
	[tilespmem:$0x16A00] =	vst v63  }
0x3a: {  	_ =	swait.ge [sflag:s19], $0x300  }
0x3b: {  	[sflag:s19] =	ssyncset.done $0x0  }
0x3c: {  	s20 =	simm.s32 $0x600;
	[sflag:s19] =	ssyncadd.s32 $0xFFFFFD00  }
0x3d: {  	[tilespmem:s20], [sflag:$0x1] =	stream.indirect.gather [hbm4b:s6+s12], $0x80, s3, s12, $0xb8;
	[tilespmem:$0x16A00] =	vst v63  }
0x3e: {  	s24 =	simm.s32 $0x4600  }
0x3f: {  	[tilespmem:s24], [sflag:$0x1] =	stream.indirect.gather [hbm4b:s6+s12], $0x80, s12, s12, $0xb8;
	[tilespmem:$0x16A00] =	vst v63  }
0x40: {  	s25 =	simm.s32 $0x100;
	s26 =	simm.s32 $0x8600  }
0x41: {  	[tilespmem:s26], [sflag:$0x1] =	stream.indirect.gather [hbm4b:s6+s15], $0x80, s25, s15, $0xb8;
	[tilespmem:$0x16A00] =	vst v63  }
0x42: {  	s28 =	simm.s32 $0x150;
	s29 =	simm.s32 $0xAE00  }
0x43: {  	[tilespmem:s29], [sflag:$0x1] =	stream.indirect.gather [hbm4b:s5+s18], $0x80, s28, s18, $0xb8;
	[tilespmem:$0x16A00] =	vst v63  }
0x44: {  	s30 =	rddreg [dreg:$0x4];
	s19 =	simm.s32 $0x0  }
0x45: {  	[tilespmem:s21], [sflag:$0x6] =	stream.linear.gather [hbm4b:s30+s3], $0x300, $0x38;
	[tilespmem:$0x16A00] =	vst v63  }
.LBB2_2:
0x46: {  	_ =	swait.ge [sflag:s22], $0x4000  }
0x47: {  	[sflag:s22] =	ssyncset.done $0x0  }
0x48: {  	[sflag:s22] =	ssyncadd.s32 $0xFFFFC000  }
0x49: {  	_ =	swait.ge [sflag:s22], $0x4000  }
0x4a: {  	[sflag:s22] =	ssyncset.done $0x0  }
0x4b: {  	[sflag:s22] =	ssyncadd.s32 $0xFFFFC000  }
0x4c: {  	_ =	swait.ge [sflag:s22], $0x2800  }
0x4d: {  	[sflag:s22] =	ssyncset.done $0x0  }
0x4e: {  	[sflag:s22] =	ssyncadd.s32 $0xFFFFD800  }
0x4f: {  	_ =	swait.ge [sflag:s22], $0x800  }
0x50: {  	[sflag:s22] =	ssyncset.done $0x0  }
0x51: {  	[sflag:s22] =	ssyncadd.s32 $0xFFFFF800  }
0x52: {  	_ =	swait.ge [sflag:s23], $0x300  }
0x53: {  	[sflag:s23] =	ssyncset.done $0x0  }
0x54: {  	s7 =	simm.s32 $0xB600;
	[sflag:s23] =	ssyncadd.s32 $0xFFFFFD00  }
0x55: {  	[tilespmem:s7], [sflag:$0x2] =	stream.indirect.gather [hbm4b:s6+s12], $0x80, s21, s12, $0xb8;
	[tilespmem:$0x16A00] =	vst v63  }
0x56: {  	s11 =	simm.s32 $0x380;
	s9 =	simm.s32 $0xF600  }
0x57: {  	[tilespmem:s9], [sflag:$0x2] =	stream.indirect.gather [hbm4b:s6+s12], $0x80, s11, s12, $0xb8;
	[tilespmem:$0x16A00] =	vst v63  }
0x58: {  	s14 =	simm.s32 $0x400;
	s17 =	simm.s32 $0x13600;
	p0 =	seq.s32 s19, $0x0  }
0x59: {  	[tilespmem:s17], [sflag:$0x2] =	stream.indirect.gather [hbm4b:s6+s15], $0x80, s14, s15, $0xb8;
	[tilespmem:$0x16A00] =	vst v63  }
0x5a: {  	s20 =	simm.s32 $0x450;
	s7 =	simm.s32 @!p0 $0x3  }
0x5b: {  	[tilespmem:s31], [sflag:$0x2] =	stream.indirect.gather [hbm4b:s5+s18], $0x80, s20, s18, $0xb8;
	[tilespmem:$0x16A00] =	vst v63  }
0x5c: {  	_ =	swait.ge @!p0 [sflag:s7], $0x200  }
0x5d: {  	[sflag:s7] =	ssyncset.done @!p0 $0x0  }
0x5e: {  	s24 =	simm.s32 $0x170;
	[sflag:s7] =	ssyncadd.s32 @!p0 $0xFFFFFE00  }
0x5f: {  	v1 =	vld [tilespmem:s24+$0x0];
	_ =	sdelay $0x4  }
0x60: {  	(v2sf) =	vpush v1, $0x4;
	_ =	sdelay $0x3  }
0x61: {  	(v2sf) =	vpush v1, $0x3;
	_ =	sdelay $0x3  }
0x62: {  	(v2sf) =	vpush v1, $0x2;
	_ =	sdelay $0x3  }
0x63: {  	(v2sf) =	vpush v1, $0x1;
	_ =	sdelay $0x1  }
0x64: {  	s25 =	simm.s32 $0x2B0  }
0x65: {  	v2 =	vld [tilespmem:s25+$0x0];
	s10 =	spop (v2sf)  }
0x66: {  	(v2sf) =	vpush v1, $0x0;
	s26 =	sand.u32 $0x40, s10  }
0x67: {  	v7 =	vld [tilespmem:s24+$0xFFFFFFF0];
	s9 =	sadd.s32 $0x0, s26  }
0x68: {  	v6 =	vld [tilespmem:s9+$0x1000]  }
0x69: {  	s30 =	spop (v2sf);
	v8 =	vld [tilespmem:s9+$0x1010]  }
0x6a: {  	(v2sf) =	vpush v2, $0x0;
	s7 =	sand.u32 $0x40, s30;
	v9 =	vld [tilespmem:s9+$0x1020]  }
0x6b: {  	s7 =	sadd.s32 $0x0, s7;
	v10 =	vld [tilespmem:s9+$0x1030]  }
0x6c: {  	v11 =	vld [tilespmem:s7+$0xF80]  }
0x6d: {  	s10 =	spop (v2sf);
	v12 =	vld [tilespmem:s7+$0xF90]  }
0x6e: {  	(v2sf) =	vpush v7, $0xE;
	s9 =	sand.u32 $0x40, s10;
	v13 =	vld [tilespmem:s7+$0xFA0]  }
0x6f: {  	s9 =	sadd.s32 $0x0, s9;
	v14 =	vld [tilespmem:s7+$0xFB0]  }
0x70: {  	v15 =	vld [tilespmem:s9+$0xF00]  }
0x71: {  	s11 =	spop (v2sf);
	v16 =	vld [tilespmem:s9+$0xF10]  }
0x72: {  	(v2sf) =	vpush v7, $0xD;
	s7 =	sand.u32 $0x40, s11;
	v17 =	vld [tilespmem:s9+$0xF20]  }
0x73: {  	(v2sf) =	vpush v7, $0xC;
	s7 =	sadd.s32 $0x0, s7;
	v18 =	vld [tilespmem:s9+$0xF30]  }
0x74: {  	v19 =	vld [tilespmem:s7+$0xE80]  }
0x75: {  	v20 =	vld [tilespmem:s7+$0xE90];
	s14 =	spop (v2sf)  }
0x76: {  	v21 =	vld [tilespmem:s7+$0xEA0];
	s9 =	sand.u32 $0x40, s14  }
0x77: {  	v22 =	vld [tilespmem:s7+$0xEB0];
	(v2sf) =	vpush v7, $0xB;
	s9 =	sadd.s32 $0x0, s9  }
0x78: {  	v23 =	vld [tilespmem:s9+$0xE00]  }
0x79: {  	s17 =	spop (v2sf);
	v24 =	vld [tilespmem:s9+$0xE10]  }
0x7a: {  	s7 =	sand.u32 $0x40, s17;
	v25 =	vld [tilespmem:s9+$0xE20]  }
0x7b: {  	(v2sf) =	vpush v7, $0xA;
	s7 =	sadd.s32 $0x0, s7;
	v26 =	vld [tilespmem:s9+$0xE30]  }
0x7c: {  	(v2sf) =	vpush v7, $0x9;
	v1 =	vld [tilespmem:s7+$0xAE00]  }
0x7d: {  	s20 =	spop (v2sf);
	v3 =	vld [tilespmem:s7+$0xAE10]  }
0x7e: {  	s9 =	sand.u32 $0x40, s20;
	v2 =	vld [tilespmem:s7+$0xAE20]  }
0x7f: {  	v4 =	vld [tilespmem:s7+$0xAE30];
	s9 =	sadd.s32 $0x0, s9  }
0x80: {  	(v2sf) =	vpush v7, $0x8;
	v27 =	vld [tilespmem:s9+$0xD00]  }
0x81: {  	s24 =	spop (v2sf);
	v28 =	vld [tilespmem:s9+$0xD10]  }
0x82: {  	s7 =	sand.u32 $0x40, s24;
	s25 =	spop (v2sf);
	v29 =	vld [tilespmem:s9+$0xD20]  }
0x83: {  	s10 =	sand.u32 $0x40, s25;
	s7 =	sadd.s32 $0x0, s7;
	v30 =	vld [tilespmem:s9+$0xD30]  }
0x84: {  	(v2sf) =	vpush v7, $0x7;
	s26 =	sadd.s32 $0x0, s10;
	v5 =	vld [tilespmem:s7+$0xC80]  }
0x85: {  	(v2sf) =	vpush v7, $0x6;
	v31 =	vld [tilespmem:s26+$0xC00]  }
0x86: {  	v32 =	vld [tilespmem:s26+$0xC10];
	s30 =	spop (v2sf)  }
0x87: {  	v33 =	vld [tilespmem:s26+$0xC20];
	s10 =	sand.u32 $0x40, s30  }
0x88: {  	v34 =	vld [tilespmem:s26+$0xC30];
	s10 =	sadd.s32 $0x0, s10  }
0x89: {  	(v2sf) =	vpush v7, $0x5;
	v35 =	vld [tilespmem:s10+$0xB80]  }
0x8a: {  	s11 =	spop (v2sf);
	v36 =	vld [tilespmem:s10+$0xB90]  }
0x8b: {  	s9 =	sand.u32 $0x40, s11;
	s11 =	spop (v2sf);
	v37 =	vld [tilespmem:s10+$0xBA0]  }
0x8c: {  	v39 =	vmul.f32 v6, v1;
	v8 =	vmul.f32 v8, v3;
	s11 =	sand.u32 $0x40, s11;
	s9 =	sadd.s32 $0x0, s9;
	v38 =	vld [tilespmem:s10+$0xBB0]  }
0x8d: {  	v9 =	vmul.f32 v9, v2;
	v10 =	vmul.f32 v10, v4;
	(v2sf) =	vpush v7, $0x4;
	s14 =	sadd.s32 $0x0, s11;
	v6 =	vld [tilespmem:s9+$0xB00]  }
0x8e: {  	v11 =	vmul.f32 v11, v1;
	v12 =	vmul.f32 v12, v3;
	(v2sf) =	vpush v7, $0x3;
	v40 =	vld [tilespmem:s14+$0xA80]  }
0x8f: {  	v13 =	vmul.f32 v13, v2;
	v14 =	vmul.f32 v14, v4;
	s17 =	spop (v2sf);
	v41 =	vld [tilespmem:s14+$0xA90]  }
0x90: {  	v8 =	vadd.f32 v8, v39;
	v9 =	vadd.f32 v10, v9;
	s11 =	sand.u32 $0x40, s17;
	v10 =	vld [tilespmem:s14+$0xAA0]  }
0x91: {  	v11 =	vadd.f32 v12, v11;
	v13 =	vadd.f32 v14, v13;
	v14 =	vmul.f32 v17, v2;
	s11 =	sadd.s32 $0x0, s11;
	v63 =	vld [tilespmem:s14+$0xAB0]  }
0x92: {  	v9 =	vadd.f32 v9, v8;
	v8 =	vmul.f32 v15, v1;
	(v2sf) =	vpush v7, $0x2;
	v42 =	vld [tilespmem:s11+$0xA00]  }
0x93: {  	v15 =	vmul.f32 v16, v3;
	v16 =	vmul.f32 v18, v4;
	s20 =	spop (v2sf);
	v12 =	vld [tilespmem:s11+$0xA10]  }
0x94: {  	v18 =	vmul.f32 v19, v1;
	v19 =	vmul.f32 v20, v3;
	v11 =	vadd.f32 v13, v11;
	s10 =	sand.u32 $0x40, s20;
	s14 =	spop (v2sf);
	v17 =	vld [tilespmem:s11+$0xA20]  }
0x95: {  	v13 =	vmul.f32 v22, v4;
	v15 =	vadd.f32 v15, v8;
	v14 =	vadd.f32 v16, v14;
	s14 =	sand.u32 $0x40, s14;
	s10 =	sadd.s32 $0x0, s10;
	v20 =	vld [tilespmem:s11+$0xA30]  }
0x96: {  	v16 =	vmul.f32 v21, v2;
	v21 =	vmul.f32 v23, v1;
	(v2sf) =	vpush v7, $0x0;
	s24 =	sadd.s32 $0x0, s14;
	v8 =	vld [tilespmem:s10+$0x980]  }
0x97: {  	v18 =	vadd.f32 v19, v18;
	v23 =	vmul.f32 v26, v4;
	v26 =	vmul.f32 v28, v3;
	v22 =	vld [tilespmem:s24+$0x900]  }
0x98: {  	v28 =	vmul.f32 v30, v4;
	v14 =	vadd.f32 v14, v15;
	v15 =	vmul.f32 v24, v3;
	v19 =	vld [tilespmem:s24+$0x910];
	s25 =	spop (v2sf)  }
0x99: {  	v30 =	vmul.f32 v33, v2;
	v13 =	vadd.f32 v13, v16;
	v16 =	vmul.f32 v25, v2;
	v24 =	vld [tilespmem:s24+$0x920];
	s14 =	sand.u32 $0x40, s25  }
0x9a: {  	v25 =	vmul.f32 v27, v1;
	v15 =	vadd.f32 v15, v21;
	(v2sf) =	vpush v7, $0x1;
	v27 =	vld [tilespmem:s24+$0x930];
	s14 =	sadd.s32 $0x0, s14  }
0x9b: {  	v21 =	vmul.f32 v29, v2;
	v13 =	vadd.f32 v13, v18;
	v16 =	vadd.f32 v23, v16;
	v29 =	vld [tilespmem:s14+$0x880]  }
0x9c: {  	v23 =	vadd.f32 v26, v25;
	v26 =	vmul.f32 v31, v1;
	v31 =	vmul.f32 v34, v4;
	s26 =	spop (v2sf);
	v18 =	vld [tilespmem:s14+$0x890]  }
0x9d: {  	v21 =	vadd.f32 v28, v21;
	s11 =	sand.u32 $0x40, s26;
	s17 =	spop (v2sf);
	v25 =	vld [tilespmem:s14+$0x8A0]  }
0x9e: {  	v15 =	vadd.f32 v16, v15;
	v16 =	vmul.f32 v32, v3;
	v30 =	vadd.f32 v31, v30;
	s17 =	sand.u32 $0x40, s17;
	s11 =	sadd.s32 $0x0, s11;
	v28 =	vld [tilespmem:s14+$0x8B0]  }
0x9f: {  	v21 =	vadd.f32 v21, v23;
	v43 =	vmul.f32 v35, v1;
	v44 =	vmul.f32 v36, v3;
	s30 =	sadd.s32 $0x0, s17;
	v23 =	vld [tilespmem:s11+$0x800]  }
0xa0: {  	v16 =	vadd.f32 v16, v26;
	v31 =	vmul.f32 v37, v2;
	v45 =	vmul.f32 v38, v4;
	v26 =	vld [tilespmem:s30+$0x780]  }
0xa1: {  	v47 =	vmul.f32 v40, v1;
	v48 =	vmul.f32 v41, v3;
	s20 =	spop (v2sf);
	v46 =	vld [tilespmem:s30+$0x790]  }
0xa2: {  	v32 =	vadd.f32 v44, v43;
	v31 =	vadd.f32 v45, v31;
	v10 =	vmul.f32 v10, v2;
	s17 =	sand.u32 $0x40, s20;
	v49 =	vld [tilespmem:s30+$0x7A0]  }
0xa3: {  	v16 =	vadd.f32 v30, v16;
	v30 =	vmul.f32 v42, v1;
	v12 =	vmul.f32 v12, v3;
	s17 =	sadd.s32 $0x0, s17;
	v51 =	vld [tilespmem:s30+$0x7B0]  }
0xa4: {  	v17 =	vmul.f32 v17, v2;
	v20 =	vmul.f32 v20, v4;
	v52 =	vld [tilespmem:s17+$0x700]  }
0xa5: {  	v50 =	vmul.f32 v63, v4;
	v31 =	vadd.f32 v31, v32;
	v36 =	vadd.f32 v48, v47;
	s24 =	spop (v2sf);
	v53 =	vld [tilespmem:s17+$0x710]  }
0xa6: {  	v12 =	vadd.f32 v12, v30;
	v17 =	vadd.f32 v20, v17;
	s14 =	sand.u32 $0x40, s24;
	v54 =	vld [tilespmem:s17+$0x720]  }
0xa7: {  	v10 =	vadd.f32 v50, v10;
	v22 =	vmul.f32 v22, v1;
	v19 =	vmul.f32 v19, v3;
	v20 =	vld [tilespmem:s17+$0x730];
	s14 =	sadd.s32 $0x0, s14  }
0xa8: {  	v24 =	vmul.f32 v24, v2;
	v27 =	vmul.f32 v27, v4;
	v12 =	vadd.f32 v17, v12;
	v30 =	vld [tilespmem:s14+$0x600]  }
0xa9: {  	(xrf2) =	vadd.scan.msk.f32 $0xffff, v9;
	v9 =	vadd.f32 v19, v22;
	s25 =	spop (v2sf);
	v17 =	vld [tilespmem:s14+$0x610];
	v29 =	vmul.f32 v29, v1;
	v18 =	vmul.f32 v18, v3  }
0xaa: {  	(v2sf) =	vpush v7, $0xF;
	s17 =	sand.u32 $0x40, s25;
	v7 =	vld [tilespmem:s14+$0x620];
	v19 =	vmul.f32 v25, v2;
	v22 =	vmul.f32 v28, v4  }
0xab: {  	(xrf2) =	vadd.scan.msk.f32 $0xffff, v11;
	v11 =	vadd.f32 v27, v24;
	v25 =	vld [tilespmem:s14+$0x630];
	s26 =	sadd.s32 $0x0, s17;
	v24 =	vmul.f32 v26, v1;
	v26 =	vmul.f32 v46, v3  }
0xac: {  	(xrf2) =	vadd.scan.msk.f32 $0xffff, v14;
	v28 =	vld [tilespmem:s26+$0x6A0];
	v14 =	vadd.f32 v18, v29;
	v18 =	vadd.f32 v22, v19;
	v19 =	vmul.f32 v49, v2  }
0xad: {  	(xrf2) =	vadd.scan.msk.f32 $0xffff, v13;
	v9 =	vadd.f32 v11, v9;
	v22 =	vld [tilespmem:s26+$0x690];
	v11 =	vmul.f32 v51, v4;
	v13 =	vmul.f32 v52, v1  }
0xae: {  	(xrf2) =	vadd.scan.msk.f32 $0xffff, v15;
	v15 =	vmul.f32 v53, v3;
	v14 =	vadd.f32 v18, v14;
	v18 =	vadd.f32 v26, v24;
	v24 =	vld [tilespmem:s26+$0x6B0]  }
0xaf: {  	(xrf2) =	vadd.scan.msk.f32 $0xffff, v21;
	v27 =	vld [tilespmem:s26+$0x680];
	v20 =	vmul.f32 v20, v4;
	v11 =	vadd.f32 v11, v19;
	v19 =	vmul.f32 v54, v2  }
0xb0: {  	(xrf2) =	vadd.scan.msk.f32 $0xffff, v16;
	v10 =	vadd.f32 v10, v36;
	v21 =	vld [tilespmem:s11+$0x810];
	v16 =	vmul.f32 v30, v1;
	v17 =	vmul.f32 v17, v3  }
0xb1: {  	(xrf2) =	vadd.scan.msk.f32 $0xffff, v31;
	v13 =	vadd.f32 v15, v13;
	v15 =	vld [tilespmem:s11+$0x820];
	v7 =	vmul.f32 v7, v2;
	v19 =	vadd.f32 v20, v19  }
0xb2: {  	(xrf2) =	vadd.scan.msk.f32 $0xffff, v10;
	v20 =	vmul.f32 v25, v4;
	v25 =	vld [tilespmem:s11+$0x830];
	v10 =	vadd.f32 v11, v18;
	v18 =	vmul.f32 v22, v3  }
0xb3: {  	(xrf2) =	vadd.scan.msk.f32 $0xffff, v12;
	v22 =	vld [tilespmem:s10+$0x990];
	v12 =	vadd.f32 v19, v13;
	v13 =	vmul.f32 v28, v2;
	v19 =	vmul.f32 v24, v4  }
0xb4: {  	v11 =	vmul.f32 v27, v1;
	v26, _, _ =	vpop (xrf2);
	(xrf2) =	vadd.scan.msk.f32 $0xffff, v9;
	v9 =	vadd.f32 v17, v16;
	v17 =	vld [tilespmem:s10+$0x9B0]  }
0xb5: {  	v16 =	vmul.f32 v23, v1;
	v23 =	vld [tilespmem:s7+$0xCA0];
	v7 =	vadd.f32 v20, v7;
	v13 =	vadd.f32 v19, v13  }
0xb6: {  	v24 =	vld [tilespmem:s10+$0x9A0];
	v11 =	vadd.f32 v18, v11;
	v20, _, _ =	vpop (xrf2);
	(xrf2) =	vadd.scan.msk.f32 $0xffff, v14;
	v14 =	vmul.f32 v21, v3  }
0xb7: {  	v18 =	vld [tilespmem:s9+$0xB10];
	v7 =	vadd.f32 v7, v9;
	v9 =	vmul.f32 v15, v2;
	v19, _, _ =	vpop (xrf2);
	(xrf2) =	vadd.scan.msk.f32 $0xffff, v10;
	v10 =	vmul.f32 v25, v4  }
0xb8: {  	v15 =	vld [tilespmem:s9+$0xB20];
	v11 =	vadd.f32 v13, v11;
	v21, _, _ =	vpop (xrf2);
	(xrf2) =	vadd.scan.msk.f32 $0xffff, v12  }
0xb9: {  	v12 =	vld [tilespmem:s9+$0xB30];
	v13, _, _ =	vpop (xrf2);
	(xrf2) =	vadd.scan.msk.f32 $0xffff, v7;
	v7 =	vadd.f32 v14, v16;
	v9 =	vadd.f32 v10, v9  }
0xba: {  	v5 =	vmul.f32 v5, v1;
	v14 =	vld [tilespmem:s7+$0xC90]  }
0xbb: {  	v8 =	vmul.f32 v8, v1;
	v17 =	vmul.f32 v17, v4;
	v7 =	vadd.f32 v9, v7;
	v9 =	vld [tilespmem:s7+$0xCB0]  }
0xbc: {  	s30 =	spop (v2sf);
	v10 =	vmul.f32 v22, v3;
	v22 =	vmul.f32 v24, v2  }
0xbd: {  	v6 =	vmul.f32 v6, v1;
	v23 =	vmul.f32 v23, v2;
	s9 =	sand.u32 $0x40, s30;
	v16, _, _ =	vpop (xrf2);
	(xrf2) =	vadd.scan.msk.f32 $0xffff, v11  }
0xbe: {  	s10 =	sadd.s32 $0x0, s9;
	v15 =	vmul.f32 v15, v2;
	v11, _, _ =	vpop (xrf2);
	v8 =	vadd.f32 v10, v8;
	v10 =	vadd.f32 v17, v22;
	(xrf2) =	vadd.scan.msk.f32 $0xffff, v7  }
0xbf: {  	v25 =	vld [tilespmem:s10+$0xD90];
	v17 =	vmul.f32 v18, v3;
	v24, _, _ =	vpop (xrf2);
	v12 =	vmul.f32 v12, v4  }
0xc0: {  	v18 =	vld [tilespmem:s10+$0xD80];
	v22, _, _ =	vpop (xrf2);
	v8 =	vadd.f32 v10, v8;
	v14 =	vmul.f32 v14, v3;
	v9 =	vmul.f32 v9, v4  }
0xc1: {  	v10 =	vld [tilespmem:s10+$0xDA0];
	v6 =	vadd.f32 v17, v6;
	v7, _, _ =	vpop (xrf2);
	v12 =	vadd.f32 v12, v15  }
0xc2: {  	v15 =	vld [tilespmem:s10+$0xDB0];
	v27, _, _ =	vpop (xrf2);
	v5 =	vadd.f32 v14, v5;
	v9 =	vadd.f32 v9, v23  }
0xc3: {  	(xrf2) =	vadd.scan.msk.f32 $0xffff, v8;
	v17, _, _ =	vpop (xrf2);
	v6 =	vadd.f32 v12, v6  }
0xc4: {  	v8, _, _ =	vpop (xrf2);
	v5 =	vadd.f32 v9, v5  }
0xc5: {  	v12, _, _ =	vpop (xrf2)  }
0xc6: {  	v3 =	vmul.f32 v25, v3;
	v1 =	vmul.f32 v18, v1;
	(xrf2) =	vadd.scan.msk.f32 $0xffff, v6;
	v14, _, _ =	vpop (xrf2)  }
0xc7: {  	v2 =	vmul.f32 v10, v2;
	v4 =	vmul.f32 v15, v4;
	v6, _, _ =	vpop (xrf2)  }
0xc8: {  	v9 =	vbroadcast v14, $0xF;
	v6 =	vbroadcast v6, $0xF;
	(xrf2) =	vadd.scan.msk.f32 $0xffff, v5;
	v5, _, _ =	vpop (xrf2)  }
0xc9: {  	v1 =	vadd.f32 v3, v1;
	v10 =	vbroadcast v12, $0xF;
	v5 =	vbroadcast v5, $0xF  }
0xca: {  	v2 =	vadd.f32 v4, v2;
	v4 =	vbroadcast v8, $0xF;
	v3 =	vsel vm0, v9, v6  }
0xcb: {  	v3 =	vsel vm2, v3, v10  }
0xcc: {  	v1 =	vadd.f32 v2, v1;
	v2 =	vsel vm3, v3, v4;
	v3 =	vbroadcast v17, $0xF  }
0xcd: {  	v4 =	vbroadcast v27, $0xF;
	v2 =	vsel vm4, v2, v5;
	v5, _, _ =	vpop (xrf2)  }
0xce: {  	(xrf2) =	vadd.scan.msk.f32 $0xffff, v1;
	v1 =	vsel vm5, v2, v3;
	v2 =	vbroadcast v5, $0xF  }
0xcf: {  	v3 =	vbroadcast v7, $0xF;
	v1 =	vsel vm6, v1, v4  }
0xd0: {  	v5, _, _ =	vpop (xrf2);
	v1 =	vsel vm7, v1, v2;
	v2 =	vbroadcast v22, $0xF  }
0xd1: {  	vm15 =	vcmask $0x314;
	v1 =	vsel vm8, v1, v3;
	v3 =	vbroadcast v5, $0xF  }
0xd2: {  	v6 =	vbroadcast v19, $0xF;
	v1 =	vsel vm9, v1, v2;
	v2 =	vbroadcast v24, $0xF  }
0xd3: {  	s9 =	simm.s32 $0x10;
	v7 =	vbroadcast v13, $0xF;
	v8, _, _ =	vpop (xrf2);
	v1 =	vsel vm10, v1, v3;
	v3 =	vbroadcast v11, $0xF  }
0xd4: {  	v4 =	vor.u32 s9, v0;
	v1 =	vsel vm11, v1, v2;
	v2 =	vbroadcast v8, $0xF  }
0xd5: {  	s11 =	simm.s32 $0x0;
	v7 =	vnsel vm0, $0x0, v7;
	v8 =	vbroadcast v21, $0xF;
	v1 =	vsel vm12, v1, v3  }
0xd6: {  	v5 =	vor.u32 s11, v0;
	v3 =	vbroadcast v16, $0xF;
	v1 =	vsel vm13, v1, v2  }
0xd7: {  	v2 =	vsel vm15, v7, v8;
	v7 =	vbroadcast v20, $0xF;
	vm15 =	vcmask $0x714  }
0xd8: {  	v1 =	vsel vm14, v1, v3;
	v2 =	vsel vm15, v2, v6;
	v3 =	vbroadcast v26, $0xF;
	v6, _, _ =	vpop (xrf2)  }
0xd9: {  	vm15 =	vmmov vm1;
	v1 =	vsel vm1, v1, v6;
	vm1 =	vcmask $0xB14  }
0xda: {  	v2 =	vsel vm1, v2, v7;
	vm1 =	vcmask $0xF14  }
0xdb: {  	[tilespmem:v5+s0+$0x0] =	vst.idx.msk $0xffff, v1;
	v2 =	vsel vm1, v2, v3  }
0xdc: {  	s10 =	simm.s32 $0x185;
	[tilespmem:v4+s0+$0x0] =	vst.idx.msk $0x1f, v2  }
0xdd: {  	v1 =	vld [tilespmem:s10+$0x0];
	_ =	sdelay $0x4  }
0xde: {  	(v2sf) =	vpush v1, $0x4;
	_ =	sdelay $0x3  }
0xdf: {  	(v2sf) =	vpush v1, $0x3;
	_ =	sdelay $0x3  }
0xe0: {  	(v2sf) =	vpush v1, $0x2;
	_ =	sdelay $0x3  }
0xe1: {  	(v2sf) =	vpush v1, $0x1;
	_ =	sdelay $0x1  }
0xe2: {  	s7 =	simm.s32 $0x2B1  }
0xe3: {  	v2 =	vld [tilespmem:s7+$0x0];
	s14 =	spop (v2sf)  }
0xe4: {  	(v2sf) =	vpush v1, $0x0;
	s11 =	sand.u32 $0x40, s14  }
0xe5: {  	v7 =	vld [tilespmem:s10+$0xFFFFFFF0];
	s11 =	sadd.s32 $0xA80, s11  }
0xe6: {  	v6 =	vld [tilespmem:s11+$0x1000]  }
0xe7: {  	s17 =	spop (v2sf);
	v8 =	vld [tilespmem:s11+$0x1010]  }
0xe8: {  	(v2sf) =	vpush v2, $0x0;
	s14 =	sand.u32 $0x40, s17;
	v9 =	vld [tilespmem:s11+$0x1020]  }
0xe9: {  	s14 =	sadd.s32 $0xA80, s14;
	v10 =	vld [tilespmem:s11+$0x1030]  }
0xea: {  	v11 =	vld [tilespmem:s14+$0xF80]  }
0xeb: {  	s20 =	spop (v2sf);
	v12 =	vld [tilespmem:s14+$0xF90]  }
0xec: {  	(v2sf) =	vpush v7, $0xE;
	s11 =	sand.u32 $0x40, s20;
	v13 =	vld [tilespmem:s14+$0xFA0]  }
0xed: {  	s11 =	sadd.s32 $0xA80, s11;
	v14 =	vld [tilespmem:s14+$0xFB0]  }
0xee: {  	v15 =	vld [tilespmem:s11+$0xF00]  }
0xef: {  	s24 =	spop (v2sf);
	v16 =	vld [tilespmem:s11+$0xF10]  }
0xf0: {  	(v2sf) =	vpush v7, $0xD;
	s14 =	sand.u32 $0x40, s24;
	v17 =	vld [tilespmem:s11+$0xF20]  }
0xf1: {  	(v2sf) =	vpush v7, $0xC;
	s14 =	sadd.s32 $0xA80, s14;
	v18 =	vld [tilespmem:s11+$0xF30]  }
0xf2: {  	v19 =	vld [tilespmem:s14+$0xE80]  }
0xf3: {  	s25 =	spop (v2sf);
	v20 =	vld [tilespmem:s14+$0xE90]  }
0xf4: {  	s11 =	sand.u32 $0x40, s25;
	v21 =	vld [tilespmem:s14+$0xEA0]  }
0xf5: {  	(v2sf) =	vpush v7, $0xB;
	s11 =	sadd.s32 $0xA80, s11;
	v22 =	vld [tilespmem:s14+$0xEB0]  }
0xf6: {  	v23 =	vld [tilespmem:s11+$0xE00]  }
0xf7: {  	s26 =	spop (v2sf);
	v24 =	vld [tilespmem:s11+$0xE10]  }
0xf8: {  	s14 =	sand.u32 $0x40, s26;
	v25 =	vld [tilespmem:s11+$0xE20]  }
0xf9: {  	(v2sf) =	vpush v7, $0xA;
	s14 =	sadd.s32 $0x80, s14;
	v26 =	vld [tilespmem:s11+$0xE30]  }
0xfa: {  	(v2sf) =	vpush v7, $0x9;
	v1 =	vld [tilespmem:s14+$0xAE00]  }
0xfb: {  	v3 =	vld [tilespmem:s14+$0xAE10];
	s30 =	spop (v2sf)  }
0xfc: {  	v2 =	vld [tilespmem:s14+$0xAE20];
	s11 =	sand.u32 $0x40, s30  }
0xfd: {  	v4 =	vld [tilespmem:s14+$0xAE30];
	s11 =	sadd.s32 $0xA80, s11  }
0xfe: {  	(v2sf) =	vpush v7, $0x8;
	v27 =	vld [tilespmem:s11+$0xD00]  }
0xff: {  	s17 =	spop (v2sf);
	v28 =	vld [tilespmem:s11+$0xD10]  }
0x100: {  	s14 =	sand.u32 $0x40, s17;
	s20 =	spop (v2sf);
	v29 =	vld [tilespmem:s11+$0xD20]  }
0x101: {  	s17 =	sand.u32 $0x40, s20;
	s14 =	sadd.s32 $0xA80, s14;
	v30 =	vld [tilespmem:s11+$0xD30]  }
0x102: {  	(v2sf) =	vpush v7, $0x7;
	s24 =	sadd.s32 $0xA80, s17;
	v5 =	vld [tilespmem:s14+$0xC80]  }
0x103: {  	(v2sf) =	vpush v7, $0x6;
	v31 =	vld [tilespmem:s24+$0xC00]  }
0x104: {  	v6 =	vmul.f32 v6, v1;
	v8 =	vmul.f32 v8, v3;
	s25 =	spop (v2sf);
	v55 =	vld [tilespmem:s24+$0xC10]  }
0x105: {  	v9 =	vmul.f32 v9, v2;
	v57 =	vmul.f32 v10, v4;
	s17 =	sand.u32 $0x40, s25;
	v56 =	vld [tilespmem:s24+$0xC20]  }
0x106: {  	v59 =	vmul.f32 v11, v1;
	v60 =	vmul.f32 v13, v2;
	v6 =	vadd.f32 v8, v6;
	s17 =	sadd.s32 $0xA80, s17;
	v58 =	vld [tilespmem:s24+$0xC30]  }
0x107: {  	v14 =	vmul.f32 v14, v4;
	v9 =	vadd.f32 v57, v9;
	(v2sf) =	vpush v7, $0x5;
	v10 =	vld [tilespmem:s17+$0xB80]  }
0x108: {  	v61 =	vmul.f32 v15, v1;
	v8 =	vmul.f32 v12, v3;
	s26 =	spop (v2sf);
	v11 =	vld [tilespmem:s17+$0xB90]  }
0x109: {  	v17 =	vmul.f32 v17, v2;
	v18 =	vmul.f32 v18, v4;
	v6 =	vadd.f32 v9, v6;
	s11 =	sand.u32 $0x40, s26;
	s20 =	spop (v2sf);
	v12 =	vld [tilespmem:s17+$0xBA0]  }
0x10a: {  	v9 =	vmul.f32 v16, v3;
	v15 =	vadd.f32 v8, v59;
	v16 =	vadd.f32 v14, v60;
	s20 =	sand.u32 $0x40, s20;
	s25 =	sadd.s32 $0xA80, s11;
	v13 =	vld [tilespmem:s17+$0xBB0]  }
0x10b: {  	v21 =	vmul.f32 v21, v2;
	v22 =	vmul.f32 v22, v4;
	(v2sf) =	vpush v7, $0x4;
	s30 =	sadd.s32 $0xA80, s20;
	v8 =	vld [tilespmem:s25+$0xB00]  }
0x10c: {  	(xrf2) =	vadd.scan.msk.f32 $0xffff, v6;
	v6 =	vmul.f32 v19, v1;
	v34 =	vadd.f32 v16, v15;
	(v2sf) =	vpush v7, $0x3;
	v14 =	vld [tilespmem:s30+$0xA80]  }
0x10d: {  	v19 =	vmul.f32 v20, v3;
	v9 =	vadd.f32 v9, v61;
	v20 =	vadd.f32 v18, v17;
	v15 =	vld [tilespmem:s30+$0xA90];
	s20 =	spop (v2sf)  }
0x10e: {  	(xrf2) =	vadd.scan.msk.f32 $0xffff, v34;
	v16 =	vld [tilespmem:s30+$0xAA0];
	s17 =	sand.u32 $0x40, s20  }
0x10f: {  	v23 =	vmul.f32 v23, v1;
	v22 =	vadd.f32 v22, v21;
	v62 =	vadd.f32 v20, v9;
	v17 =	vld [tilespmem:s30+$0xAB0];
	s17 =	sadd.s32 $0xA80, s17  }
0x110: {  	v24 =	vmul.f32 v24, v3;
	v6 =	vadd.f32 v19, v6;
	(v2sf) =	vpush v7, $0x2;
	v18 =	vld [tilespmem:s17+$0xA00]  }
0x111: {  	v9 =	vmul.f32 v25, v2;
	v25 =	vmul.f32 v26, v4;
	(xrf2) =	vadd.scan.msk.f32 $0xffff, v62;
	s24 =	spop (v2sf);
	v19 =	vld [tilespmem:s17+$0xA10]  }
0x112: {  	v23 =	vadd.f32 v24, v23;
	v6 =	vadd.f32 v22, v6;
	s11 =	sand.u32 $0x40, s24;
	s26 =	spop (v2sf);
	v20 =	vld [tilespmem:s17+$0xA20]  }
0x113: {  	v25 =	vadd.f32 v25, v9;
	v24 =	vmul.f32 v27, v1;
	v27 =	vmul.f32 v28, v3;
	s20 =	sand.u32 $0x40, s26;
	s26 =	sadd.s32 $0xA80, s11;
	v21 =	vld [tilespmem:s17+$0xA30]  }
0x114: {  	v29 =	vmul.f32 v29, v2;
	v30 =	vmul.f32 v30, v4;
	(xrf2) =	vadd.scan.msk.f32 $0xffff, v6;
	(v2sf) =	vpush v7, $0x0;
	s28 =	sadd.s32 $0xA80, s20;
	v9 =	vld [tilespmem:s26+$0x980]  }
0x115: {  	s30 =	sshll.u32 s19, $0x1;
	v63 =	vadd.f32 v25, v23;
	v25 =	vmul.f32 v31, v1;
	v22 =	vld [tilespmem:s28+$0x900]  }
0x116: {  	v26 =	vmul.f32 v55, v3;
	v28 =	vadd.f32 v27, v24;
	v30 =	vadd.f32 v30, v29;
	s11 =	simm.s32 $0xA80;
	s24 =	spop (v2sf);
	s17 =	simm.s32 $0x200;
	v23 =	vld [tilespmem:s28+$0x910]  }
0x117: {  	v27 =	vmul.f32 v56, v2;
	v29 =	vmul.f32 v58, v4;
	v6, _, _ =	vpop (xrf2);
	(xrf2) =	vadd.scan.msk.f32 $0xffff, v63;
	s20 =	sor.u32 s8, s30;
	s29 =	sand.u32 $0x40, s24;
	s24 =	simm.s32 $0x5400;
	v24 =	vld [tilespmem:s28+$0x920]  }
.LBB2_3:
0x118: {  	p0 =	sne.s32 s24, $0x27600;
	s29 =	sadd.s32 s11, s29;
	v31 =	vld [tilespmem:s28+$0x930];
	v32 =	vmul.f32 v10, v1;
	v28 =	vadd.f32 v30, v28;
	(v2sf) =	vpush v7, $0x1;
	v10, _, _ =	vpop (xrf2)  }
0x119: {  	v33 =	vmul.f32 v11, v3;
	v34 =	vadd.f32 v26, v25;
	v30 =	vld [tilespmem:s29+$0x880];
	v25 =	vadd.f32 v29, v27  }
0x11a: {  	v12 =	vmul.f32 v12, v2;
	v13 =	vmul.f32 v13, v4;
	v26 =	vld [tilespmem:s29+$0x890];
	s28 =	spop (v2sf);
	(xrf2) =	vadd.scan.msk.f32 $0xffff, v28  }
0x11b: {  	v14 =	vmul.f32 v14, v1;
	s28 =	sand.u32 $0x40, s28;
	v27 =	vld [tilespmem:s29+$0x8A0];
	v25 =	vadd.f32 v25, v34;
	s30 =	spop (v2sf);
	v11, _, _ =	vpop (xrf2)  }
0x11c: {  	v15 =	vmul.f32 v15, v3;
	v29 =	vadd.f32 v33, v32;
	v33 =	vadd.f32 v13, v12;
	s30 =	sand.u32 $0x40, s30;
	s28 =	sadd.s32 s11, s28;
	v28 =	vld [tilespmem:s29+$0x8B0]  }
0x11d: {  	v13 =	vmul.f32 v16, v2;
	v16 =	vmul.f32 v17, v4;
	s29 =	sadd.s32 s11, s30;
	v32 =	vld [tilespmem:s28+$0x800];
	(xrf2) =	vadd.scan.msk.f32 $0xffff, v25  }
0x11e: {  	v18 =	vmul.f32 v18, v1;
	v25 =	vadd.f32 v33, v29;
	v17 =	vld [tilespmem:s29+$0x780];
	v12, _, _ =	vpop (xrf2)  }
0x11f: {  	v19 =	vmul.f32 v19, v3;
	v14 =	vadd.f32 v15, v14;
	v33 =	vadd.f32 v16, v13;
	v29 =	vld [tilespmem:s29+$0x790];
	s30 =	spop (v2sf)  }
0x120: {  	v15 =	vmul.f32 v20, v2;
	v20 =	vmul.f32 v21, v4;
	s30 =	sand.u32 $0x40, s30;
	v16 =	vld [tilespmem:s29+$0x7A0];
	(xrf2) =	vadd.scan.msk.f32 $0xffff, v25  }
0x121: {  	v22 =	vmul.f32 v22, v1;
	v33 =	vadd.f32 v33, v14;
	s30 =	sadd.s32 s11, s30;
	v21 =	vld [tilespmem:s29+$0x7B0];
	v13, _, _ =	vpop (xrf2)  }
0x122: {  	v18 =	vadd.f32 v19, v18;
	v23 =	vmul.f32 v23, v3;
	v15 =	vadd.f32 v20, v15;
	v25 =	vld [tilespmem:s30+$0x700]  }
0x123: {  	v20 =	vmul.f32 v24, v2;
	v24 =	vmul.f32 v31, v4;
	v19 =	vld [tilespmem:s30+$0x710];
	s29 =	spop (v2sf);
	(xrf2) =	vadd.scan.msk.f32 $0xffff, v33  }
0x124: {  	v30 =	vmul.f32 v30, v1;
	v33 =	vadd.f32 v15, v18;
	s29 =	sand.u32 $0x40, s29;
	v31 =	vld [tilespmem:s30+$0x720];
	v14, _, _ =	vpop (xrf2)  }
0x125: {  	v22 =	vadd.f32 v23, v22;
	v26 =	vmul.f32 v26, v3;
	v20 =	vadd.f32 v24, v20;
	s29 =	sadd.s32 s11, s29;
	v18 =	vld [tilespmem:s30+$0x730]  }
0x126: {  	v24 =	vmul.f32 v27, v2;
	v27 =	vmul.f32 v28, v4;
	v23 =	vld [tilespmem:s29+$0x600];
	(xrf2) =	vadd.scan.msk.f32 $0xffff, v33  }
0x127: {  	v20 =	vadd.f32 v20, v22;
	v17 =	vmul.f32 v17, v1;
	v28 =	vld [tilespmem:s29+$0x610];
	s30 =	spop (v2sf);
	v15, _, _ =	vpop (xrf2);
	(v2sf) =	vpush v7, $0xF  }
0x128: {  	v30 =	vadd.f32 v26, v30;
	v24 =	vadd.f32 v27, v24;
	v29 =	vmul.f32 v29, v3;
	v22 =	vld [tilespmem:s29+$0x620];
	s30 =	sand.u32 $0x40, s30  }
0x129: {  	v16 =	vmul.f32 v16, v2;
	v21 =	vmul.f32 v21, v4;
	v26 =	vld [tilespmem:s29+$0x630];
	s29 =	sadd.s32 s11, s30;
	(xrf2) =	vadd.scan.msk.f32 $0xffff, v20  }
0x12a: {  	v24 =	vadd.f32 v24, v30;
	v25 =	vmul.f32 v25, v1;
	v20 =	vld [tilespmem:s29+$0x680];
	v7, _, _ =	vpop (xrf2)  }
0x12b: {  	v17 =	vadd.f32 v29, v17;
	v19 =	vmul.f32 v19, v3;
	v30 =	vadd.f32 v21, v16;
	v27 =	vld [tilespmem:s29+$0x690]  }
0x12c: {  	v29 =	vmul.f32 v31, v2;
	v18 =	vmul.f32 v18, v4;
	v21 =	vld [tilespmem:s29+$0x6A0];
	(xrf2) =	vadd.scan.msk.f32 $0xffff, v24  }
0x12d: {  	v17 =	vadd.f32 v30, v17;
	v23 =	vmul.f32 v23, v1;
	v24 =	vld [tilespmem:s29+$0x6B0];
	v16, _, _ =	vpop (xrf2)  }
0x12e: {  	v19 =	vadd.f32 v19, v25;
	v28 =	vmul.f32 v28, v3;
	v18 =	vadd.f32 v18, v29;
	v25 =	vld [tilespmem:s28+$0x810]  }
0x12f: {  	v22 =	vmul.f32 v22, v2;
	v26 =	vmul.f32 v26, v4;
	v29 =	vld [tilespmem:s28+$0x820];
	(xrf2) =	vadd.scan.msk.f32 $0xffff, v17  }
0x130: {  	v18 =	vadd.f32 v18, v19;
	v17 =	vmul.f32 v20, v1;
	v19 =	vld [tilespmem:s28+$0x830];
	v20, _, _ =	vpop (xrf2)  }
0x131: {  	v23 =	vadd.f32 v28, v23;
	v22 =	vadd.f32 v26, v22;
	v26 =	vmul.f32 v27, v3;
	v27 =	vld [tilespmem:s26+$0x990]  }
0x132: {  	v21 =	vmul.f32 v21, v2;
	v24 =	vmul.f32 v24, v4;
	v28 =	vld [tilespmem:s26+$0x9A0];
	(xrf2) =	vadd.scan.msk.f32 $0xffff, v18  }
0x133: {  	v18 =	vadd.f32 v22, v23;
	v22 =	vmul.f32 v32, v1;
	v23 =	vld [tilespmem:s26+$0x9B0];
	v30, _, _ =	vpop (xrf2)  }
0x134: {  	v17 =	vadd.f32 v26, v17;
	v31 =	vadd.f32 v24, v21;
	v24 =	vmul.f32 v25, v3;
	v25 =	vld [tilespmem:s25+$0xB10]  }
0x135: {  	v26 =	vmul.f32 v29, v2;
	v19 =	vmul.f32 v19, v4;
	v29 =	vld [tilespmem:s25+$0xB20];
	(xrf2) =	vadd.scan.msk.f32 $0xffff, v18  }
0x136: {  	v9 =	vmul.f32 v9, v1;
	v17 =	vadd.f32 v31, v17;
	v18 =	vld [tilespmem:s25+$0xB30];
	v21, _, _ =	vpop (xrf2);
	s25 =	spop (v2sf)  }
0x137: {  	v31 =	vadd.f32 v24, v22;
	v24 =	vmul.f32 v27, v3;
	v19 =	vadd.f32 v19, v26;
	v26 =	vld [tilespmem:s14+$0xC90]  }
0x138: {  	v27 =	vmul.f32 v28, v2;
	s25 =	sand.u32 $0x40, s25;
	v23 =	vmul.f32 v23, v4;
	v28 =	vld [tilespmem:s14+$0xCA0];
	(xrf2) =	vadd.scan.msk.f32 $0xffff, v17  }
0x139: {  	v8 =	vmul.f32 v8, v1;
	s11 =	sadd.s32 s11, s25;
	v17 =	vadd.f32 v19, v31;
	v19 =	vld [tilespmem:s14+$0xCB0];
	v22, _, _ =	vpop (xrf2)  }
0x13a: {  	v9 =	vadd.f32 v24, v9;
	v24 =	vmul.f32 v25, v3;
	v31 =	vadd.f32 v23, v27;
	v25 =	vld [tilespmem:s11+$0xD80]  }
0x13b: {  	v27 =	vmul.f32 v29, v2;
	v18 =	vmul.f32 v18, v4;
	v29 =	vld [tilespmem:s11+$0xD90];
	(xrf2) =	vadd.scan.msk.f32 $0xffff, v17  }
0x13c: {  	v5 =	vmul.f32 v5, v1;
	v31 =	vadd.f32 v31, v9;
	v17 =	vld [tilespmem:s11+$0xDA0];
	v23, _, _ =	vpop (xrf2)  }
0x13d: {  	v8 =	vadd.f32 v24, v8;
	v24 =	vmul.f32 v26, v3;
	v18 =	vadd.f32 v18, v27;
	v26 =	vld [tilespmem:s11+$0xDB0]  }
0x13e: {  	v27 =	vmul.f32 v28, v2;
	v19 =	vmul.f32 v19, v4;
	(xrf2) =	vadd.scan.msk.f32 $0xffff, v31  }
0x13f: {  	v28 =	vadd.f32 v18, v8;
	v9, _, _ =	vpop (xrf2)  }
0x140: {  	v5 =	vadd.f32 v24, v5;
	v18 =	vadd.f32 v19, v27  }
0x141: {  	v1 =	vmul.f32 v25, v1;
	v3 =	vmul.f32 v29, v3;
	(xrf2) =	vadd.scan.msk.f32 $0xffff, v28  }
0x142: {  	v2 =	vmul.f32 v17, v2;
	v18 =	vadd.f32 v18, v5;
	v4 =	vmul.f32 v26, v4;
	v8, _, _ =	vpop (xrf2)  }
0x143: {  	v9 =	vbroadcast v9, $0xF;
	v8 =	vbroadcast v8, $0xF  }
0x144: {  	v17 =	vbroadcast v23, $0xF;
	v1 =	vadd.f32 v3, v1;
	v2 =	vadd.f32 v4, v2;
	(xrf2) =	vadd.scan.msk.f32 $0xffff, v18  }
0x145: {  	v4 =	vbroadcast v22, $0xF;
	v3 =	vsel vm0, v9, v8;
	v5, _, _ =	vpop (xrf2)  }
0x146: {  	v3 =	vsel vm2, v3, v17;
	v8 =	vbroadcast v5, $0xF;
	v1 =	vadd.f32 v2, v1  }
0x147: {  	v2 =	vsel vm3, v3, v4;
	v3 =	vbroadcast v21, $0xF  }
0x148: {  	v4 =	vbroadcast v30, $0xF;
	v2 =	vsel vm4, v2, v8;
	v5, _, _ =	vpop (xrf2);
	(xrf2) =	vadd.scan.msk.f32 $0xffff, v1  }
0x149: {  	v1 =	vsel vm5, v2, v3;
	v2 =	vbroadcast v5, $0xF  }
0x14a: {  	s9 =	sadd.s32 $0x20, s9;
	vm1 =	vcmask $0x314;
	v3 =	vbroadcast v20, $0xF;
	v1 =	vsel vm6, v1, v4  }
0x14b: {  	s11 =	sadd.s32 $0xFFFFFFF0, s9;
	v4 =	vor.u32 s9, v0;
	v1 =	vsel vm7, v1, v2;
	v2 =	vbroadcast v16, $0xF;
	v5, _, _ =	vpop (xrf2)  }
0x14c: {  	v1 =	vsel vm8, v1, v3;
	v3 =	vbroadcast v5, $0xF;
	v5 =	vor.u32 s11, v0  }
0x14d: {  	v1 =	vsel vm9, v1, v2;
	v2 =	vbroadcast v7, $0xF;
	v7 =	vbroadcast v11, $0xF  }
0x14e: {  	v8 =	vbroadcast v13, $0xF;
	v1 =	vsel vm10, v1, v3;
	v3 =	vbroadcast v15, $0xF;
	v9, _, _ =	vpop (xrf2)  }
0x14f: {  	v1 =	vsel vm11, v1, v2;
	v2 =	vbroadcast v9, $0xF;
	v9 =	vbroadcast v12, $0xF  }
0x150: {  	v8 =	vnsel vm0, $0x0, v8;
	v1 =	vsel vm12, v1, v3;
	v3 =	vbroadcast v14, $0xF  }
0x151: {  	v1 =	vsel vm13, v1, v2;
	v2 =	vsel vm1, v8, v9  }
0x152: {  	v8 =	vbroadcast v10, $0xF;
	vm1 =	vcmask $0x714;
	v1 =	vsel vm14, v1, v3  }
0x153: {  	v2 =	vsel vm1, v2, v7;
	v3 =	vbroadcast v6, $0xF;
	v6, _, _ =	vpop (xrf2);
	vm1 =	vcmask $0xB14  }
0x154: {  	v1 =	vsel vm15, v1, v6;
	v2 =	vsel vm1, v2, v8;
	vm1 =	vcmask $0xF14  }
0x155: {  	v2 =	vsel vm1, v2, v3;
	[tilespmem:v5+s0+$0x0] =	vst.idx.msk $0xffff, v1  }
0x156: {  	s10 =	sadd.s32 $0x15, s10;
	[tilespmem:v4+s0+$0x0] =	vst.idx.msk $0x1f, v2  }
0x157: {  	v1 =	vld [tilespmem:s10+$0x0];
	_ =	sdelay $0x4  }
0x158: {  	(v2sf) =	vpush v1, $0x4;
	_ =	sdelay $0x4  }
0x159: {  	(v2sf) =	vpush v1, $0x3;
	_ =	sdelay $0x3  }
0x15a: {  	(v2sf) =	vpush v1, $0x2;
	_ =	sdelay $0x3  }
0x15b: {  	(v2sf) =	vpush v1, $0x1;
	_ =	sdelay $0x1  }
0x15c: {  	s7 =	sadd.s32 $0x1, s7;
	s14 =	spop (v2sf)  }
0x15d: {  	s11 =	sshra.s32 s24, $0x2;
	v2 =	vld [tilespmem:s7+$0x0];
	s14 =	sand.u32 $0x40, s14  }
0x15e: {  	s14 =	sadd.s32 s11, s14;
	(v2sf) =	vpush v1, $0x0  }
0x15f: {  	v6 =	vld [tilespmem:s14+$0x1000]  }
0x160: {  	v8 =	vld [tilespmem:s14+$0x1010]  }
0x161: {  	v7 =	vld [tilespmem:s10+$0xFFFFFFF0];
	s25 =	spop (v2sf)  }
0x162: {  	s25 =	sand.u32 $0x40, s25;
	v9 =	vld [tilespmem:s14+$0x1020];
	(v2sf) =	vpush v2, $0x0  }
0x163: {  	s25 =	sadd.s32 s11, s25;
	v10 =	vld [tilespmem:s14+$0x1030]  }
0x164: {  	v11 =	vld [tilespmem:s25+$0xF80]  }
0x165: {  	v12 =	vld [tilespmem:s25+$0xF90];
	s14 =	spop (v2sf)  }
0x166: {  	s14 =	sand.u32 $0x40, s14;
	v13 =	vld [tilespmem:s25+$0xFA0];
	(v2sf) =	vpush v7, $0xE  }
0x167: {  	s14 =	sadd.s32 s11, s14;
	v14 =	vld [tilespmem:s25+$0xFB0]  }
0x168: {  	v15 =	vld [tilespmem:s14+$0xF00]  }
0x169: {  	v16 =	vld [tilespmem:s14+$0xF10];
	s25 =	spop (v2sf)  }
0x16a: {  	s25 =	sand.u32 $0x40, s25;
	v17 =	vld [tilespmem:s14+$0xF20];
	(v2sf) =	vpush v7, $0xD  }
0x16b: {  	s25 =	sadd.s32 s11, s25;
	v18 =	vld [tilespmem:s14+$0xF30];
	(v2sf) =	vpush v7, $0xC  }
0x16c: {  	v19 =	vld [tilespmem:s25+$0xE80]  }
0x16d: {  	v20 =	vld [tilespmem:s25+$0xE90];
	s14 =	spop (v2sf)  }
0x16e: {  	s14 =	sand.u32 $0x40, s14;
	v21 =	vld [tilespmem:s25+$0xEA0]  }
0x16f: {  	s14 =	sadd.s32 s11, s14;
	v22 =	vld [tilespmem:s25+$0xEB0];
	(v2sf) =	vpush v7, $0xB  }
0x170: {  	v23 =	vld [tilespmem:s14+$0xE00]  }
0x171: {  	s17 =	sadd.s32 $0x200, s17;
	v24 =	vld [tilespmem:s14+$0xE10];
	s25 =	spop (v2sf)  }
0x172: {  	s26 =	sshra.s32 s17, $0x2;
	s25 =	sand.u32 $0x40, s25;
	v25 =	vld [tilespmem:s14+$0xE20]  }
0x173: {  	s25 =	sadd.s32 s26, s25;
	v26 =	vld [tilespmem:s14+$0xE30];
	(v2sf) =	vpush v7, $0xA  }
0x174: {  	v1 =	vld [tilespmem:s25+$0xAE00];
	(v2sf) =	vpush v7, $0x9  }
0x175: {  	v3 =	vld [tilespmem:s25+$0xAE10];
	s14 =	spop (v2sf)  }
0x176: {  	v2 =	vld [tilespmem:s25+$0xAE20];
	s14 =	sand.u32 $0x40, s14  }
0x177: {  	v4 =	vld [tilespmem:s25+$0xAE30];
	s25 =	sadd.s32 s11, s14  }
0x178: {  	v27 =	vld [tilespmem:s25+$0xD00];
	(v2sf) =	vpush v7, $0x8  }
0x179: {  	v28 =	vld [tilespmem:s25+$0xD10];
	s14 =	spop (v2sf)  }
0x17a: {  	s14 =	sand.u32 $0x40, s14;
	v29 =	vld [tilespmem:s25+$0xD20];
	s26 =	spop (v2sf)  }
0x17b: {  	s26 =	sand.u32 $0x40, s26;
	s14 =	sadd.s32 s11, s14;
	v30 =	vld [tilespmem:s25+$0xD30]  }
0x17c: {  	s25 =	sadd.s32 s11, s26;
	v5 =	vld [tilespmem:s14+$0xC80];
	(v2sf) =	vpush v7, $0x7  }
0x17d: {  	v31 =	vld [tilespmem:s25+$0xC00];
	(v2sf) =	vpush v7, $0x6  }
0x17e: {  	v6 =	vmul.f32 v6, v1;
	v8 =	vmul.f32 v8, v3;
	v32 =	vld [tilespmem:s25+$0xC10];
	s26 =	spop (v2sf)  }
0x17f: {  	v9 =	vmul.f32 v9, v2;
	v34 =	vmul.f32 v10, v4;
	s26 =	sand.u32 $0x40, s26;
	v33 =	vld [tilespmem:s25+$0xC20]  }
0x180: {  	v36 =	vmul.f32 v11, v1;
	v6 =	vadd.f32 v8, v6;
	s26 =	sadd.s32 s11, s26;
	v35 =	vld [tilespmem:s25+$0xC30]  }
0x181: {  	v8 =	vmul.f32 v12, v3;
	v9 =	vadd.f32 v34, v9;
	v10 =	vld [tilespmem:s26+$0xB80];
	(v2sf) =	vpush v7, $0x5  }
0x182: {  	v14 =	vmul.f32 v14, v4;
	v34 =	vmul.f32 v13, v2;
	v11 =	vld [tilespmem:s26+$0xB90];
	s25 =	spop (v2sf)  }
0x183: {  	v37 =	vmul.f32 v15, v1;
	v6 =	vadd.f32 v9, v6;
	s25 =	sand.u32 $0x40, s25;
	v12 =	vld [tilespmem:s26+$0xBA0];
	s28 =	spop (v2sf)  }
0x184: {  	v15 =	vadd.f32 v8, v36;
	v9 =	vmul.f32 v16, v3;
	v16 =	vadd.f32 v14, v34;
	s28 =	sand.u32 $0x40, s28;
	s25 =	sadd.s32 s11, s25;
	v13 =	vld [tilespmem:s26+$0xBB0]  }
0x185: {  	v17 =	vmul.f32 v17, v2;
	v18 =	vmul.f32 v18, v4;
	s26 =	sadd.s32 s11, s28;
	v8 =	vld [tilespmem:s25+$0xB00];
	(v2sf) =	vpush v7, $0x4;
	(xrf2) =	vadd.scan.msk.f32 $0xffff, v6  }
0x186: {  	v6 =	vmul.f32 v19, v1;
	v19 =	vadd.f32 v16, v15;
	v14 =	vld [tilespmem:s26+$0xA80];
	(v2sf) =	vpush v7, $0x3  }
0x187: {  	v20 =	vmul.f32 v20, v3;
	v18 =	vadd.f32 v18, v17;
	v9 =	vadd.f32 v9, v37;
	v15 =	vld [tilespmem:s26+$0xA90];
	s28 =	spop (v2sf)  }
0x188: {  	v21 =	vmul.f32 v21, v2;
	v22 =	vmul.f32 v22, v4;
	s28 =	sand.u32 $0x40, s28;
	v16 =	vld [tilespmem:s26+$0xAA0];
	(xrf2) =	vadd.scan.msk.f32 $0xffff, v19  }
0x189: {  	v23 =	vmul.f32 v23, v1;
	v9 =	vadd.f32 v18, v9;
	v6 =	vadd.f32 v20, v6;
	s28 =	sadd.s32 s11, s28;
	v17 =	vld [tilespmem:s26+$0xAB0]  }
0x18a: {  	v24 =	vmul.f32 v24, v3;
	v21 =	vadd.f32 v22, v21;
	v18 =	vld [tilespmem:s28+$0xA00];
	(v2sf) =	vpush v7, $0x2  }
0x18b: {  	v22 =	vmul.f32 v25, v2;
	v25 =	vmul.f32 v26, v4;
	v19 =	vld [tilespmem:s28+$0xA10];
	s26 =	spop (v2sf);
	(xrf2) =	vadd.scan.msk.f32 $0xffff, v9  }
0x18c: {  	v23 =	vadd.f32 v24, v23;
	v34 =	vadd.f32 v21, v6;
	s26 =	sand.u32 $0x40, s26;
	v20 =	vld [tilespmem:s28+$0xA20];
	s29 =	spop (v2sf)  }
.Ltmp2:
0x18d: {  	v24 =	vmul.f32 v27, v1;
	v27 =	vmul.f32 v28, v3;
	v26 =	vadd.f32 v25, v22;
	s29 =	sand.u32 $0x40, s29;
	s26 =	sadd.s32 s11, s26;
	v21 =	vld [tilespmem:s28+$0xA30];
	(pc) =	sbr.rel @p0 .LBB2_3-.Ltmp2, $4  }
0x18e: {  	v29 =	vmul.f32 v29, v2;
	v30 =	vmul.f32 v30, v4;
	s28 =	sadd.s32 s11, s29;
	v9 =	vld [tilespmem:s26+$0x980];
	(v2sf) =	vpush v7, $0x0;
	(xrf2) =	vadd.scan.msk.f32 $0xffff, v34  }
0x18f: {  	v25 =	vmul.f32 v31, v1;
	v31 =	vadd.f32 v26, v23;
	v22 =	vld [tilespmem:s28+$0x900];
	v6, _, _ =	vpop (xrf2)  }
0x190: {  	v28 =	vadd.f32 v27, v24;
	v30 =	vadd.f32 v30, v29;
	v26 =	vmul.f32 v32, v3;
	v23 =	vld [tilespmem:s28+$0x910];
	s29 =	spop (v2sf)  }
0x191: {  	s24 =	sadd.s32 $0x2A00, s24;
	v27 =	vmul.f32 v33, v2;
	v29 =	vmul.f32 v35, v4;
	s29 =	sand.u32 $0x40, s29;
	v24 =	vld [tilespmem:s28+$0x920];
	(xrf2) =	vadd.scan.msk.f32 $0xffff, v31  }
0x192: {  	s10 =	sadd.s32 s11, s29;
	v31 =	vld [tilespmem:s28+$0x930];
	(v2sf) =	vpush v7, $0x1  }
0x193: {  	v32 =	vld [tilespmem:s10+$0x880]  }
0x194: {  	v33 =	vld [tilespmem:s10+$0x890];
	s7 =	spop (v2sf)  }
0x195: {  	v34 =	vld [tilespmem:s10+$0x8A0];
	s7 =	sand.u32 $0x40, s7;
	s17 =	spop (v2sf)  }
0x196: {  	v35 =	vld [tilespmem:s10+$0x8B0];
	s17 =	sand.u32 $0x40, s17;
	s7 =	sadd.s32 s11, s7  }
0x197: {  	v28 =	vadd.f32 v30, v28;
	v10 =	vmul.f32 v10, v1;
	v11 =	vmul.f32 v11, v3;
	s30 =	sadd.s32 s11, s17;
	v30 =	vld [tilespmem:s7+$0x800]  }
0x198: {  	v25 =	vadd.f32 v26, v25;
	v12 =	vmul.f32 v12, v2;
	v13 =	vmul.f32 v13, v4;
	v26 =	vld [tilespmem:s30+$0x780]  }
0x199: {  	v14 =	vmul.f32 v14, v1;
	v15 =	vmul.f32 v15, v3;
	v27 =	vadd.f32 v29, v27;
	v29 =	vld [tilespmem:s30+$0x790];
	s24 =	spop (v2sf)  }
0x19a: {  	v18 =	vmul.f32 v18, v1;
	v10 =	vadd.f32 v11, v10;
	v12 =	vadd.f32 v13, v12;
	v11 =	vld [tilespmem:s30+$0x7A0];
	s17 =	sand.u32 $0x40, s24  }
0x19b: {  	v13 =	vmul.f32 v16, v2;
	v16 =	vmul.f32 v17, v4;
	v14 =	vadd.f32 v15, v14;
	v17 =	vld [tilespmem:s30+$0x7B0];
	s17 =	sadd.s32 s11, s17  }
0x19c: {  	v19 =	vmul.f32 v19, v3;
	v25 =	vadd.f32 v27, v25;
	(v2sf) =	vpush v7, $0xF;
	v27 =	vld [tilespmem:s17+$0x700]  }
0x19d: {  	v10 =	vadd.f32 v12, v10;
	v12 =	vmul.f32 v20, v2;
	v20 =	vmul.f32 v21, v4;
	v21 =	vld [tilespmem:s17+$0x710];
	s30 =	spop (v2sf)  }
0x19e: {  	v13 =	vadd.f32 v16, v13;
	v16 =	vadd.f32 v19, v18;
	v15 =	vld [tilespmem:s17+$0x720];
	s10 =	sand.u32 $0x40, s30  }
0x19f: {  	v19 =	vmul.f32 v22, v1;
	v22 =	vmul.f32 v24, v2;
	v12 =	vadd.f32 v20, v12;
	v18 =	vld [tilespmem:s17+$0x730];
	s10 =	sadd.s32 s11, s10  }
0x1a0: {  	v13 =	vadd.f32 v13, v14;
	v14 =	vmul.f32 v23, v3;
	v23 =	vmul.f32 v31, v4;
	v20 =	vld [tilespmem:s10+$0x600]  }
0x1a1: {  	v24 =	vmul.f32 v32, v1;
	v31 =	vmul.f32 v33, v3;
	v12 =	vadd.f32 v12, v16;
	v16 =	vld [tilespmem:s10+$0x610];
	s24 =	spop (v2sf)  }
0x1a2: {  	v57 =	vmul.f32 v35, v4;
	v14 =	vadd.f32 v14, v19;
	v19 =	vmul.f32 v34, v2;
	v7 =	vld [tilespmem:s10+$0x620];
	s17 =	sand.u32 $0x40, s24  }
0x1a3: {  	v22 =	vadd.f32 v23, v22;
	v24 =	vadd.f32 v31, v24;
	v58 =	vld [tilespmem:s10+$0x630];
	s30 =	sadd.s32 s11, s17  }
0x1a4: {  	v19 =	vadd.f32 v57, v19;
	v23 =	vmul.f32 v26, v1;
	v29 =	vmul.f32 v29, v3;
	v26 =	vld [tilespmem:s30+$0x680]  }
0x1a5: {  	v14 =	vadd.f32 v22, v14;
	v11 =	vmul.f32 v11, v2;
	v17 =	vmul.f32 v17, v4;
	v31 =	vld [tilespmem:s30+$0x690]  }
0x1a6: {  	v19 =	vadd.f32 v19, v24;
	v22 =	vmul.f32 v27, v1;
	v21 =	vmul.f32 v21, v3;
	v24 =	vld [tilespmem:s30+$0x6B0]  }
0x1a7: {  	(xrf2) =	vadd.scan.msk.f32 $0xffff, v28;
	v11 =	vadd.f32 v17, v11;
	v15 =	vmul.f32 v15, v2;
	v17 =	vmul.f32 v18, v4;
	v27 =	vld [tilespmem:s30+$0x6A0]  }
0x1a8: {  	(xrf2) =	vadd.scan.msk.f32 $0xffff, v25;
	v23 =	vadd.f32 v29, v23;
	v18 =	vld [tilespmem:s7+$0x810];
	v21 =	vadd.f32 v21, v22;
	v20 =	vmul.f32 v20, v1  }
0x1a9: {  	(xrf2) =	vadd.scan.msk.f32 $0xffff, v10;
	v22 =	vld [tilespmem:s7+$0x820];
	v10 =	vadd.f32 v17, v15;
	v16 =	vmul.f32 v16, v3;
	v7 =	vmul.f32 v7, v2  }
0x1aa: {  	(xrf2) =	vadd.scan.msk.f32 $0xffff, v13;
	v11 =	vadd.f32 v11, v23;
	v17 =	vld [tilespmem:s7+$0x830];
	v15 =	vmul.f32 v58, v4;
	v13 =	vmul.f32 v26, v1  }
0x1ab: {  	v25 =	vld [tilespmem:s26+$0x990];
	(xrf2) =	vadd.scan.msk.f32 $0xffff, v12;
	v10 =	vadd.f32 v10, v21;
	v23 =	vmul.f32 v31, v3;
	v21 =	vmul.f32 v24, v4  }
0x1ac: {  	(xrf2) =	vadd.scan.msk.f32 $0xffff, v14;
	v14 =	vadd.f32 v16, v20;
	v12 =	vmul.f32 v27, v2;
	v24 =	vld [tilespmem:s26+$0x9A0]  }
0x1ad: {  	v7 =	vadd.f32 v15, v7;
	v16 =	vld [tilespmem:s26+$0x9B0];
	v13 =	vadd.f32 v23, v13  }
0x1ae: {  	v18 =	vmul.f32 v18, v3;
	v15 =	vmul.f32 v30, v1;
	v20, _, _ =	vpop (xrf2);
	(xrf2) =	vadd.scan.msk.f32 $0xffff, v19;
	v19 =	vld [tilespmem:s25+$0xB10];
	v12 =	vadd.f32 v21, v12  }
0x1af: {  	v7 =	vadd.f32 v7, v14;
	v14 =	vmul.f32 v17, v4;
	v17 =	vld [tilespmem:s25+$0xB20];
	v21, _, _ =	vpop (xrf2);
	(xrf2) =	vadd.scan.msk.f32 $0xffff, v11;
	v11 =	vmul.f32 v22, v2  }
0x1b0: {  	v22, _, _ =	vpop (xrf2);
	(xrf2) =	vadd.scan.msk.f32 $0xffff, v10;
	v10 =	vadd.f32 v12, v13;
	v12 =	vld [tilespmem:s25+$0xB30]  }
0x1b1: {  	v23 =	vmul.f32 v24, v2;
	v24 =	vld [tilespmem:s14+$0xCA0];
	v13, _, _ =	vpop (xrf2);
	(xrf2) =	vadd.scan.msk.f32 $0xffff, v7;
	v7 =	vadd.f32 v18, v15;
	v11 =	vadd.f32 v14, v11  }
0x1b2: {  	v15 =	vld [tilespmem:s14+$0xC90]  }
0x1b3: {  	v8 =	vmul.f32 v8, v1;
	v9 =	vmul.f32 v9, v1;
	v7 =	vadd.f32 v11, v7;
	v11 =	vld [tilespmem:s14+$0xCB0]  }
0x1b4: {  	s10 =	spop (v2sf);
	v16 =	vmul.f32 v16, v4;
	v14 =	vmul.f32 v25, v3;
	v18, _, _ =	vpop (xrf2)  }
0x1b5: {  	v5 =	vmul.f32 v5, v1;
	s7 =	sand.u32 $0x40, s10;
	v17 =	vmul.f32 v17, v2;
	(xrf2) =	vadd.scan.msk.f32 $0xffff, v10;
	v10, _, _ =	vpop (xrf2)  }
0x1b6: {  	s7 =	sadd.s32 s11, s7;
	v9 =	vadd.f32 v14, v9;
	v14 =	vadd.f32 v16, v23;
	v16 =	vmul.f32 v19, v3;
	v25, _, _ =	vpop (xrf2);
	(xrf2) =	vadd.scan.msk.f32 $0xffff, v7  }
0x1b7: {  	v26 =	vld [tilespmem:s7+$0xD90];
	v12 =	vmul.f32 v12, v4;
	v24 =	vmul.f32 v24, v2  }
0x1b8: {  	v19 =	vld [tilespmem:s7+$0xD80];
	v9 =	vadd.f32 v14, v9;
	v23, _, _ =	vpop (xrf2);
	v15 =	vmul.f32 v15, v3;
	v11 =	vmul.f32 v11, v4  }
0x1b9: {  	v14 =	vld [tilespmem:s7+$0xDA0];
	v8 =	vadd.f32 v16, v8;
	v7, _, _ =	vpop (xrf2);
	v12 =	vadd.f32 v12, v17  }
0x1ba: {  	v16 =	vld [tilespmem:s7+$0xDB0];
	v27, _, _ =	vpop (xrf2);
	v5 =	vadd.f32 v15, v5;
	v11 =	vadd.f32 v11, v24  }
0x1bb: {  	(xrf2) =	vadd.scan.msk.f32 $0xffff, v9;
	v17, _, _ =	vpop (xrf2);
	v8 =	vadd.f32 v12, v8  }
0x1bc: {  	v9, _, _ =	vpop (xrf2);
	v5 =	vadd.f32 v11, v5  }
0x1bd: {  	v12, _, _ =	vpop (xrf2)  }
0x1be: {  	v3 =	vmul.f32 v26, v3;
	v1 =	vmul.f32 v19, v1;
	(xrf2) =	vadd.scan.msk.f32 $0xffff, v8;
	v15, _, _ =	vpop (xrf2)  }
0x1bf: {  	v2 =	vmul.f32 v14, v2;
	v4 =	vmul.f32 v16, v4;
	v8, _, _ =	vpop (xrf2)  }
0x1c0: {  	v11 =	vbroadcast v15, $0xF;
	v8 =	vbroadcast v8, $0xF;
	(xrf2) =	vadd.scan.msk.f32 $0xffff, v5;
	v5, _, _ =	vpop (xrf2)  }
0x1c1: {  	v1 =	vadd.f32 v3, v1;
	v12 =	vbroadcast v12, $0xF;
	v5 =	vbroadcast v5, $0xF  }
0x1c2: {  	v2 =	vadd.f32 v4, v2;
	v4 =	vbroadcast v9, $0xF;
	v3 =	vsel vm0, v11, v8  }
0x1c3: {  	v3 =	vsel vm2, v3, v12  }
0x1c4: {  	v1 =	vadd.f32 v2, v1;
	v2 =	vsel vm3, v3, v4;
	v3 =	vbroadcast v17, $0xF  }
0x1c5: {  	v4 =	vbroadcast v27, $0xF;
	v2 =	vsel vm4, v2, v5;
	v5, _, _ =	vpop (xrf2)  }
0x1c6: {  	(xrf2) =	vadd.scan.msk.f32 $0xffff, v1;
	v1 =	vsel vm5, v2, v3;
	v2 =	vbroadcast v5, $0xF  }
0x1c7: {  	v3 =	vbroadcast v7, $0xF;
	v1 =	vsel vm6, v1, v4  }
0x1c8: {  	vm1 =	vcmask $0x714;
	v5, _, _ =	vpop (xrf2);
	v1 =	vsel vm7, v1, v2;
	v2 =	vbroadcast v23, $0xF  }
0x1c9: {  	v8 =	vbroadcast v13, $0xF;
	v1 =	vsel vm8, v1, v3;
	v3 =	vbroadcast v5, $0xF  }
0x1ca: {  	s14 =	sadd.s32 $0x20, s9;
	vm2 =	vcmask $0x314;
	v1 =	vsel vm9, v1, v2;
	v2 =	vbroadcast v25, $0xF  }
0x1cb: {  	s9 =	sadd.s32 $0xFFFFFFF0, s14;
	v8 =	vnsel vm0, $0x0, v8;
	v9, _, _ =	vpop (xrf2);
	v1 =	vsel vm10, v1, v3;
	v3 =	vbroadcast v10, $0xF  }
0x1cc: {  	v5 =	vor.u32 s9, v0;
	v1 =	vsel vm11, v1, v2;
	v2 =	vbroadcast v9, $0xF  }
0x1cd: {  	v9 =	vbroadcast v22, $0xF;
	v1 =	vsel vm12, v1, v3;
	v3 =	vbroadcast v18, $0xF  }
0x1ce: {  	v7 =	vbroadcast v21, $0xF;
	v4 =	vor.u32 s14, v0;
	v1 =	vsel vm13, v1, v2  }
0x1cf: {  	v2 =	vsel vm2, v8, v9;
	v8 =	vbroadcast v20, $0xF;
	v1 =	vsel vm14, v1, v3  }
0x1d0: {  	v2 =	vsel vm1, v2, v7;
	v3 =	vbroadcast v6, $0xF;
	v6, _, _ =	vpop (xrf2);
	vm1 =	vcmask $0xB14  }
0x1d1: {  	v1 =	vsel vm15, v1, v6;
	v2 =	vsel vm1, v2, v8;
	vm1 =	vcmask $0xF14  }
0x1d2: {  	p0 =	seq.s32 s19, $0xF;
	s17 =	sshll.u32 s20, $0x6;
	v2 =	vsel vm1, v2, v3;
	[tilespmem:v5+s0+$0x0] =	vst.idx.msk $0xffff, v1  }
0x1d3: {  	s7 =	sadd.s32 s2, s17;
	s9 =	smul.u32 @!p0 $0x300, s20;
	[tilespmem:v4+s0+$0x0] =	vst.idx.msk $0x1f, v2  }
0x1d4: {  	[hbm4b:s7+s3] =	stream.linear.scatter [tilespmem:s0], [sflag:$0x3], $0x200, $0x38;
	[tilespmem:$0x16A00] =	vst v63  }
0x1d5: {  	s7 =	sshrl.u32 @!p0 s9, $0x3  }
0x1d6: {  	s7 =	sadd.s32 @!p0 s4, s7  }
0x1d7: {  	s9 =	simm.s32 @!p0 $0x0;
	s7 =	sadd.s32 @!p0 $0xC0, s7  }
0x1d8: {  	[tilespmem:s9], [sflag:$0x5] =	stream.linear.gather @!p0 [hbm4b:s7+s9], $0x300, $0x38;
	[tilespmem:$0x16A00] =	vst v63  }
0x1d9: {  	_ =	swait.ge [sflag:s1], $0x4000  }
0x1da: {  	[sflag:s1] =	ssyncset.done $0x0  }
0x1db: {  	[sflag:s1] =	ssyncadd.s32 $0xFFFFC000  }
0x1dc: {  	_ =	swait.ge [sflag:s1], $0x4000  }
0x1dd: {  	[sflag:s1] =	ssyncset.done $0x0  }
0x1de: {  	[sflag:s1] =	ssyncadd.s32 $0xFFFFC000  }
0x1df: {  	_ =	swait.ge [sflag:s1], $0x2800  }
0x1e0: {  	[sflag:s1] =	ssyncset.done $0x0  }
0x1e1: {  	[sflag:s1] =	ssyncadd.s32 $0xFFFFD800  }
0x1e2: {  	_ =	swait.ge [sflag:s1], $0x800  }
0x1e3: {  	[sflag:s1] =	ssyncset.done $0x0  }
0x1e4: {  	s7 =	simm.s32 @!p0 $0x5;
	[sflag:s1] =	ssyncadd.s32 $0xFFFFF800  }
0x1e5: {  	_ =	swait.ge @!p0 [sflag:s7], $0x300  }
0x1e6: {  	p1 =	seq.s32 @!p0 s19, $0x0;
	[sflag:s7] =	ssyncset.done @!p0 $0x0  }
0x1e7: {  	s10 =	simm.s32 @!p0 $0x600;
	[sflag:s7] =	ssyncadd.s32 @!p0 $0xFFFFFD00;
	s7 =	simm.s32 @!p0 $0x80  }
0x1e8: {  	[tilespmem:s10], [sflag:$0x1] =	stream.indirect.gather @!p0 [hbm4b:s6+s7], $0x80, s9, s7, $0xb8;
	[tilespmem:$0x16A00] =	vst v63  }
0x1e9: {  	p1 =	por p0, !p1;
	s9 =	simm.s32 @!p0 $0x4600  }
0x1ea: {  	[tilespmem:s9], [sflag:$0x1] =	stream.indirect.gather @!p0 [hbm4b:s6+s7], $0x80, s7, s7, $0xb8;
	[tilespmem:$0x16A00] =	vst v63  }
0x1eb: {  	s10 =	simm.s32 @!p0 $0x8600;
	s7 =	simm.s32 @!p0 $0x50;
	s9 =	simm.s32 @!p0 $0x100  }
0x1ec: {  	[tilespmem:s10], [sflag:$0x1] =	stream.indirect.gather @!p0 [hbm4b:s6+s7], $0x80, s9, s7, $0xb8;
	[tilespmem:$0x16A00] =	vst v63  }
0x1ed: {  	s7 =	simm.s32 @!p0 $0x10;
	s9 =	simm.s32 @!p0 $0x150;
	s10 =	simm.s32 @!p0 $0xAE00  }
0x1ee: {  	[tilespmem:s10], [sflag:$0x1] =	stream.indirect.gather @!p0 [hbm4b:s5+s7], $0x80, s9, s7, $0xb8;
	[tilespmem:$0x16A00] =	vst v63  }
0x1ef: {  	_ =	swait.ge @p1 [sflag:s16], $0x200  }
0x1f0: {  	[sflag:s16] =	ssyncset.done @p1 $0x0  }
0x1f1: {  	s24 =	simm.s32 $0x470;
	[sflag:s16] =	ssyncadd.s32 @p1 $0xFFFFFE00  }
0x1f2: {  	v1 =	vld [tilespmem:s24+$0x0];
	_ =	sdelay $0x4  }
0x1f3: {  	(v2sf) =	vpush v1, $0x4;
	_ =	sdelay $0x3  }
0x1f4: {  	(v2sf) =	vpush v1, $0x3;
	_ =	sdelay $0x3  }
0x1f5: {  	(v2sf) =	vpush v1, $0x2;
	_ =	sdelay $0x3  }
0x1f6: {  	(v2sf) =	vpush v1, $0x1  }
0x1f7: {  	s25 =	simm.s32 $0x5B0  }
0x1f8: {  	v2 =	vld [tilespmem:s25+$0x0]  }
0x1f9: {  	s26 =	spop (v2sf)  }
0x1fa: {  	(v2sf) =	vpush v1, $0x0;
	s9 =	sand.u32 $0x40, s26  }
0x1fb: {  	v7 =	vld [tilespmem:s24+$0xFFFFFFF0];
	s9 =	sadd.s32 $0x0, s9  }
0x1fc: {  	v6 =	vld [tilespmem:s9+$0xC000]  }
0x1fd: {  	(v2sf) =	vpush v2, $0x0;
	s30 =	spop (v2sf);
	v8 =	vld [tilespmem:s9+$0xC010]  }
0x1fe: {  	s7 =	sand.u32 $0x40, s30;
	v9 =	vld [tilespmem:s9+$0xC020]  }
0x1ff: {  	s7 =	sadd.s32 $0x0, s7;
	v10 =	vld [tilespmem:s9+$0xC030]  }
0x200: {  	v11 =	vld [tilespmem:s7+$0xBF80]  }
0x201: {  	s10 =	spop (v2sf);
	v12 =	vld [tilespmem:s7+$0xBF90]  }
0x202: {  	(v2sf) =	vpush v7, $0xE;
	s9 =	sand.u32 $0x40, s10;
	v13 =	vld [tilespmem:s7+$0xBFA0]  }
0x203: {  	s9 =	sadd.s32 $0x0, s9;
	v14 =	vld [tilespmem:s7+$0xBFB0]  }
0x204: {  	v15 =	vld [tilespmem:s9+$0xBF00]  }
0x205: {  	(v2sf) =	vpush v7, $0xD;
	s11 =	spop (v2sf);
	v16 =	vld [tilespmem:s9+$0xBF10]  }
0x206: {  	(v2sf) =	vpush v7, $0xC;
	s7 =	sand.u32 $0x40, s11;
	v17 =	vld [tilespmem:s9+$0xBF20]  }
0x207: {  	s7 =	sadd.s32 $0x0, s7;
	v18 =	vld [tilespmem:s9+$0xBF30]  }
0x208: {  	v19 =	vld [tilespmem:s7+$0xBE80]  }
0x209: {  	s14 =	spop (v2sf);
	v20 =	vld [tilespmem:s7+$0xBE90]  }
0x20a: {  	(v2sf) =	vpush v7, $0xB;
	s9 =	sand.u32 $0x40, s14;
	v21 =	vld [tilespmem:s7+$0xBEA0]  }
0x20b: {  	s9 =	sadd.s32 $0x0, s9;
	v22 =	vld [tilespmem:s7+$0xBEB0]  }
0x20c: {  	s17 =	spop (v2sf);
	v23 =	vld [tilespmem:s9+$0xBE00]  }
0x20d: {  	s7 =	sand.u32 $0x40, s17;
	v24 =	vld [tilespmem:s9+$0xBE10]  }
0x20e: {  	(v2sf) =	vpush v7, $0xA;
	s7 =	sadd.s32 $0x0, s7;
	v25 =	vld [tilespmem:s9+$0xBE20]  }
0x20f: {  	(v2sf) =	vpush v7, $0x9;
	v26 =	vld [tilespmem:s9+$0xBE30];
	s7 =	sadd.s32 $0xB600, s7  }
0x210: {  	v1 =	vld [tilespmem:s7+$0xA800]  }
0x211: {  	v3 =	vld [tilespmem:s7+$0xA810];
	s24 =	spop (v2sf)  }
0x212: {  	v2 =	vld [tilespmem:s7+$0xA820];
	s9 =	sand.u32 $0x40, s24  }
0x213: {  	(v2sf) =	vpush v7, $0x8;
	v4 =	vld [tilespmem:s7+$0xA830];
	s9 =	sadd.s32 $0x0, s9  }
0x214: {  	s25 =	spop (v2sf);
	v27 =	vld [tilespmem:s9+$0xBD00]  }
0x215: {  	s26 =	spop (v2sf);
	v28 =	vld [tilespmem:s9+$0xBD10]  }
0x216: {  	v29 =	vld [tilespmem:s9+$0xBD20];
	s10 =	sand.u32 $0x40, s26  }
0x217: {  	(v2sf) =	vpush v7, $0x7;
	v30 =	vld [tilespmem:s9+$0xBD30];
	s30 =	sadd.s32 $0x0, s10  }
0x218: {  	(v2sf) =	vpush v7, $0x6;
	v31 =	vld [tilespmem:s30+$0xBC00]  }
0x219: {  	s11 =	spop (v2sf);
	v59 =	vld [tilespmem:s30+$0xBC10]  }
0x21a: {  	s10 =	sand.u32 $0x40, s11;
	v60 =	vld [tilespmem:s30+$0xBC20]  }
0x21b: {  	s10 =	sadd.s32 $0x0, s10;
	v61 =	vld [tilespmem:s30+$0xBC30]  }
0x21c: {  	(v2sf) =	vpush v7, $0x5;
	v62 =	vld [tilespmem:s10+$0xBB80]  }
0x21d: {  	s14 =	spop (v2sf);
	v36 =	vld [tilespmem:s10+$0xBB90]  }
0x21e: {  	s9 =	sand.u32 $0x40, s14;
	s17 =	spop (v2sf);
	v37 =	vld [tilespmem:s10+$0xBBA0]  }
0x21f: {  	s11 =	sand.u32 $0x40, s17;
	s9 =	sadd.s32 $0x0, s9;
	v38 =	vld [tilespmem:s10+$0xBBB0]  }
0x220: {  	v39 =	vmul.f32 v6, v1;
	v8 =	vmul.f32 v8, v3;
	(v2sf) =	vpush v7, $0x4;
	s24 =	sadd.s32 $0x0, s11;
	v6 =	vld [tilespmem:s9+$0xBB00]  }
0x221: {  	v9 =	vmul.f32 v9, v2;
	v10 =	vmul.f32 v10, v4;
	(v2sf) =	vpush v7, $0x3;
	v40 =	vld [tilespmem:s24+$0xBA80]  }
0x222: {  	v11 =	vmul.f32 v11, v1;
	v12 =	vmul.f32 v12, v3;
	s7 =	sand.u32 $0x40, s25;
	s25 =	spop (v2sf);
	v41 =	vld [tilespmem:s24+$0xBA90]  }
0x223: {  	v13 =	vmul.f32 v13, v2;
	v14 =	vmul.f32 v14, v4;
	v9 =	vadd.f32 v10, v9;
	s11 =	sand.u32 $0x40, s25;
	v10 =	vld [tilespmem:s24+$0xBAA0]  }
0x224: {  	v8 =	vadd.f32 v8, v39;
	v11 =	vadd.f32 v12, v11;
	s11 =	sadd.s32 $0x0, s11;
	v63 =	vld [tilespmem:s24+$0xBAB0]  }
0x225: {  	v13 =	vadd.f32 v14, v13;
	v14 =	vmul.f32 v17, v2;
	(v2sf) =	vpush v7, $0x2;
	v42 =	vld [tilespmem:s11+$0xBA00]  }
0x226: {  	v9 =	vadd.f32 v9, v8;
	v8 =	vmul.f32 v15, v1;
	v15 =	vmul.f32 v16, v3;
	v12 =	vld [tilespmem:s11+$0xBA10];
	s26 =	spop (v2sf)  }
0x227: {  	v16 =	vmul.f32 v18, v4;
	v18 =	vmul.f32 v19, v1;
	v17 =	vld [tilespmem:s11+$0xBA20];
	s10 =	sand.u32 $0x40, s26;
	s30 =	spop (v2sf)  }
0x228: {  	v19 =	vmul.f32 v20, v3;
	v11 =	vadd.f32 v13, v11;
	v15 =	vadd.f32 v15, v8;
	v20 =	vld [tilespmem:s11+$0xBA30];
	s14 =	sand.u32 $0x40, s30;
	s10 =	sadd.s32 $0x0, s10  }
0x229: {  	v13 =	vmul.f32 v22, v4;
	v14 =	vadd.f32 v16, v14;
	(v2sf) =	vpush v7, $0x0;
	s17 =	sadd.s32 $0x0, s14;
	v8 =	vld [tilespmem:s10+$0xB980]  }
0x22a: {  	v16 =	vmul.f32 v21, v2;
	v21 =	vmul.f32 v23, v1;
	v18 =	vadd.f32 v19, v18;
	v22 =	vld [tilespmem:s17+$0xB900]  }
0x22b: {  	v23 =	vmul.f32 v26, v4;
	v14 =	vadd.f32 v14, v15;
	v15 =	vmul.f32 v24, v3;
	s24 =	spop (v2sf);
	v19 =	vld [tilespmem:s17+$0xB910]  }
0x22c: {  	v13 =	vadd.f32 v13, v16;
	v16 =	vmul.f32 v25, v2;
	v25 =	vmul.f32 v27, v1;
	s14 =	sand.u32 $0x40, s24;
	v24 =	vld [tilespmem:s17+$0xB920]  }
0x22d: {  	v26 =	vmul.f32 v28, v3;
	v28 =	vmul.f32 v30, v4;
	(v2sf) =	vpush v7, $0x1;
	s14 =	sadd.s32 $0x0, s14;
	v27 =	vld [tilespmem:s17+$0xB930]  }
0x22e: {  	v15 =	vadd.f32 v15, v21;
	v21 =	vmul.f32 v29, v2;
	v13 =	vadd.f32 v13, v18;
	v29 =	vld [tilespmem:s14+$0xB880]  }
0x22f: {  	v16 =	vadd.f32 v23, v16;
	v23 =	vadd.f32 v26, v25;
	v26 =	vmul.f32 v31, v1;
	s25 =	spop (v2sf);
	v18 =	vld [tilespmem:s14+$0xB890]  }
0x230: {  	v30 =	vmul.f32 v60, v2;
	v31 =	vmul.f32 v61, v4;
	v21 =	vadd.f32 v28, v21;
	s11 =	sand.u32 $0x40, s25;
	s26 =	spop (v2sf);
	v25 =	vld [tilespmem:s14+$0xB8A0]  }
0x231: {  	v15 =	vadd.f32 v16, v15;
	v16 =	vmul.f32 v59, v3;
	v44 =	vmul.f32 v62, v1;
	s17 =	sand.u32 $0x40, s26;
	s11 =	sadd.s32 $0x0, s11;
	v28 =	vld [tilespmem:s14+$0xB8B0]  }
0x232: {  	v45 =	vmul.f32 v36, v3;
	v46 =	vmul.f32 v38, v4;
	v21 =	vadd.f32 v21, v23;
	s30 =	sadd.s32 $0x0, s17;
	v23 =	vld [tilespmem:s11+$0xB800]  }
0x233: {  	v30 =	vadd.f32 v31, v30;
	v31 =	vmul.f32 v37, v2;
	v16 =	vadd.f32 v16, v26;
	v26 =	vld [tilespmem:s30+$0xB780]  }
0x234: {  	v48 =	vmul.f32 v40, v1;
	v49 =	vmul.f32 v41, v3;
	s24 =	spop (v2sf);
	v47 =	vld [tilespmem:s30+$0xB790]  }
0x235: {  	v32 =	vadd.f32 v45, v44;
	v10 =	vmul.f32 v10, v2;
	v51 =	vmul.f32 v63, v4;
	s17 =	sand.u32 $0x40, s24;
	v50 =	vld [tilespmem:s30+$0xB7A0]  }
0x236: {  	v31 =	vadd.f32 v46, v31;
	v12 =	vmul.f32 v12, v3;
	v17 =	vmul.f32 v17, v2;
	s17 =	sadd.s32 $0x0, s17;
	v52 =	vld [tilespmem:s30+$0xB7B0]  }
0x237: {  	v20 =	vmul.f32 v20, v4;
	v16 =	vadd.f32 v30, v16;
	v30 =	vmul.f32 v42, v1;
	v53 =	vld [tilespmem:s17+$0xB700]  }
0x238: {  	v36 =	vadd.f32 v49, v48;
	v10 =	vadd.f32 v51, v10;
	v54 =	vld [tilespmem:s17+$0xB710];
	s25 =	spop (v2sf)  }
0x239: {  	v17 =	vadd.f32 v20, v17;
	v12 =	vadd.f32 v12, v30;
	v55 =	vld [tilespmem:s17+$0xB720];
	s14 =	sand.u32 $0x40, s25  }
0x23a: {  	v31 =	vadd.f32 v31, v32;
	v20 =	vld [tilespmem:s17+$0xB730];
	v22 =	vmul.f32 v22, v1;
	v19 =	vmul.f32 v19, v3;
	s14 =	sadd.s32 $0x0, s14  }
0x23b: {  	v12 =	vadd.f32 v17, v12;
	v24 =	vmul.f32 v24, v2;
	v27 =	vmul.f32 v27, v4;
	v30 =	vld [tilespmem:s14+$0xB600]  }
0x23c: {  	(v2sf) =	vpush v7, $0xF;
	v29 =	vmul.f32 v29, v1;
	v18 =	vmul.f32 v18, v3;
	s26 =	spop (v2sf);
	v17 =	vld [tilespmem:s14+$0xB610]  }
0x23d: {  	(xrf2) =	vadd.scan.msk.f32 $0xffff, v9;
	v9 =	vadd.f32 v19, v22;
	v19 =	vmul.f32 v25, v2;
	v22 =	vmul.f32 v28, v4;
	s17 =	sand.u32 $0x40, s26;
	v7 =	vld [tilespmem:s14+$0xB620]  }
0x23e: {  	(xrf2) =	vadd.scan.msk.f32 $0xffff, v11;
	v11 =	vadd.f32 v27, v24;
	v24 =	vmul.f32 v26, v1;
	v26 =	vmul.f32 v47, v3;
	v25 =	vld [tilespmem:s14+$0xB630];
	s30 =	sadd.s32 $0x0, s17  }
0x23f: {  	(xrf2) =	vadd.scan.msk.f32 $0xffff, v14;
	v14 =	vadd.f32 v18, v29;
	v18 =	vadd.f32 v22, v19;
	v19 =	vmul.f32 v50, v2;
	v22 =	vld [tilespmem:s30+$0xB690]  }
0x240: {  	(xrf2) =	vadd.scan.msk.f32 $0xffff, v13;
	v9 =	vadd.f32 v11, v9;
	v11 =	vmul.f32 v52, v4;
	v13 =	vmul.f32 v53, v1;
	v28 =	vld [tilespmem:s30+$0xB6A0]  }
0x241: {  	(xrf2) =	vadd.scan.msk.f32 $0xffff, v15;
	v15 =	vmul.f32 v54, v3;
	v14 =	vadd.f32 v18, v14;
	v18 =	vadd.f32 v26, v24;
	v24 =	vld [tilespmem:s30+$0xB6B0]  }
0x242: {  	(xrf2) =	vadd.scan.msk.f32 $0xffff, v21;
	v20 =	vmul.f32 v20, v4;
	v11 =	vadd.f32 v11, v19;
	v19 =	vmul.f32 v55, v2;
	v27 =	vld [tilespmem:s30+$0xB680]  }
0x243: {  	v10 =	vadd.f32 v10, v36;
	(xrf2) =	vadd.scan.msk.f32 $0xffff, v16;
	v21 =	vld [tilespmem:s11+$0xB810];
	v13 =	vadd.f32 v15, v13;
	v16 =	vmul.f32 v30, v1  }
0x244: {  	(xrf2) =	vadd.scan.msk.f32 $0xffff, v31;
	v15 =	vld [tilespmem:s11+$0xB820];
	v19 =	vadd.f32 v20, v19;
	v17 =	vmul.f32 v17, v3;
	v7 =	vmul.f32 v7, v2  }
0x245: {  	(xrf2) =	vadd.scan.msk.f32 $0xffff, v10;
	v10 =	vadd.f32 v11, v18;
	v20 =	vmul.f32 v25, v4;
	v25 =	vld [tilespmem:s11+$0xB830];
	v18 =	vmul.f32 v22, v3  }
0x246: {  	(xrf2) =	vadd.scan.msk.f32 $0xffff, v12;
	v12 =	vadd.f32 v19, v13;
	v22 =	vld [tilespmem:s10+$0xB990];
	v13 =	vmul.f32 v28, v2;
	v19 =	vmul.f32 v24, v4  }
0x247: {  	v26, _, _ =	vpop (xrf2);
	(xrf2) =	vadd.scan.msk.f32 $0xffff, v9;
	v11 =	vmul.f32 v27, v1;
	v24 =	vld [tilespmem:s10+$0xB9A0];
	v9 =	vadd.f32 v17, v16  }
0x248: {  	v7 =	vadd.f32 v20, v7;
	v17 =	vld [tilespmem:s10+$0xB9B0];
	v13 =	vadd.f32 v19, v13  }
0x249: {  	v16 =	vmul.f32 v23, v1;
	v11 =	vadd.f32 v18, v11;
	v18 =	vld [tilespmem:s9+$0xBB10];
	v20, _, _ =	vpop (xrf2);
	(xrf2) =	vadd.scan.msk.f32 $0xffff, v14;
	v14 =	vmul.f32 v21, v3  }
0x24a: {  	v7 =	vadd.f32 v7, v9;
	v9 =	vmul.f32 v15, v2;
	v15 =	vld [tilespmem:s9+$0xBB20];
	v19, _, _ =	vpop (xrf2);
	(xrf2) =	vadd.scan.msk.f32 $0xffff, v10;
	v10 =	vmul.f32 v25, v4  }
0x24b: {  	s7 =	sadd.s32 $0x0, s7;
	v8 =	vmul.f32 v8, v1;
	v11 =	vadd.f32 v13, v11;
	v21, _, _ =	vpop (xrf2);
	(xrf2) =	vadd.scan.msk.f32 $0xffff, v12;
	v12 =	vld [tilespmem:s9+$0xBB30]  }
0x24c: {  	v5 =	vld [tilespmem:s7+$0xBC80];
	s11 =	spop (v2sf);
	v13, _, _ =	vpop (xrf2);
	(xrf2) =	vadd.scan.msk.f32 $0xffff, v7;
	v7 =	vadd.f32 v14, v16;
	v9 =	vadd.f32 v10, v9;
	v10 =	vmul.f32 v22, v3  }
0x24d: {  	v23 =	vld [tilespmem:s7+$0xBCA0];
	s9 =	sand.u32 $0x40, s11;
	v22 =	vmul.f32 v24, v2;
	v17 =	vmul.f32 v17, v4  }
0x24e: {  	v6 =	vmul.f32 v6, v1;
	v14 =	vld [tilespmem:s7+$0xBC90];
	s14 =	sadd.s32 $0x0, s9;
	v16, _, _ =	vpop (xrf2);
	(xrf2) =	vadd.scan.msk.f32 $0xffff, v11;
	v7 =	vadd.f32 v9, v7  }
0x24f: {  	v25 =	vld [tilespmem:s14+$0xBD90];
	v11, _, _ =	vpop (xrf2);
	v8 =	vadd.f32 v10, v8;
	v10 =	vadd.f32 v17, v22;
	v17 =	vmul.f32 v18, v3  }
0x250: {  	v9 =	vld [tilespmem:s7+$0xBCB0];
	v15 =	vmul.f32 v15, v2;
	v24, _, _ =	vpop (xrf2);
	v12 =	vmul.f32 v12, v4  }
0x251: {  	v18 =	vld [tilespmem:s14+$0xBD80];
	v22, _, _ =	vpop (xrf2);
	v8 =	vadd.f32 v10, v8  }
0x252: {  	(xrf2) =	vadd.scan.msk.f32 $0xffff, v7;
	v10 =	vld [tilespmem:s14+$0xBDA0];
	v6 =	vadd.f32 v17, v6;
	v7, _, _ =	vpop (xrf2);
	v12 =	vadd.f32 v12, v15  }
0x253: {  	v14 =	vmul.f32 v14, v3;
	v15 =	vld [tilespmem:s14+$0xBDB0];
	v27, _, _ =	vpop (xrf2)  }
0x254: {  	v5 =	vmul.f32 v5, v1;
	v17, _, _ =	vpop (xrf2);
	v6 =	vadd.f32 v12, v6  }
0x255: {  	v23 =	vmul.f32 v23, v2;
	(xrf2) =	vadd.scan.msk.f32 $0xffff, v8;
	v9 =	vmul.f32 v9, v4;
	v8, _, _ =	vpop (xrf2)  }
0x256: {  	v3 =	vmul.f32 v25, v3;
	v12, _, _ =	vpop (xrf2)  }
0x257: {  	v5 =	vadd.f32 v14, v5;
	v1 =	vmul.f32 v18, v1;
	v9 =	vadd.f32 v9, v23;
	v14, _, _ =	vpop (xrf2)  }
0x258: {  	v2 =	vmul.f32 v10, v2;
	(xrf2) =	vadd.scan.msk.f32 $0xffff, v6;
	v4 =	vmul.f32 v15, v4;
	v6, _, _ =	vpop (xrf2)  }
0x259: {  	v5 =	vadd.f32 v9, v5;
	v9 =	vbroadcast v14, $0xF;
	v6 =	vbroadcast v6, $0xF  }
0x25a: {  	v1 =	vadd.f32 v3, v1;
	v2 =	vadd.f32 v4, v2  }
0x25b: {  	v3 =	vsel vm0, v9, v6;
	v6 =	vld [tilespmem:$0x1FF20]  }
0x25c: {  	v1 =	vadd.f32 v2, v1;
	v2 =	vld [tilespmem:$0x1FF30];
	_ =	sdelay $0x2  }
0x25d: {  	v10 =	vbroadcast v12, $0xF  }
0x25e: {  	v4 =	vbroadcast v8, $0xF;
	vm2 =	vnez.u8 v6  }
0x25f: {  	vm3 =	vnez.u8 v2;
	v3 =	vsel vm2, v3, v10  }
0x260: {  	v2 =	vsel vm3, v3, v4;
	v4 =	vld [tilespmem:$0x1FF40]  }
0x261: {  	(xrf2) =	vadd.scan.msk.f32 $0xffff, v5;
	v5, _, _ =	vpop (xrf2)  }
0x262: {  	v5 =	vbroadcast v5, $0xF;
	_ =	sdelay $0x2  }
0x263: {  	vm4 =	vnez.u8 v4  }
0x264: {  	v2 =	vsel vm4, v2, v5;
	v5, _, _ =	vpop (xrf2);
	(xrf2) =	vadd.scan.msk.f32 $0xffff, v1;
	v1 =	vld [tilespmem:$0x1FF50];
	_ =	sdelay $0x3  }
0x265: {  	v3 =	vbroadcast v17, $0xF  }
0x266: {  	vm5 =	vnez.u8 v1  }
0x267: {  	v1 =	vsel vm5, v2, v3;
	v3 =	vld [tilespmem:$0x1FF60];
	_ =	sdelay $0x1  }
0x268: {  	v9 =	vld [tilespmem:$0x1FFB0]  }
0x269: {  	v6 =	vld [tilespmem:$0x1FF80]  }
0x26a: {  	v4 =	vbroadcast v27, $0xF  }
0x26b: {  	vm6 =	vnez.u8 v3  }
0x26c: {  	v1 =	vsel vm6, v1, v4;
	v4 =	vld [tilespmem:$0x1FF70]  }
0x26d: {  	vm11 =	vnez.u8 v9;
	v9 =	vld [tilespmem:$0x1FFC0]  }
0x26e: {  	vm8 =	vnez.u8 v6;
	v6 =	vld [tilespmem:$0x1FF90]  }
0x26f: {  	v3 =	vbroadcast v7, $0xF;
	v7 =	vld [tilespmem:$0x1FFA0]  }
0x270: {  	v2 =	vbroadcast v5, $0xF  }
0x271: {  	vm15 =	vcmask $0x314;
	vm7 =	vnez.u8 v4  }
0x272: {  	vm12 =	vnez.u8 v9;
	v9 =	vld [tilespmem:$0x1FFD0];
	v5, _, _ =	vpop (xrf2);
	v1 =	vsel vm7, v1, v2;
	v2 =	vbroadcast v22, $0xF  }
0x273: {  	vm9 =	vnez.u8 v6;
	v1 =	vsel vm8, v1, v3;
	v3 =	vbroadcast v5, $0xF  }
0x274: {  	vm10 =	vnez.u8 v7;
	v1 =	vsel vm9, v1, v2;
	v2 =	vbroadcast v24, $0xF  }
0x275: {  	v8, _, _ =	vpop (xrf2);
	v7 =	vbroadcast v13, $0xF;
	v1 =	vsel vm10, v1, v3;
	v3 =	vbroadcast v11, $0xF  }
0x276: {  	v1 =	vsel vm11, v1, v2;
	v2 =	vbroadcast v8, $0xF;
	v8 =	vbroadcast v21, $0xF  }
0x277: {  	vm13 =	vnez.u8 v9;
	v7 =	vnsel vm0, $0x0, v7;
	v1 =	vsel vm12, v1, v3  }
0x278: {  	v1 =	vsel vm13, v1, v2;
	v2 =	vsel vm15, v7, v8;
	v8 =	vld [tilespmem:$0x1FFE0];
	_ =	sdelay $0x4  }
0x279: {  	vm14 =	vnez.u8 v8;
	v8 =	vld [tilespmem:$0x1FFF0]  }
0x27a: {  	s17 =	simm.s32 $0x0;
	v6 =	vbroadcast v19, $0xF  }
0x27b: {  	s9 =	simm.s32 $0x10;
	v5 =	vor.u32 s17, v0  }
0x27c: {  	v4 =	vor.u32 s9, v0;
	v3 =	vbroadcast v16, $0xF;
	vm15 =	vcmask $0x714  }
0x27d: {  	vm1 =	vcmask $0xB14;
	v7 =	vbroadcast v20, $0xF;
	v2 =	vsel vm15, v2, v6  }
0x27e: {  	v6, _, _ =	vpop (xrf2);
	v1 =	vsel vm14, v1, v3;
	v3 =	vbroadcast v26, $0xF;
	vm15 =	vnez.u8 v8  }
0x27f: {  	v2 =	vsel vm1, v2, v7;
	vm1 =	vcmask $0xF14;
	v1 =	vsel vm15, v1, v6  }
0x280: {  	v2 =	vsel vm1, v2, v3;
	[tilespmem:v5+s13+$0x0] =	vst.idx.msk $0xffff, v1  }
0x281: {  	s10 =	simm.s32 $0x485;
	[tilespmem:v4+s13+$0x0] =	vst.idx.msk $0x1f, v2  }
0x282: {  	v1 =	vld [tilespmem:s10+$0x0];
	_ =	sdelay $0x4  }
0x283: {  	(v2sf) =	vpush v1, $0x4;
	_ =	sdelay $0x3  }
0x284: {  	(v2sf) =	vpush v1, $0x3;
	_ =	sdelay $0x3  }
0x285: {  	(v2sf) =	vpush v1, $0x2;
	_ =	sdelay $0x3  }
0x286: {  	(v2sf) =	vpush v1, $0x1  }
0x287: {  	s7 =	simm.s32 $0x5B1  }
0x288: {  	v2 =	vld [tilespmem:s7+$0x0]  }
0x289: {  	s24 =	spop (v2sf)  }
0x28a: {  	(v2sf) =	vpush v1, $0x0;
	s11 =	sand.u32 $0x40, s24  }
0x28b: {  	v7 =	vld [tilespmem:s10+$0xFFFFFFF0];
	s11 =	sadd.s32 $0xA80, s11  }
0x28c: {  	v6 =	vld [tilespmem:s11+$0xC000]  }
0x28d: {  	(v2sf) =	vpush v2, $0x0;
	s25 =	spop (v2sf);
	v8 =	vld [tilespmem:s11+$0xC010]  }
0x28e: {  	s14 =	sand.u32 $0x40, s25;
	v9 =	vld [tilespmem:s11+$0xC020]  }
0x28f: {  	s14 =	sadd.s32 $0xA80, s14;
	v11 =	vld [tilespmem:s11+$0xC030]  }
0x290: {  	v13 =	vld [tilespmem:s14+$0xBF80]  }
0x291: {  	s26 =	spop (v2sf);
	v14 =	vld [tilespmem:s14+$0xBF90]  }
0x292: {  	(v2sf) =	vpush v7, $0xE;
	s11 =	sand.u32 $0x40, s26;
	v15 =	vld [tilespmem:s14+$0xBFA0]  }
0x293: {  	s11 =	sadd.s32 $0xA80, s11;
	v16 =	vld [tilespmem:s14+$0xBFB0]  }
0x294: {  	v17 =	vld [tilespmem:s11+$0xBF00]  }
0x295: {  	s30 =	spop (v2sf);
	v18 =	vld [tilespmem:s11+$0xBF10]  }
0x296: {  	(v2sf) =	vpush v7, $0xD;
	s14 =	sand.u32 $0x40, s30;
	v19 =	vld [tilespmem:s11+$0xBF20]  }
0x297: {  	(v2sf) =	vpush v7, $0xC;
	s14 =	sadd.s32 $0xA80, s14;
	v20 =	vld [tilespmem:s11+$0xBF30]  }
0x298: {  	v21 =	vld [tilespmem:s14+$0xBE80]  }
0x299: {  	s17 =	spop (v2sf);
	v22 =	vld [tilespmem:s14+$0xBE90]  }
0x29a: {  	s11 =	sand.u32 $0x40, s17;
	v23 =	vld [tilespmem:s14+$0xBEA0]  }
0x29b: {  	(v2sf) =	vpush v7, $0xB;
	s11 =	sadd.s32 $0xA80, s11;
	v24 =	vld [tilespmem:s14+$0xBEB0]  }
0x29c: {  	s24 =	spop (v2sf);
	v25 =	vld [tilespmem:s11+$0xBE00]  }
0x29d: {  	s14 =	sand.u32 $0x40, s24;
	v26 =	vld [tilespmem:s11+$0xBE10]  }
0x29e: {  	s14 =	sadd.s32 $0x80, s14;
	v27 =	vld [tilespmem:s11+$0xBE20]  }
0x29f: {  	(v2sf) =	vpush v7, $0xA;
	v28 =	vld [tilespmem:s11+$0xBE30];
	s14 =	sadd.s32 $0xB600, s14  }
0x2a0: {  	(v2sf) =	vpush v7, $0x9;
	v1 =	vld [tilespmem:s14+$0xA800]  }
0x2a1: {  	v3 =	vld [tilespmem:s14+$0xA810];
	s25 =	spop (v2sf)  }
0x2a2: {  	v2 =	vld [tilespmem:s14+$0xA820];
	s11 =	sand.u32 $0x40, s25  }
0x2a3: {  	v4 =	vld [tilespmem:s14+$0xA830];
	s11 =	sadd.s32 $0xA80, s11  }
0x2a4: {  	(v2sf) =	vpush v7, $0x8;
	v29 =	vld [tilespmem:s11+$0xBD00]  }
0x2a5: {  	s26 =	spop (v2sf);
	v30 =	vld [tilespmem:s11+$0xBD10]  }
0x2a6: {  	s14 =	sand.u32 $0x40, s26;
	s30 =	spop (v2sf);
	v31 =	vld [tilespmem:s11+$0xBD20]  }
0x2a7: {  	s17 =	sand.u32 $0x40, s30;
	s14 =	sadd.s32 $0xA80, s14;
	v56 =	vld [tilespmem:s11+$0xBD30]  }
0x2a8: {  	(v2sf) =	vpush v7, $0x7;
	s24 =	sadd.s32 $0xA80, s17;
	v5 =	vld [tilespmem:s14+$0xBC80]  }
0x2a9: {  	(v2sf) =	vpush v7, $0x6;
	v57 =	vld [tilespmem:s24+$0xBC00]  }
0x2aa: {  	v6 =	vmul.f32 v6, v1;
	v8 =	vmul.f32 v8, v3;
	s25 =	spop (v2sf);
	v58 =	vld [tilespmem:s24+$0xBC10]  }
0x2ab: {  	v9 =	vmul.f32 v9, v2;
	v59 =	vmul.f32 v11, v4;
	s17 =	sand.u32 $0x40, s25;
	v10 =	vld [tilespmem:s24+$0xBC20]  }
0x2ac: {  	v60 =	vmul.f32 v13, v1;
	v61 =	vmul.f32 v15, v2;
	s17 =	sadd.s32 $0xA80, s17;
	v12 =	vld [tilespmem:s24+$0xBC30]  }
0x2ad: {  	v16 =	vmul.f32 v16, v4;
	v62 =	vmul.f32 v17, v1;
	(v2sf) =	vpush v7, $0x5;
	v11 =	vld [tilespmem:s17+$0xBB80]  }
0x2ae: {  	v6 =	vadd.f32 v8, v6;
	v8 =	vmul.f32 v14, v3;
	v9 =	vadd.f32 v59, v9;
	s26 =	spop (v2sf);
	v13 =	vld [tilespmem:s17+$0xBB90]  }
0x2af: {  	v19 =	vmul.f32 v19, v2;
	v20 =	vmul.f32 v20, v4;
	v16 =	vadd.f32 v16, v61;
	s11 =	sand.u32 $0x40, s26;
	s24 =	spop (v2sf);
	v14 =	vld [tilespmem:s17+$0xBBA0]  }
0x2b0: {  	v6 =	vadd.f32 v9, v6;
	v9 =	vmul.f32 v18, v3;
	v18 =	vadd.f32 v8, v60;
	s24 =	sand.u32 $0x40, s24;
	s25 =	sadd.s32 $0xA80, s11;
	v15 =	vld [tilespmem:s17+$0xBBB0]  }
0x2b1: {  	v27 =	vmul.f32 v27, v2;
	v20 =	vadd.f32 v20, v19;
	(v2sf) =	vpush v7, $0x4;
	s30 =	sadd.s32 $0xA80, s24;
	v8 =	vld [tilespmem:s25+$0xBB00]  }
0x2b2: {  	v28 =	vmul.f32 v28, v4;
	(xrf2) =	vadd.scan.msk.f32 $0xffff, v6;
	v35 =	vadd.f32 v16, v18;
	(v2sf) =	vpush v7, $0x3;
	v17 =	vld [tilespmem:s30+$0xBA80]  }
0x2b3: {  	v6 =	vmul.f32 v21, v1;
	v21 =	vmul.f32 v22, v3;
	v9 =	vadd.f32 v9, v62;
	s24 =	spop (v2sf);
	v16 =	vld [tilespmem:s30+$0xBA90]  }
0x2b4: {  	v22 =	vmul.f32 v23, v2;
	v23 =	vmul.f32 v24, v4;
	(xrf2) =	vadd.scan.msk.f32 $0xffff, v35;
	s17 =	sand.u32 $0x40, s24;
	v18 =	vld [tilespmem:s30+$0xBAA0]  }
0x2b5: {  	v24 =	vmul.f32 v25, v1;
	v6 =	vadd.f32 v21, v6;
	v25 =	vadd.f32 v20, v9;
	v19 =	vld [tilespmem:s30+$0xBAB0];
	s17 =	sadd.s32 $0xA80, s17  }
0x2b6: {  	v9 =	vmul.f32 v26, v3;
	v26 =	vadd.f32 v23, v22;
	(v2sf) =	vpush v7, $0x2;
	v20 =	vld [tilespmem:s17+$0xBA00]  }
0x2b7: {  	(xrf2) =	vadd.scan.msk.f32 $0xffff, v25;
	v21 =	vld [tilespmem:s17+$0xBA10];
	s26 =	spop (v2sf)  }
0x2b8: {  	v28 =	vadd.f32 v28, v27;
	v6 =	vadd.f32 v26, v6;
	v22 =	vld [tilespmem:s17+$0xBA20];
	s11 =	sand.u32 $0x40, s26;
	s30 =	spop (v2sf)  }
0x2b9: {  	v29 =	vmul.f32 v29, v1;
	v30 =	vmul.f32 v30, v3;
	v63 =	vadd.f32 v9, v24;
	v23 =	vld [tilespmem:s17+$0xBA30];
	s26 =	sadd.s32 $0xA80, s11;
	s24 =	sand.u32 $0x40, s30  }
0x2ba: {  	v31 =	vmul.f32 v31, v2;
	v32 =	vmul.f32 v56, v4;
	(xrf2) =	vadd.scan.msk.f32 $0xffff, v6;
	(v2sf) =	vpush v7, $0x0;
	v9 =	vld [tilespmem:s26+$0xB980];
	s28 =	sadd.s32 $0xA80, s24  }
0x2bb: {  	s20 =	sor.u32 $0x1, s20;
	v27 =	vmul.f32 v57, v1;
	s17 =	simm.s32 $0x200;
	v26 =	vadd.f32 v28, v63;
	v24 =	vld [tilespmem:s28+$0xB900]  }
0x2bc: {  	v29 =	vadd.f32 v30, v29;
	v30 =	vadd.f32 v32, v31;
	v28 =	vmul.f32 v58, v3;
	v6, _, _ =	vpop (xrf2);
	s11 =	simm.s32 $0xA80;
	s29 =	spop (v2sf);
	s24 =	simm.s32 $0x5400;
	v25 =	vld [tilespmem:s28+$0xB910]  }
.LBB2_5:
0x2bd: {  	p1 =	sne.s32 s24, $0x27600;
	s29 =	sand.u32 $0x40, s29;
	v31 =	vld [tilespmem:s28+$0xB920];
	v32 =	vmul.f32 v10, v2;
	v12 =	vmul.f32 v12, v4;
	(xrf2) =	vadd.scan.msk.f32 $0xffff, v26  }
0x2be: {  	v33 =	vmul.f32 v11, v1;
	s29 =	sadd.s32 s11, s29;
	v26 =	vld [tilespmem:s28+$0xB930];
	v34 =	vadd.f32 v30, v29;
	(v2sf) =	vpush v7, $0x1;
	v10, _, _ =	vpop (xrf2)  }
0x2bf: {  	v13 =	vmul.f32 v13, v3;
	v27 =	vadd.f32 v28, v27;
	v29 =	vld [tilespmem:s29+$0xB880];
	v12 =	vadd.f32 v12, v32  }
0x2c0: {  	v14 =	vmul.f32 v14, v2;
	v15 =	vmul.f32 v15, v4;
	v28 =	vld [tilespmem:s29+$0xB890];
	s28 =	spop (v2sf);
	(xrf2) =	vadd.scan.msk.f32 $0xffff, v34  }
0x2c1: {  	v17 =	vmul.f32 v17, v1;
	s28 =	sand.u32 $0x40, s28;
	v30 =	vld [tilespmem:s29+$0xB8A0];
	v34 =	vadd.f32 v12, v27;
	s30 =	spop (v2sf);
	v11, _, _ =	vpop (xrf2)  }
0x2c2: {  	v16 =	vmul.f32 v16, v3;
	v13 =	vadd.f32 v13, v33;
	v14 =	vadd.f32 v15, v14;
	s30 =	sand.u32 $0x40, s30;
	s28 =	sadd.s32 s11, s28;
	v27 =	vld [tilespmem:s29+$0xB8B0]  }
0x2c3: {  	v15 =	vmul.f32 v18, v2;
	v18 =	vmul.f32 v19, v4;
	s29 =	sadd.s32 s11, s30;
	v32 =	vld [tilespmem:s28+$0xB800];
	(xrf2) =	vadd.scan.msk.f32 $0xffff, v34  }
0x2c4: {  	v20 =	vmul.f32 v20, v1;
	v34 =	vadd.f32 v14, v13;
	v19 =	vld [tilespmem:s29+$0xB780];
	v12, _, _ =	vpop (xrf2)  }
0x2c5: {  	v16 =	vadd.f32 v16, v17;
	v15 =	vadd.f32 v18, v15;
	v14 =	vmul.f32 v21, v3;
	v33 =	vld [tilespmem:s29+$0xB790];
	s30 =	spop (v2sf)  }
0x2c6: {  	v18 =	vmul.f32 v22, v2;
	v21 =	vmul.f32 v23, v4;
	s30 =	sand.u32 $0x40, s30;
	v17 =	vld [tilespmem:s29+$0xB7A0];
	(xrf2) =	vadd.scan.msk.f32 $0xffff, v34  }
0x2c7: {  	v23 =	vmul.f32 v24, v1;
	v15 =	vadd.f32 v15, v16;
	s30 =	sadd.s32 s11, s30;
	v22 =	vld [tilespmem:s29+$0xB7B0];
	v13, _, _ =	vpop (xrf2)  }
0x2c8: {  	v24 =	vmul.f32 v25, v3;
	v18 =	vadd.f32 v21, v18;
	v34 =	vadd.f32 v14, v20;
	v16 =	vld [tilespmem:s30+$0xB700]  }
0x2c9: {  	v25 =	vmul.f32 v26, v4;
	v21 =	vmul.f32 v31, v2;
	v20 =	vld [tilespmem:s30+$0xB710];
	s29 =	spop (v2sf);
	(xrf2) =	vadd.scan.msk.f32 $0xffff, v15  }
0x2ca: {  	v29 =	vmul.f32 v29, v1;
	v31 =	vadd.f32 v18, v34;
	s29 =	sand.u32 $0x40, s29;
	v26 =	vld [tilespmem:s30+$0xB720];
	v14, _, _ =	vpop (xrf2)  }
0x2cb: {  	v28 =	vmul.f32 v28, v3;
	v23 =	vadd.f32 v24, v23;
	v21 =	vadd.f32 v25, v21;
	s29 =	sadd.s32 s11, s29;
	v18 =	vld [tilespmem:s30+$0xB730]  }
0x2cc: {  	v25 =	vmul.f32 v30, v2;
	v27 =	vmul.f32 v27, v4;
	v24 =	vld [tilespmem:s29+$0xB600];
	(xrf2) =	vadd.scan.msk.f32 $0xffff, v31  }
0x2cd: {  	v19 =	vmul.f32 v19, v1;
	v21 =	vadd.f32 v21, v23;
	v30 =	vld [tilespmem:s29+$0xB610];
	s30 =	spop (v2sf);
	v15, _, _ =	vpop (xrf2);
	(v2sf) =	vpush v7, $0xF  }
0x2ce: {  	v29 =	vadd.f32 v28, v29;
	v25 =	vadd.f32 v27, v25;
	v31 =	vmul.f32 v33, v3;
	v23 =	vld [tilespmem:s29+$0xB620];
	s30 =	sand.u32 $0x40, s30  }
0x2cf: {  	v17 =	vmul.f32 v17, v2;
	v22 =	vmul.f32 v22, v4;
	v27 =	vld [tilespmem:s29+$0xB630];
	s29 =	sadd.s32 s11, s30;
	(xrf2) =	vadd.scan.msk.f32 $0xffff, v21  }
0x2d0: {  	v33 =	vadd.f32 v25, v29;
	v28 =	vmul.f32 v16, v1;
	v21 =	vld [tilespmem:s29+$0xB680];
	v7, _, _ =	vpop (xrf2)  }
0x2d1: {  	v20 =	vmul.f32 v20, v3;
	v19 =	vadd.f32 v31, v19;
	v17 =	vadd.f32 v22, v17;
	v25 =	vld [tilespmem:s29+$0xB690]  }
0x2d2: {  	v26 =	vmul.f32 v26, v2;
	v18 =	vmul.f32 v18, v4;
	v22 =	vld [tilespmem:s29+$0xB6A0];
	(xrf2) =	vadd.scan.msk.f32 $0xffff, v33  }
0x2d3: {  	v17 =	vadd.f32 v17, v19;
	v24 =	vmul.f32 v24, v1;
	v29 =	vld [tilespmem:s29+$0xB6B0];
	v16, _, _ =	vpop (xrf2)  }
0x2d4: {  	v20 =	vadd.f32 v20, v28;
	v19 =	vmul.f32 v30, v3;
	v18 =	vadd.f32 v18, v26;
	v26 =	vld [tilespmem:s28+$0xB810]  }
0x2d5: {  	v23 =	vmul.f32 v23, v2;
	v27 =	vmul.f32 v27, v4;
	v28 =	vld [tilespmem:s28+$0xB820];
	(xrf2) =	vadd.scan.msk.f32 $0xffff, v17  }
0x2d6: {  	v18 =	vadd.f32 v18, v20;
	v17 =	vmul.f32 v21, v1;
	v20 =	vld [tilespmem:s28+$0xB830];
	v21, _, _ =	vpop (xrf2)  }
0x2d7: {  	v19 =	vadd.f32 v19, v24;
	v23 =	vadd.f32 v27, v23;
	v24 =	vmul.f32 v25, v3;
	v25 =	vld [tilespmem:s26+$0xB990]  }
0x2d8: {  	v22 =	vmul.f32 v22, v2;
	v27 =	vmul.f32 v29, v4;
	v29 =	vld [tilespmem:s26+$0xB9A0];
	(xrf2) =	vadd.scan.msk.f32 $0xffff, v18  }
0x2d9: {  	v18 =	vadd.f32 v23, v19;
	v19 =	vmul.f32 v32, v1;
	v23 =	vld [tilespmem:s26+$0xB9B0];
	v30, _, _ =	vpop (xrf2)  }
0x2da: {  	v17 =	vadd.f32 v24, v17;
	v24 =	vmul.f32 v26, v3;
	v31 =	vadd.f32 v27, v22;
	v26 =	vld [tilespmem:s25+$0xBB10]  }
0x2db: {  	v27 =	vmul.f32 v28, v2;
	v20 =	vmul.f32 v20, v4;
	v28 =	vld [tilespmem:s25+$0xBB20];
	(xrf2) =	vadd.scan.msk.f32 $0xffff, v18  }
0x2dc: {  	v9 =	vmul.f32 v9, v1;
	v17 =	vadd.f32 v31, v17;
	v18 =	vld [tilespmem:s25+$0xBB30];
	v22, _, _ =	vpop (xrf2);
	s25 =	spop (v2sf)  }
0x2dd: {  	v19 =	vadd.f32 v24, v19;
	v24 =	vmul.f32 v25, v3;
	v31 =	vadd.f32 v20, v27;
	v25 =	vld [tilespmem:s14+$0xBC90]  }
0x2de: {  	v27 =	vmul.f32 v29, v2;
	s25 =	sand.u32 $0x40, s25;
	v23 =	vmul.f32 v23, v4;
	v29 =	vld [tilespmem:s14+$0xBCA0];
	(xrf2) =	vadd.scan.msk.f32 $0xffff, v17  }
0x2df: {  	v8 =	vmul.f32 v8, v1;
	s11 =	sadd.s32 s11, s25;
	v17 =	vadd.f32 v31, v19;
	v19 =	vld [tilespmem:s14+$0xBCB0];
	v20, _, _ =	vpop (xrf2)  }
0x2e0: {  	v9 =	vadd.f32 v24, v9;
	v24 =	vmul.f32 v26, v3;
	v31 =	vadd.f32 v23, v27;
	v26 =	vld [tilespmem:s11+$0xBD80]  }
0x2e1: {  	v27 =	vmul.f32 v28, v2;
	v18 =	vmul.f32 v18, v4;
	v28 =	vld [tilespmem:s11+$0xBD90];
	(xrf2) =	vadd.scan.msk.f32 $0xffff, v17  }
0x2e2: {  	v5 =	vmul.f32 v5, v1;
	v31 =	vadd.f32 v31, v9;
	v17 =	vld [tilespmem:s11+$0xBDA0];
	v23, _, _ =	vpop (xrf2)  }
0x2e3: {  	v8 =	vadd.f32 v24, v8;
	v24 =	vmul.f32 v25, v3;
	v18 =	vadd.f32 v18, v27;
	v25 =	vld [tilespmem:s11+$0xBDB0]  }
0x2e4: {  	v27 =	vmul.f32 v29, v2;
	v19 =	vmul.f32 v19, v4;
	(xrf2) =	vadd.scan.msk.f32 $0xffff, v31  }
0x2e5: {  	v29 =	vadd.f32 v18, v8;
	v9, _, _ =	vpop (xrf2)  }
0x2e6: {  	v5 =	vadd.f32 v24, v5;
	v18 =	vadd.f32 v19, v27  }
0x2e7: {  	v1 =	vmul.f32 v26, v1;
	v3 =	vmul.f32 v28, v3;
	(xrf2) =	vadd.scan.msk.f32 $0xffff, v29  }
0x2e8: {  	v2 =	vmul.f32 v17, v2;
	v18 =	vadd.f32 v18, v5;
	v4 =	vmul.f32 v25, v4;
	v8, _, _ =	vpop (xrf2)  }
0x2e9: {  	v9 =	vbroadcast v9, $0xF;
	v8 =	vbroadcast v8, $0xF  }
0x2ea: {  	v17 =	vbroadcast v23, $0xF;
	v1 =	vadd.f32 v3, v1;
	v2 =	vadd.f32 v4, v2;
	(xrf2) =	vadd.scan.msk.f32 $0xffff, v18  }
0x2eb: {  	v4 =	vbroadcast v20, $0xF;
	v3 =	vsel vm0, v9, v8;
	v5, _, _ =	vpop (xrf2)  }
0x2ec: {  	v3 =	vsel vm2, v3, v17;
	v8 =	vbroadcast v5, $0xF;
	v1 =	vadd.f32 v2, v1  }
0x2ed: {  	v2 =	vsel vm3, v3, v4;
	v3 =	vbroadcast v22, $0xF  }
0x2ee: {  	v4 =	vbroadcast v30, $0xF;
	v2 =	vsel vm4, v2, v8;
	v5, _, _ =	vpop (xrf2);
	(xrf2) =	vadd.scan.msk.f32 $0xffff, v1  }
0x2ef: {  	v1 =	vsel vm5, v2, v3;
	v2 =	vbroadcast v5, $0xF  }
0x2f0: {  	s9 =	sadd.s32 $0x20, s9;
	vm1 =	vcmask $0x314;
	v3 =	vbroadcast v21, $0xF;
	v1 =	vsel vm6, v1, v4  }
0x2f1: {  	s11 =	sadd.s32 $0xFFFFFFF0, s9;
	v4 =	vor.u32 s9, v0;
	v1 =	vsel vm7, v1, v2;
	v2 =	vbroadcast v16, $0xF;
	v5, _, _ =	vpop (xrf2)  }
0x2f2: {  	v1 =	vsel vm8, v1, v3;
	v3 =	vbroadcast v5, $0xF;
	v5 =	vor.u32 s11, v0  }
0x2f3: {  	v1 =	vsel vm9, v1, v2;
	v2 =	vbroadcast v7, $0xF;
	v7 =	vbroadcast v11, $0xF  }
0x2f4: {  	v8 =	vbroadcast v13, $0xF;
	v1 =	vsel vm10, v1, v3;
	v3 =	vbroadcast v15, $0xF;
	v9, _, _ =	vpop (xrf2)  }
0x2f5: {  	v1 =	vsel vm11, v1, v2;
	v2 =	vbroadcast v9, $0xF;
	v9 =	vbroadcast v12, $0xF  }
0x2f6: {  	v8 =	vnsel vm0, $0x0, v8;
	v1 =	vsel vm12, v1, v3;
	v3 =	vbroadcast v14, $0xF  }
0x2f7: {  	v1 =	vsel vm13, v1, v2;
	v2 =	vsel vm1, v8, v9  }
0x2f8: {  	v8 =	vbroadcast v10, $0xF;
	vm1 =	vcmask $0x714;
	v1 =	vsel vm14, v1, v3  }
0x2f9: {  	v2 =	vsel vm1, v2, v7;
	v3 =	vbroadcast v6, $0xF;
	v6, _, _ =	vpop (xrf2);
	vm1 =	vcmask $0xB14  }
0x2fa: {  	v1 =	vsel vm15, v1, v6;
	v2 =	vsel vm1, v2, v8;
	vm1 =	vcmask $0xF14  }
0x2fb: {  	v2 =	vsel vm1, v2, v3;
	[tilespmem:v5+s13+$0x0] =	vst.idx.msk $0xffff, v1  }
0x2fc: {  	s10 =	sadd.s32 $0x15, s10;
	[tilespmem:v4+s13+$0x0] =	vst.idx.msk $0x1f, v2  }
0x2fd: {  	v1 =	vld [tilespmem:s10+$0x0];
	_ =	sdelay $0x4  }
0x2fe: {  	(v2sf) =	vpush v1, $0x4;
	_ =	sdelay $0x4  }
0x2ff: {  	(v2sf) =	vpush v1, $0x3;
	_ =	sdelay $0x3  }
0x300: {  	(v2sf) =	vpush v1, $0x2;
	_ =	sdelay $0x3  }
0x301: {  	(v2sf) =	vpush v1, $0x1  }
0x302: {  	s7 =	sadd.s32 $0x1, s7  }
0x303: {  	v2 =	vld [tilespmem:s7+$0x0];
	s14 =	spop (v2sf)  }
0x304: {  	s11 =	sshra.s32 s24, $0x2;
	s14 =	sand.u32 $0x40, s14  }
0x305: {  	s14 =	sadd.s32 s11, s14;
	(v2sf) =	vpush v1, $0x0  }
0x306: {  	v6 =	vld [tilespmem:s14+$0xC000]  }
0x307: {  	v8 =	vld [tilespmem:s14+$0xC010]  }
0x308: {  	v7 =	vld [tilespmem:s10+$0xFFFFFFF0];
	(v2sf) =	vpush v2, $0x0;
	s25 =	spop (v2sf)  }
0x309: {  	s25 =	sand.u32 $0x40, s25;
	v9 =	vld [tilespmem:s14+$0xC020]  }
0x30a: {  	s25 =	sadd.s32 s11, s25;
	v11 =	vld [tilespmem:s14+$0xC030]  }
0x30b: {  	v13 =	vld [tilespmem:s25+$0xBF80]  }
0x30c: {  	v14 =	vld [tilespmem:s25+$0xBF90];
	s14 =	spop (v2sf)  }
0x30d: {  	s14 =	sand.u32 $0x40, s14;
	v15 =	vld [tilespmem:s25+$0xBFA0];
	(v2sf) =	vpush v7, $0xE  }
0x30e: {  	s14 =	sadd.s32 s11, s14;
	v16 =	vld [tilespmem:s25+$0xBFB0]  }
0x30f: {  	v17 =	vld [tilespmem:s14+$0xBF00]  }
0x310: {  	v18 =	vld [tilespmem:s14+$0xBF10];
	s25 =	spop (v2sf)  }
0x311: {  	s25 =	sand.u32 $0x40, s25;
	v19 =	vld [tilespmem:s14+$0xBF20];
	(v2sf) =	vpush v7, $0xD  }
0x312: {  	s25 =	sadd.s32 s11, s25;
	v20 =	vld [tilespmem:s14+$0xBF30];
	(v2sf) =	vpush v7, $0xC  }
0x313: {  	v21 =	vld [tilespmem:s25+$0xBE80]  }
0x314: {  	v22 =	vld [tilespmem:s25+$0xBE90];
	s14 =	spop (v2sf)  }
0x315: {  	s14 =	sand.u32 $0x40, s14;
	v23 =	vld [tilespmem:s25+$0xBEA0]  }
0x316: {  	s14 =	sadd.s32 s11, s14;
	v24 =	vld [tilespmem:s25+$0xBEB0];
	(v2sf) =	vpush v7, $0xB  }
0x317: {  	s17 =	sadd.s32 $0x200, s17;
	v25 =	vld [tilespmem:s14+$0xBE00];
	s25 =	spop (v2sf)  }
0x318: {  	s26 =	sshra.s32 s17, $0x2;
	s25 =	sand.u32 $0x40, s25;
	v26 =	vld [tilespmem:s14+$0xBE10]  }
0x319: {  	s25 =	sadd.s32 s26, s25;
	v27 =	vld [tilespmem:s14+$0xBE20]  }
0x31a: {  	s25 =	sadd.s32 $0xB600, s25;
	v28 =	vld [tilespmem:s14+$0xBE30];
	(v2sf) =	vpush v7, $0xA  }
0x31b: {  	v1 =	vld [tilespmem:s25+$0xA800];
	(v2sf) =	vpush v7, $0x9  }
0x31c: {  	v3 =	vld [tilespmem:s25+$0xA810];
	s14 =	spop (v2sf)  }
0x31d: {  	v2 =	vld [tilespmem:s25+$0xA820];
	s14 =	sand.u32 $0x40, s14  }
0x31e: {  	v4 =	vld [tilespmem:s25+$0xA830];
	s25 =	sadd.s32 s11, s14  }
0x31f: {  	v29 =	vld [tilespmem:s25+$0xBD00];
	(v2sf) =	vpush v7, $0x8  }
0x320: {  	v30 =	vld [tilespmem:s25+$0xBD10];
	s14 =	spop (v2sf)  }
0x321: {  	s14 =	sand.u32 $0x40, s14;
	v31 =	vld [tilespmem:s25+$0xBD20];
	s26 =	spop (v2sf)  }
0x322: {  	s26 =	sand.u32 $0x40, s26;
	s14 =	sadd.s32 s11, s14;
	v32 =	vld [tilespmem:s25+$0xBD30]  }
0x323: {  	s25 =	sadd.s32 s11, s26;
	v5 =	vld [tilespmem:s14+$0xBC80];
	(v2sf) =	vpush v7, $0x7  }
0x324: {  	v33 =	vld [tilespmem:s25+$0xBC00];
	(v2sf) =	vpush v7, $0x6  }
0x325: {  	v6 =	vmul.f32 v6, v1;
	v8 =	vmul.f32 v8, v3;
	v34 =	vld [tilespmem:s25+$0xBC10];
	s26 =	spop (v2sf)  }
0x326: {  	v9 =	vmul.f32 v9, v2;
	v35 =	vmul.f32 v11, v4;
	s26 =	sand.u32 $0x40, s26;
	v10 =	vld [tilespmem:s25+$0xBC20]  }
0x327: {  	v36 =	vmul.f32 v13, v1;
	v6 =	vadd.f32 v8, v6;
	s26 =	sadd.s32 s11, s26;
	v12 =	vld [tilespmem:s25+$0xBC30]  }
0x328: {  	v8 =	vmul.f32 v14, v3;
	v9 =	vadd.f32 v35, v9;
	v11 =	vld [tilespmem:s26+$0xBB80];
	(v2sf) =	vpush v7, $0x5  }
0x329: {  	v16 =	vmul.f32 v16, v4;
	v35 =	vmul.f32 v15, v2;
	v13 =	vld [tilespmem:s26+$0xBB90];
	s25 =	spop (v2sf)  }
0x32a: {  	v37 =	vmul.f32 v17, v1;
	v6 =	vadd.f32 v9, v6;
	s25 =	sand.u32 $0x40, s25;
	v14 =	vld [tilespmem:s26+$0xBBA0];
	s28 =	spop (v2sf)  }
0x32b: {  	v9 =	vmul.f32 v18, v3;
	v18 =	vadd.f32 v8, v36;
	v16 =	vadd.f32 v16, v35;
	s28 =	sand.u32 $0x40, s28;
	s25 =	sadd.s32 s11, s25;
	v15 =	vld [tilespmem:s26+$0xBBB0]  }
0x32c: {  	v19 =	vmul.f32 v19, v2;
	v20 =	vmul.f32 v20, v4;
	s26 =	sadd.s32 s11, s28;
	v8 =	vld [tilespmem:s25+$0xBB00];
	(v2sf) =	vpush v7, $0x4;
	(xrf2) =	vadd.scan.msk.f32 $0xffff, v6  }
0x32d: {  	v6 =	vmul.f32 v21, v1;
	v21 =	vadd.f32 v16, v18;
	v17 =	vld [tilespmem:s26+$0xBA80];
	(v2sf) =	vpush v7, $0x3  }
0x32e: {  	v22 =	vmul.f32 v22, v3;
	v20 =	vadd.f32 v20, v19;
	v9 =	vadd.f32 v9, v37;
	v16 =	vld [tilespmem:s26+$0xBA90];
	s28 =	spop (v2sf)  }
0x32f: {  	v23 =	vmul.f32 v23, v2;
	v24 =	vmul.f32 v24, v4;
	s28 =	sand.u32 $0x40, s28;
	v18 =	vld [tilespmem:s26+$0xBAA0];
	(xrf2) =	vadd.scan.msk.f32 $0xffff, v21  }
0x330: {  	v25 =	vmul.f32 v25, v1;
	v9 =	vadd.f32 v20, v9;
	v6 =	vadd.f32 v22, v6;
	s28 =	sadd.s32 s11, s28;
	v19 =	vld [tilespmem:s26+$0xBAB0]  }
0x331: {  	v26 =	vmul.f32 v26, v3;
	v23 =	vadd.f32 v24, v23;
	v20 =	vld [tilespmem:s28+$0xBA00];
	(v2sf) =	vpush v7, $0x2  }
0x332: {  	v24 =	vmul.f32 v27, v2;
	v27 =	vmul.f32 v28, v4;
	v21 =	vld [tilespmem:s28+$0xBA10];
	s26 =	spop (v2sf);
	(xrf2) =	vadd.scan.msk.f32 $0xffff, v9  }
.Ltmp3:
0x333: {  	v25 =	vadd.f32 v26, v25;
	v28 =	vadd.f32 v23, v6;
	s26 =	sand.u32 $0x40, s26;
	v22 =	vld [tilespmem:s28+$0xBA20];
	s29 =	spop (v2sf);
	(pc) =	sbr.rel @p1 .LBB2_5-.Ltmp3, $4  }
0x334: {  	v29 =	vmul.f32 v29, v1;
	v30 =	vmul.f32 v30, v3;
	v26 =	vadd.f32 v27, v24;
	s29 =	sand.u32 $0x40, s29;
	s26 =	sadd.s32 s11, s26;
	v23 =	vld [tilespmem:s28+$0xBA30]  }
0x335: {  	v31 =	vmul.f32 v31, v2;
	v32 =	vmul.f32 v32, v4;
	s28 =	sadd.s32 s11, s29;
	v9 =	vld [tilespmem:s26+$0xB980];
	(v2sf) =	vpush v7, $0x0;
	(xrf2) =	vadd.scan.msk.f32 $0xffff, v28  }
0x336: {  	v27 =	vmul.f32 v33, v1;
	v26 =	vadd.f32 v26, v25;
	v24 =	vld [tilespmem:s28+$0xB900];
	v6, _, _ =	vpop (xrf2)  }
0x337: {  	s24 =	sadd.s32 $0x2A00, s24;
	v29 =	vadd.f32 v30, v29;
	v30 =	vadd.f32 v32, v31;
	v28 =	vmul.f32 v34, v3;
	v25 =	vld [tilespmem:s28+$0xB910];
	s29 =	spop (v2sf)  }
0x338: {  	s7 =	sand.u32 $0x40, s29;
	v31 =	vld [tilespmem:s28+$0xB920]  }
0x339: {  	v32 =	vld [tilespmem:s28+$0xB930];
	(v2sf) =	vpush v7, $0x1;
	s10 =	sadd.s32 s11, s7  }
0x33a: {  	v33 =	vld [tilespmem:s10+$0xB880]  }
0x33b: {  	v34 =	vld [tilespmem:s10+$0xB890];
	s17 =	spop (v2sf)  }
0x33c: {  	v10 =	vmul.f32 v10, v2;
	v35 =	vld [tilespmem:s10+$0xB8A0];
	s7 =	sand.u32 $0x40, s17;
	s17 =	spop (v2sf)  }
0x33d: {  	v12 =	vmul.f32 v12, v4;
	v11 =	vmul.f32 v11, v1;
	v36 =	vld [tilespmem:s10+$0xB8B0];
	s17 =	sand.u32 $0x40, s17;
	s7 =	sadd.s32 s11, s7  }
0x33e: {  	v13 =	vmul.f32 v13, v3;
	v60 =	vmul.f32 v14, v2;
	v29 =	vadd.f32 v30, v29;
	s24 =	sadd.s32 s11, s17;
	v30 =	vld [tilespmem:s7+$0xB800]  }
0x33f: {  	v61 =	vmul.f32 v15, v4;
	v17 =	vmul.f32 v17, v1;
	v59 =	vld [tilespmem:s24+$0xB780]  }
0x340: {  	v16 =	vmul.f32 v16, v3;
	v37 =	vmul.f32 v18, v2;
	v62 =	vld [tilespmem:s24+$0xB790];
	s28 =	spop (v2sf)  }
0x341: {  	v38 =	vmul.f32 v19, v4;
	v20 =	vmul.f32 v20, v1;
	v63 =	vld [tilespmem:s24+$0xB7A0];
	s17 =	sand.u32 $0x40, s28  }
0x342: {  	v21 =	vmul.f32 v21, v3;
	v27 =	vadd.f32 v28, v27;
	v10 =	vadd.f32 v12, v10;
	v39 =	vld [tilespmem:s24+$0xB7B0];
	s17 =	sadd.s32 s11, s17  }
0x343: {  	v41 =	vmul.f32 v22, v2;
	v11 =	vadd.f32 v13, v11;
	v12 =	vadd.f32 v61, v60;
	v40 =	vld [tilespmem:s17+$0xB700]  }
0x344: {  	v42 =	vmul.f32 v23, v4;
	v16 =	vadd.f32 v16, v17;
	v14 =	vadd.f32 v38, v37;
	v43 =	vld [tilespmem:s17+$0xB710];
	s29 =	spop (v2sf)  }
0x345: {  	v45 =	vadd.f32 v21, v20;
	v47 =	vmul.f32 v24, v1;
	(v2sf) =	vpush v7, $0xF;
	v44 =	vld [tilespmem:s17+$0xB720];
	s10 =	sand.u32 $0x40, s29  }
0x346: {  	v10 =	vadd.f32 v10, v27;
	v11 =	vadd.f32 v12, v11;
	v48 =	vmul.f32 v25, v3;
	v46 =	vld [tilespmem:s17+$0xB730];
	s10 =	sadd.s32 s11, s10  }
0x347: {  	v12 =	vadd.f32 v42, v41;
	v50 =	vmul.f32 v31, v2;
	v51 =	vmul.f32 v32, v4;
	v49 =	vld [tilespmem:s10+$0xB600]  }
0x348: {  	v14 =	vadd.f32 v14, v16;
	v53 =	vmul.f32 v33, v1;
	v54 =	vmul.f32 v34, v3;
	v52 =	vld [tilespmem:s10+$0xB610];
	s30 =	spop (v2sf)  }
0x349: {  	v12 =	vadd.f32 v12, v45;
	v56 =	vmul.f32 v35, v2;
	v57 =	vmul.f32 v36, v4;
	v55 =	vld [tilespmem:s10+$0xB620];
	s17 =	sand.u32 $0x40, s30  }
0x34a: {  	v16 =	vadd.f32 v48, v47;
	v24 =	vadd.f32 v51, v50;
	v58 =	vld [tilespmem:s10+$0xB630];
	s24 =	sadd.s32 s11, s17  }
0x34b: {  	v60 =	vadd.f32 v54, v53;
	v21 =	vadd.f32 v57, v56;
	v61 =	vld [tilespmem:s24+$0xB680]  }
0x34c: {  	v16 =	vadd.f32 v24, v16;
	v59 =	vmul.f32 v59, v1;
	v15 =	vmul.f32 v62, v3;
	v62 =	vld [tilespmem:s24+$0xB690]  }
0x34d: {  	v21 =	vadd.f32 v21, v60;
	v13 =	vmul.f32 v63, v2;
	v19 =	vmul.f32 v39, v4;
	v33 =	vld [tilespmem:s24+$0xB6A0]  }
0x34e: {  	(xrf2) =	vadd.scan.msk.f32 $0xffff, v26;
	v15 =	vadd.f32 v15, v59;
	v63 =	vmul.f32 v40, v1;
	v23 =	vmul.f32 v43, v3;
	v35 =	vld [tilespmem:s24+$0xB6B0]  }
0x34f: {  	(xrf2) =	vadd.scan.msk.f32 $0xffff, v29;
	v37 =	vld [tilespmem:s7+$0xB810];
	v13 =	vadd.f32 v19, v13;
	v17 =	vmul.f32 v44, v2;
	v36 =	vmul.f32 v46, v4  }
0x350: {  	(xrf2) =	vadd.scan.msk.f32 $0xffff, v10;
	v40 =	vld [tilespmem:s7+$0xB820];
	v39 =	vadd.f32 v23, v63;
	v38 =	vmul.f32 v49, v1;
	v18 =	vmul.f32 v52, v3  }
0x351: {  	(xrf2) =	vadd.scan.msk.f32 $0xffff, v11;
	v43 =	vld [tilespmem:s7+$0xB830];
	v41 =	vadd.f32 v36, v17;
	v7 =	vmul.f32 v55, v2;
	v42 =	vmul.f32 v58, v4  }
0x352: {  	v51 =	vld [tilespmem:s26+$0xB9B0];
	(xrf2) =	vadd.scan.msk.f32 $0xffff, v14;
	v13 =	vadd.f32 v13, v15;
	v44 =	vmul.f32 v61, v1;
	v45 =	vmul.f32 v62, v3  }
0x353: {  	(xrf2) =	vadd.scan.msk.f32 $0xffff, v12;
	v46 =	vld [tilespmem:s26+$0xB990];
	v11 =	vadd.f32 v41, v39;
	v47 =	vmul.f32 v33, v2;
	v48 =	vmul.f32 v35, v4  }
0x354: {  	(xrf2) =	vadd.scan.msk.f32 $0xffff, v16;
	v50 =	vmul.f32 v30, v1;
	v49 =	vld [tilespmem:s26+$0xB9A0];
	v10 =	vadd.f32 v18, v38;
	v7 =	vadd.f32 v42, v7  }
0x355: {  	v53 =	vld [tilespmem:s25+$0xBB10];
	v52 =	vmul.f32 v37, v3;
	v18, _, _ =	vpop (xrf2);
	(xrf2) =	vadd.scan.msk.f32 $0xffff, v21;
	v14 =	vadd.f32 v45, v44;
	v12 =	vadd.f32 v48, v47  }
0x356: {  	v56 =	vld [tilespmem:s25+$0xBB20];
	v54 =	vmul.f32 v40, v2;
	v55 =	vmul.f32 v43, v4;
	v7 =	vadd.f32 v7, v10;
	v21, _, _ =	vpop (xrf2);
	(xrf2) =	vadd.scan.msk.f32 $0xffff, v13  }
0x357: {  	v9 =	vmul.f32 v9, v1;
	v58 =	vld [tilespmem:s25+$0xBB30];
	v22, _, _ =	vpop (xrf2);
	(xrf2) =	vadd.scan.msk.f32 $0xffff, v11;
	v57 =	vadd.f32 v12, v14  }
0x358: {  	v31 =	vld [tilespmem:s14+$0xBCA0];
	s28 =	spop (v2sf);
	v17 =	vmul.f32 v51, v4;
	v60 =	vadd.f32 v52, v50;
	v10 =	vadd.f32 v55, v54;
	v59, _, _ =	vpop (xrf2);
	(xrf2) =	vadd.scan.msk.f32 $0xffff, v7  }
0x359: {  	s7 =	sand.u32 $0x40, s28;
	v61 =	vmul.f32 v46, v3;
	v62 =	vld [tilespmem:s14+$0xBC90];
	v30 =	vmul.f32 v49, v2;
	v63, _, _ =	vpop (xrf2);
	(xrf2) =	vadd.scan.msk.f32 $0xffff, v57  }
0x35a: {  	v8 =	vmul.f32 v8, v1;
	s7 =	sadd.s32 s11, s7;
	v33 =	vld [tilespmem:s14+$0xBCB0];
	v7 =	vadd.f32 v10, v60;
	v32, _, _ =	vpop (xrf2)  }
0x35b: {  	v19 =	vmul.f32 v56, v2;
	v37 =	vld [tilespmem:s7+$0xBD80];
	v9 =	vadd.f32 v61, v9;
	v35 =	vadd.f32 v17, v30;
	v34, _, _ =	vpop (xrf2)  }
0x35c: {  	v36 =	vmul.f32 v53, v3;
	v39 =	vld [tilespmem:s7+$0xBD90];
	v12 =	vmul.f32 v58, v4;
	(xrf2) =	vadd.scan.msk.f32 $0xffff, v7;
	v38, _, _ =	vpop (xrf2)  }
0x35d: {  	v5 =	vmul.f32 v5, v1;
	v41 =	vld [tilespmem:s7+$0xBDA0];
	v9 =	vadd.f32 v35, v9;
	v40, _, _ =	vpop (xrf2)  }
0x35e: {  	v24 =	vmul.f32 v31, v2;
	v8 =	vadd.f32 v36, v8;
	v43 =	vld [tilespmem:s7+$0xBDB0];
	v12 =	vadd.f32 v12, v19;
	v42, _, _ =	vpop (xrf2)  }
0x35f: {  	v15 =	vmul.f32 v62, v3;
	v10 =	vmul.f32 v33, v4;
	v44, _, _ =	vpop (xrf2);
	(xrf2) =	vadd.scan.msk.f32 $0xffff, v9  }
0x360: {  	v8 =	vadd.f32 v12, v8;
	v45, _, _ =	vpop (xrf2)  }
0x361: {  	v5 =	vadd.f32 v15, v5;
	v10 =	vadd.f32 v10, v24;
	v46, _, _ =	vpop (xrf2)  }
0x362: {  	v1 =	vmul.f32 v37, v1;
	v2 =	vmul.f32 v41, v2;
	(xrf2) =	vadd.scan.msk.f32 $0xffff, v8;
	v47, _, _ =	vpop (xrf2)  }
0x363: {  	v48 =	vmul.f32 v43, v4;
	v3 =	vmul.f32 v39, v3;
	v5 =	vadd.f32 v10, v5;
	v49, _, _ =	vpop (xrf2)  }
0x364: {  	v50 =	vbroadcast v47, $0xF;
	v8 =	vbroadcast v49, $0xF  }
0x365: {  	v2 =	vadd.f32 v48, v2;
	(xrf2) =	vadd.scan.msk.f32 $0xffff, v5;
	v12 =	vbroadcast v46, $0xF  }
0x366: {  	v1 =	vadd.f32 v3, v1;
	v51 =	vbroadcast v45, $0xF;
	v52, _, _ =	vpop (xrf2);
	v3 =	vsel vm0, v50, v8  }
0x367: {  	v5 =	vbroadcast v52, $0xF;
	v3 =	vsel vm2, v3, v12  }
0x368: {  	v1 =	vadd.f32 v2, v1;
	v2 =	vsel vm3, v3, v51;
	v3 =	vbroadcast v44, $0xF  }
0x369: {  	v53 =	vbroadcast v42, $0xF;
	v54, _, _ =	vpop (xrf2);
	v2 =	vsel vm4, v2, v5  }
0x36a: {  	(xrf2) =	vadd.scan.msk.f32 $0xffff, v1;
	v1 =	vsel vm5, v2, v3;
	v2 =	vbroadcast v54, $0xF  }
0x36b: {  	v3 =	vbroadcast v40, $0xF;
	v1 =	vsel vm6, v1, v53  }
0x36c: {  	vm1 =	vcmask $0x714;
	s29 =	sadd.s32 $0x20, s9;
	v56, _, _ =	vpop (xrf2);
	v1 =	vsel vm7, v1, v2;
	v2 =	vbroadcast v38, $0xF  }
0x36d: {  	v55 =	vor.u32 s29, v0;
	v1 =	vsel vm8, v1, v3;
	v3 =	vbroadcast v56, $0xF  }
0x36e: {  	v58 =	vbroadcast v21, $0xF;
	v1 =	vsel vm9, v1, v2;
	v2 =	vbroadcast v34, $0xF  }
0x36f: {  	v61 =	vbroadcast v22, $0xF;
	v60, _, _ =	vpop (xrf2);
	v1 =	vsel vm10, v1, v3;
	v3 =	vbroadcast v32, $0xF  }
0x370: {  	s9 =	sadd.s32 $0xFFFFFFF0, s29;
	v59 =	vbroadcast v59, $0xF;
	v1 =	vsel vm11, v1, v2;
	v2 =	vbroadcast v60, $0xF  }
0x371: {  	v57 =	vor.u32 s9, v0;
	v1 =	vsel vm12, v1, v3;
	v3 =	vbroadcast v63, $0xF  }
0x372: {  	v8 =	vnsel vm0, $0x0, v59;
	vm2 =	vcmask $0x314;
	v1 =	vsel vm13, v1, v2  }
0x373: {  	v62 =	vbroadcast v18, $0xF;
	v2 =	vsel vm2, v8, v61;
	v1 =	vsel vm14, v1, v3  }
.Ltmp4:
0x374: {  	v63, _, _ =	vpop (xrf2);
	v2 =	vsel vm1, v2, v58;
	v3 =	vbroadcast v6, $0xF;
	vm1 =	vcmask $0xB14;
	(pc) =	sbr.rel @p0 .LBB2_8-.Ltmp4, $4  }
0x375: {  	s30 =	sshll.u32 s20, $0x6;
	v1 =	vsel vm15, v1, v63;
	v2 =	vsel vm1, v2, v62;
	vm1 =	vcmask $0xF14  }
0x376: {  	s7 =	sand.u32 $0x1FFFFFC0, s30;
	v2 =	vsel vm1, v2, v3;
	[tilespmem:v57+s13+$0x0] =	vst.idx.msk $0xffff, v1  }
0x377: {  	s7 =	sadd.s32 s2, s7;
	[tilespmem:v55+s13+$0x0] =	vst.idx.msk $0x1f, v2  }
0x378: {  	[hbm4b:s7+s3] =	stream.linear.scatter [tilespmem:s13], [sflag:$0x4], $0x200, $0x38;
	[tilespmem:$0x16A00] =	vst v63  }
0x379: {  	v1 =	vld [tilespmem:$0x1FF20];
	_ =	sdelay $0x4  }
0x37a: {  	vm2 =	vnez.u8 v1;
	v1 =	vld [tilespmem:$0x1FF30];
	_ =	sdelay $0x4  }
0x37b: {  	vm3 =	vnez.u8 v1;
	v1 =	vld [tilespmem:$0x1FF40];
	_ =	sdelay $0x4  }
0x37c: {  	vm4 =	vnez.u8 v1;
	v1 =	vld [tilespmem:$0x1FF50];
	_ =	sdelay $0x4  }
0x37d: {  	vm5 =	vnez.u8 v1;
	v1 =	vld [tilespmem:$0x1FF60];
	_ =	sdelay $0x4  }
0x37e: {  	vm6 =	vnez.u8 v1;
	v1 =	vld [tilespmem:$0x1FF70];
	_ =	sdelay $0x4  }
0x37f: {  	vm7 =	vnez.u8 v1;
	v1 =	vld [tilespmem:$0x1FF80];
	_ =	sdelay $0x4  }
0x380: {  	vm8 =	vnez.u8 v1;
	v1 =	vld [tilespmem:$0x1FF90];
	_ =	sdelay $0x4  }
0x381: {  	vm9 =	vnez.u8 v1;
	v1 =	vld [tilespmem:$0x1FFA0];
	_ =	sdelay $0x4  }
0x382: {  	vm10 =	vnez.u8 v1;
	v1 =	vld [tilespmem:$0x1FFB0];
	_ =	sdelay $0x4  }
0x383: {  	vm11 =	vnez.u8 v1;
	v1 =	vld [tilespmem:$0x1FFC0];
	_ =	sdelay $0x4  }
0x384: {  	vm12 =	vnez.u8 v1;
	v1 =	vld [tilespmem:$0x1FFD0];
	_ =	sdelay $0x4  }
0x385: {  	vm13 =	vnez.u8 v1;
	v1 =	vld [tilespmem:$0x1FFE0];
	_ =	sdelay $0x4  }
0x386: {  	s7 =	smul.u32 $0x300, s20;
	vm14 =	vnez.u8 v1;
	v1 =	vld [tilespmem:$0x1FFF0]  }
.Ltmp5:
0x387: {  	_ = 	snop;
	(pc) =	sbr.rel .LBB2_2-.Ltmp5, $4  }
0x388: {  	s7 =	sshrl.u32 s7, $0x3  }
0x389: {  	s7 =	sadd.s32 s4, s7  }
0x38a: {  	s19 =	sadd.s32 $0x1, s19;
	s7 =	sadd.s32 $0xC0, s7  }
0x38b: {  	[tilespmem:s21], [sflag:$0x6] =	stream.linear.gather [hbm4b:s7+s3], $0x300, $0x38;
	vm1 =	vnez.u8 v1;
	[tilespmem:$0x16A00] =	vst v63  }
.LBB2_9:
0x38c: {  	_ =	sfence.sel $0x180000  }
0x38d: {  	[bflag:$0x0] =	sbarrier.arrive $0xFFFF  }
0x38e: {  	_ =	strace $0x90000047  }
0x38f: {  	s0 =	stileid.u32;
	[bflag:$0x2] =	sbarrier.arrive $0xFFFF  }
0x390: {  	p0 =	sne.s32 s0, $0x0;
	s0 =	rddreg [dreg:$0x2]  }
0x391: {  	s0 =	sadd.s32 @!p0 $0x100000, s0  }
0x392: {  	[sflag:s0] =	ssyncadd.tile.s32 @!p0 $0x1;
	_ =	shalt  }
.Lfunc_end2:
_tile_overlayer_lowered:
.L_overlay_start_2:
0x393: {  	(tag) =	ssettag $0x2  }
0x394: {  	s0 =	rddreg [dreg:$0x0];
	s2 =	stileid.u32  }
0x395: {  	s1 =	rddreg [dreg:$0x1];
	p0 =	sne.s32 s2, $0x0  }
0x396: {  	s3 =	rddreg [dreg:$0x2];
	[bflag:$0x3] =	sbarrier.arrive $0xFFFF;
	s2 =	simm.s32 @!p0 $0x1C07  }
0x397: {  	[timem:s3], [sflag:s2] =	dma.local @!p0 [hbm:s0], s1  }
0x398: {  	s0 =	simm.s32 @!p0 $0x7  }
0x399: {  	_ =	swait.ge @!p0 [sflag:s0], s1  }
0x39a: {  	s1 =	ssub.s32 @!p0 $0x0, s1;
	[sflag:s0] =	ssyncset.done @!p0 $0x0  }
0x39b: {  	[sflag:s0] =	ssyncadd.s32 @!p0 s1  }
0x39c: {  	[bflag:$0x3] =	sbarrier.arrive $0xFFFF  }
0x39d: {  	_ =	shalt  }

</sc_bundles>
